<compile_context>
chip_gen: v7x
topology: tpu7x:2x2x1
jax: 0.10.2.dev20260603
libtpu: 0.0.44.dev20260713+nightly
codegen_flags: <defaults>
</compile_context>

<pallas_src>
import jax
import jax.numpy as jnp
from jax import lax
from jax.experimental import pallas as pl
from jax.experimental.pallas import tpu as pltpu
from jax.experimental.pallas import tpu_sc as plsc

N_NODES = 10000
N_EDGES = 320000
N_GRAPHS = 16
D_FEAT = 128
D_EDGE = 16
LATENT = 16

NC = 2
NS = 16
NW = NC * NS
LANE = 16

EPW = N_EDGES // NW
STEP = 128
G = 3
NGRP = 26
GROUP_E = G * STEP
TAIL = EPW - NGRP * GROUP_E


def _node_pre_body(x8_ref, wbr_ref, wbs_ref, u_ref, wu_ref, b8_ref, r_ref,
                   m8_ref, prer_ref, pres_ref):
    x8 = x8_ref[...]
    prer_ref[...] = jnp.dot(x8, wbr_ref[...], preferred_element_type=jnp.float32)
    uw = jnp.dot(u_ref[...], wu_ref[...], preferred_element_type=jnp.float32)
    uw8 = jnp.tile(uw, (8, 8)) * m8_ref[...]
    brep = jnp.dot(b8_ref[...].astype(jnp.float32), r_ref[...],
                   preferred_element_type=jnp.float32)
    g16 = (lax.broadcasted_iota(jnp.int32, (1, 128), 1) % 16).astype(jnp.float32)
    oh = (brep == g16).astype(jnp.float32)
    pres_ref[...] = (jnp.dot(x8, wbs_ref[...], preferred_element_type=jnp.float32)
                     + jnp.dot(oh, uw8, preferred_element_type=jnp.float32))


def _node_pre(x8, wbr, wbs, u, wu, b8, r, m8):
    return pl.pallas_call(
        _node_pre_body,
        out_shape=(
            jax.ShapeDtypeStruct((N_NODES // 8, 128), jnp.float32),
            jax.ShapeDtypeStruct((N_NODES // 8, 128), jnp.float32),
        ),
    )(x8, wbr, wbs, u, wu, b8, r, m8)


def _gather_body(prer_hbm, pres_hbm, col_hbm, row_hbm, ghi_hbm, glo_hbm,
                 colv, rowv, bufr0, bufs0, bufr1, bufs1, bufr2, bufs2,
                 buft0, buft1, buft2,
                 semr0, sems0, semr1, sems1, semr2, sems2,
                 semw0, semw1, semw2):
    wid = lax.axis_index("s") * NC + lax.axis_index("c")
    ebase = wid * EPW
    pltpu.sync_copy(col_hbm.at[pl.ds(ebase, EPW)], colv)
    pltpu.sync_copy(row_hbm.at[pl.ds(ebase, EPW)], rowv)
    lane = lax.broadcasted_iota(jnp.int32, (LANE,), 0)

    def fire(g, bufr, bufs, semr, sems):
        for b in range(G):
            o = g * GROUP_E + b * STEP
            d = pl.ds(b * STEP, STEP)
            pltpu.async_copy(prer_hbm.at[colv.at[pl.ds(o, STEP)]],
                             bufr.at[d], semr)
            pltpu.async_copy(pres_hbm.at[rowv.at[pl.ds(o, STEP)]],
                             bufs.at[d], sems)

    def drain_gathers(bufr, bufs, semr, sems):
        pltpu.make_async_copy(prer_hbm.at[pl.ds(0, GROUP_E)], bufr, semr).wait()
        pltpu.make_async_copy(pres_hbm.at[pl.ds(0, GROUP_E)], bufs, sems).wait()

    def transpose(bufr, bufs, buft, n_edges):
        def edge_body(e):
            v = bufr[e, :] + bufs[e, :]
            ecol = jnp.full((LANE,), e, jnp.int32)
            plsc.store_scatter(buft, [lane, ecol], v)
        plsc.parallel_loop(0, n_edges, unroll=8)(edge_body)

    def write(buft, g, semw):
        d = pl.ds(ebase + g * GROUP_E, GROUP_E)
        ds_e = pl.ds(0, GROUP_E)
        pltpu.async_copy(buft.at[pl.ds(0, 8), ds_e], ghi_hbm.at[:, d], semw)
        pltpu.async_copy(buft.at[pl.ds(8, 8), ds_e], glo_hbm.at[:, d], semw)

    def drain_write(buft, semw):
        d = pl.ds(ebase, GROUP_E)
        ds_e = pl.ds(0, GROUP_E)
        pltpu.make_async_copy(buft.at[pl.ds(0, 8), ds_e],
                              ghi_hbm.at[:, d], semw).wait()
        pltpu.make_async_copy(buft.at[pl.ds(8, 8), ds_e],
                              glo_hbm.at[:, d], semw).wait()

    sets = (
        (bufr0, bufs0, buft0, semr0, sems0, semw0),
        (bufr1, bufs1, buft1, semr1, sems1, semw1),
        (bufr2, bufs2, buft2, semr2, sems2, semw2),
    )

    def process(S, g, t):
        bufr, bufs, buft, semr, sems, semw = S
        drain_gathers(bufr, bufs, semr, sems)

        @pl.when(t > 0)
        def _():
            drain_write(buft, semw)

        transpose(bufr, bufs, buft, GROUP_E)
        write(buft, g, semw)

    NROUND = (NGRP - 2) // 3
    fire(0, sets[0][0], sets[0][1], sets[0][3], sets[0][4])
    fire(1, sets[1][0], sets[1][1], sets[1][3], sets[1][4])

    def round_body(t, carry):
        g0 = 3 * t
        for k in range(3):
            S = sets[k]
            if k < 2:
                nxt = sets[(k + 2) % 3]
                fire(g0 + k + 2, nxt[0], nxt[1], nxt[3], nxt[4])
            else:
                @pl.when(t < NROUND - 1)
                def _():
                    nxt = sets[1]
                    fire(g0 + 4, nxt[0], nxt[1], nxt[3], nxt[4])
            process(S, g0 + k, t)
        return carry

    lax.fori_loop(0, NROUND, round_body, 0)
    fire(NGRP - 1, sets[1][0], sets[1][1], sets[1][3], sets[1][4])
    process(sets[0], NGRP - 2, 1)
    process(sets[1], NGRP - 1, 1)
    drain_write(buft0, semw0)
    drain_write(buft1, semw1)
    drain_write(buft2, semw2)

    to = NGRP * GROUP_E
    cpr = pltpu.async_copy(prer_hbm.at[colv.at[pl.ds(to, TAIL)]],
                           bufr2.at[pl.ds(0, TAIL)], semr2)
    cps = pltpu.async_copy(pres_hbm.at[rowv.at[pl.ds(to, TAIL)]],
                           bufs2.at[pl.ds(0, TAIL)], sems2)
    cpr.wait()
    cps.wait()
    transpose(bufr2, bufs2, buft2, TAIL)
    dtl = pl.ds(ebase + to, TAIL)
    dse = pl.ds(0, TAIL)
    pltpu.sync_copy(buft2.at[pl.ds(0, 8), dse], ghi_hbm.at[:, dtl])
    pltpu.sync_copy(buft2.at[pl.ds(8, 8), dse], glo_hbm.at[:, dtl])


def _gather(prer_p, pres_p, col1, row1):
    mesh = plsc.VectorSubcoreMesh(core_axis_name="c", subcore_axis_name="s")
    fn = pl.kernel(
        _gather_body,
        compiler_params=pltpu.CompilerParams(use_tc_tiling_on_sc=False,
                                             needs_layout_passes=False),
        out_type=(
            jax.ShapeDtypeStruct((8, N_EDGES), jnp.float32),
            jax.ShapeDtypeStruct((8, N_EDGES), jnp.float32),
        ),
        mesh=mesh,
        scratch_types=[
            pltpu.VMEM((EPW,), jnp.int32),
            pltpu.VMEM((EPW,), jnp.int32),
            pltpu.VMEM((GROUP_E, LATENT), jnp.float32),
            pltpu.VMEM((GROUP_E, LATENT), jnp.float32),
            pltpu.VMEM((GROUP_E, LATENT), jnp.float32),
            pltpu.VMEM((GROUP_E, LATENT), jnp.float32),
            pltpu.VMEM((GROUP_E, LATENT), jnp.float32),
            pltpu.VMEM((GROUP_E, LATENT), jnp.float32),
            pltpu.VMEM((LATENT, GROUP_E + 1), jnp.float32),
            pltpu.VMEM((LATENT, GROUP_E + 1), jnp.float32),
            pltpu.VMEM((LATENT, GROUP_E + 1), jnp.float32),
            pltpu.SemaphoreType.DMA,
            pltpu.SemaphoreType.DMA,
            pltpu.SemaphoreType.DMA,
            pltpu.SemaphoreType.DMA,
            pltpu.SemaphoreType.DMA,
            pltpu.SemaphoreType.DMA,
            pltpu.SemaphoreType.DMA,
            pltpu.SemaphoreType.DMA,
            pltpu.SemaphoreType.DMA,
        ],
    )
    prer = prer_p.reshape(N_NODES, LATENT)
    pres = pres_p.reshape(N_NODES, LATENT)
    return fn(prer, pres, col1, row1)


_BLK = 32000


def _mlp_body(et_ref, ghi_ref, glo_ref, w1t_ref, w2t_ref, bb_ref, out_ref):
    t = jnp.dot(w1t_ref[...], et_ref[...], preferred_element_type=jnp.float32)
    g = jnp.concatenate([ghi_ref[...], glo_ref[...]], axis=0)
    h = jnp.maximum(t + g + bb_ref[:, 0:1], 0.0)
    h2 = jnp.dot(w2t_ref[...], h, preferred_element_type=jnp.float32) + bb_ref[:, 1:2]
    h2 = jnp.maximum(h2, 0.0)
    mu = jnp.mean(h2, axis=0, keepdims=True)
    d = h2 - mu
    var = jnp.mean(d * d, axis=0, keepdims=True)
    out_ref[...] = d * lax.rsqrt(var + 1e-5) * bb_ref[:, 2:3] + bb_ref[:, 3:4]


def _mlp(et, ghi, glo, w1t, w2t, bb):
    big = pl.BlockSpec((LATENT, _BLK), lambda i: (0, i))
    half = pl.BlockSpec((8, _BLK), lambda i: (0, i))
    return pl.pallas_call(
        _mlp_body,
        grid=(N_EDGES // _BLK,),
        in_specs=[big, half, half,
                  pl.BlockSpec((LATENT, LATENT), lambda i: (0, 0)),
                  pl.BlockSpec((LATENT, LATENT), lambda i: (0, 0)),
                  pl.BlockSpec((LATENT, 4), lambda i: (0, 0))],
        out_specs=big,
        out_shape=jax.ShapeDtypeStruct((LATENT, N_EDGES), jnp.float32),
    )(et, ghi, glo, w1t, w2t, bb)


def kernel(x, e, u, edge_index, batch, W1, b1, W2, b2, gamma, beta):
    f32 = jnp.float32
    eye8 = jnp.eye(8, dtype=f32)
    w_r = W1[D_EDGE:D_EDGE + D_FEAT]
    w_s = W1[D_EDGE + D_FEAT:D_EDGE + 2 * D_FEAT]
    w_u = W1[D_EDGE + 2 * D_FEAT:]
    wbr = jnp.kron(eye8, w_r)
    wbs = jnp.kron(eye8, w_s)
    m8 = jnp.kron(eye8, jnp.ones((16, 16), f32))
    rmat = jnp.kron(eye8, jnp.ones((1, 16), f32))

    x8 = x.reshape(N_NODES // 8, 8 * D_FEAT)
    b8 = batch.reshape(N_NODES // 8, 8)
    prer_p, pres_p = _node_pre(x8, wbr, wbs, u, w_u, b8, rmat, m8)

    ghi, glo = _gather(prer_p, pres_p, edge_index[1], edge_index[0])

    w1t = W1[:D_EDGE].T
    w2t = W2.T
    bb = jnp.stack([b1, b2, gamma, beta], axis=1)

    outt = _mlp(e.T, ghi, glo, w1t, w2t, bb)
    return outt.T

# --- scband reference (transcript-rebuilt; emitter-appended) ---
"""Pipeline reference for scband-edge-model-19078244729180 (READ-ONLY COPY).

The authoritative reference and input builder live on the scoring server;
editing this copy changes nothing except your own understanding.
"""

import jax, jax.numpy as jnp
import numpy as np

N_NODES = 10000
N_EDGES = 320000
N_GRAPHS = 16
D_FEAT = 128
D_EDGE = 16
D_U = 16
LATENT = 16
N_OUT = 16
D_IN = D_EDGE + 2 * D_FEAT + D_U  # edge_attr, receiver, sender, globals


def setup_inputs(seed: int = 0) -> dict:
    key = jax.random.key(seed)
    ks = jax.random.split(key, 12)
    x = jax.random.normal(ks[0], (N_NODES, D_FEAT), dtype=jnp.float32)
    e = jax.random.normal(ks[1], (N_EDGES, D_EDGE), dtype=jnp.float32)
    u = jax.random.normal(ks[2], (N_GRAPHS, D_U), dtype=jnp.float32)
    edge_index = jax.random.randint(ks[3], (2, N_EDGES), 0, N_NODES, dtype=jnp.int32)
    batch = jnp.sort(jax.random.randint(ks[4], (N_NODES,), 0, N_GRAPHS, dtype=jnp.int32))
    # Lazy MLP params: Linear(D_IN->LATENT) -> ReLU -> Linear(LATENT->N_OUT) -> ReLU -> LayerNorm
    W1 = jax.random.normal(ks[5], (D_IN, LATENT), dtype=jnp.float32) * (1.0 / np.sqrt(D_IN))
    b1 = jnp.zeros((LATENT,), dtype=jnp.float32)
    W2 = jax.random.normal(ks[6], (LATENT, N_OUT), dtype=jnp.float32) * (1.0 / np.sqrt(LATENT))
    b2 = jnp.zeros((N_OUT,), dtype=jnp.float32)
    gamma = jnp.ones((N_OUT,), dtype=jnp.float32)
    beta = jnp.zeros((N_OUT,), dtype=jnp.float32)
    return {"x": x, "e": e, "u": u, "edge_index": edge_index, "batch": batch,
            "W1": W1, "b1": b1, "W2": W2, "b2": b2, "gamma": gamma, "beta": beta}


def reference(x, e, u, edge_index, batch, W1, b1, W2, b2, gamma, beta):
    row = edge_index[0]
    col = edge_index[1]
    sender_attr = jnp.take(x, row, axis=0)      # x[row]
    receiver_attr = jnp.take(x, col, axis=0)    # x[col]
    # cast_globals_to_edges: each edge gets the global attr of its graph (via sender node's batch id)
    edge_graph_id = jnp.take(batch, row, axis=0)
    global_scattered = jnp.take(u, edge_graph_id, axis=0)
    attrs = jnp.concatenate([e, receiver_attr, sender_attr, global_scattered], axis=1)
    h = jax.nn.relu(attrs @ W1 + b1)
    h = jax.nn.relu(h @ W2 + b2)
    mean = jnp.mean(h, axis=-1, keepdims=True)
    var = jnp.var(h, axis=-1, keepdims=True)
    out = (h - mean) / jnp.sqrt(var + 1e-5) * gamma + beta
    return out

if __name__ == "__main__":
    import jax
    _d = setup_inputs()
    print(jax.jit(kernel)(*tuple(_d.values())))

</pallas_src>

<mosaic_0001>
#map = affine_map<(d0, d1) -> (0, 0)>
#map1 = affine_map<(d0, d1) -> (0)>
module attributes {stable_mosaic.version = 14 : i64} {
  func.func @_gather_body(%arg0: i32, %arg1: i32, %arg2: memref<10000x16xf32, #tpu.memory_space<hbm>>, %arg3: memref<10000x16xf32, #tpu.memory_space<hbm>>, %arg4: memref<320000xi32, #tpu.memory_space<hbm>>, %arg5: memref<320000xi32, #tpu.memory_space<hbm>>, %arg6: memref<8x320000xf32, #tpu.memory_space<hbm>>, %arg7: memref<8x320000xf32, #tpu.memory_space<hbm>>, %arg8: memref<10000xi32, #tpu.memory_space<vmem>>, %arg9: memref<10000xi32, #tpu.memory_space<vmem>>, %arg10: memref<384x16xf32, #tpu.memory_space<vmem>>, %arg11: memref<384x16xf32, #tpu.memory_space<vmem>>, %arg12: memref<384x16xf32, #tpu.memory_space<vmem>>, %arg13: memref<384x16xf32, #tpu.memory_space<vmem>>, %arg14: memref<384x16xf32, #tpu.memory_space<vmem>>, %arg15: memref<384x16xf32, #tpu.memory_space<vmem>>, %arg16: memref<16x385xf32, #tpu.memory_space<vmem>>, %arg17: memref<16x385xf32, #tpu.memory_space<vmem>>, %arg18: memref<16x385xf32, #tpu.memory_space<vmem>>, %arg19: memref<!tpu.dma_semaphore, #tpu.memory_space<semaphore_mem>>, %arg20: memref<!tpu.dma_semaphore, #tpu.memory_space<semaphore_mem>>, %arg21: memref<!tpu.dma_semaphore, #tpu.memory_space<semaphore_mem>>, %arg22: memref<!tpu.dma_semaphore, #tpu.memory_space<semaphore_mem>>, %arg23: memref<!tpu.dma_semaphore, #tpu.memory_space<semaphore_mem>>, %arg24: memref<!tpu.dma_semaphore, #tpu.memory_space<semaphore_mem>>, %arg25: memref<!tpu.dma_semaphore, #tpu.memory_space<semaphore_mem>>, %arg26: memref<!tpu.dma_semaphore, #tpu.memory_space<semaphore_mem>>, %arg27: memref<!tpu.dma_semaphore, #tpu.memory_space<semaphore_mem>>) attributes {dimension_semantics = [#tpu.dimension_semantics<core_parallel>, #tpu.dimension_semantics<subcore_parallel>], iteration_bounds = array<i64: 2, 16>, scalar_prefetch = 0 : i64, scratch_operands = 20 : i64, tpu.core_type = #tpu.core_type<sc_vector_subcore>, window_params = [{transform_indices = #map}, {transform_indices = #map}, {transform_indices = #map1}, {transform_indices = #map1}, {transform_indices = #map}, {transform_indices = #map}]} {
    %mul3A = arith.constant 2 : i32
    %mul3A_0 = arith.muli %arg1, %mul3A : i32
    %add3A = arith.addi %mul3A_0, %arg0 : i32
    %mul3A_1 = arith.constant 10000 : i32
    %mul3A_2 = arith.muli %add3A, %mul3A_1 : i32
    "tpu.region"() ({
      %run_scoped3A = tpu.sem_alloc : memref<!tpu.dma_semaphore, #tpu.memory_space<semaphore_mem>>
      %dma_start3A_360 = tpu.memref_slice %arg4[%mul3A_2] : memref<320000xi32, #tpu.memory_space<hbm>> -> memref<10000xi32, #tpu.memory_space<hbm>>
      %dma_start3A_361 = tpu.memref_slice %arg4[%mul3A_2] : memref<320000xi32, #tpu.memory_space<hbm>> -> memref<10000xi32, #tpu.memory_space<hbm>>
      tpu.enqueue_dma source(%dma_start3A_361 : memref<10000xi32, #tpu.memory_space<hbm>>) target(%arg8 : memref<10000xi32, #tpu.memory_space<vmem>>) target_semaphore(%run_scoped3A : memref<!tpu.dma_semaphore, #tpu.memory_space<semaphore_mem>>)
      %dma_wait3A_362 = tpu.memref_slice %arg4[%mul3A_2] : memref<320000xi32, #tpu.memory_space<hbm>> -> memref<10000xi32, #tpu.memory_space<hbm>>
      %dma_wait3A_363 = tpu.memref_slice %arg4[%mul3A_2] : memref<320000xi32, #tpu.memory_space<hbm>> -> memref<10000xi32, #tpu.memory_space<hbm>>
      tpu.wait_dma2 semaphore(%run_scoped3A : memref<!tpu.dma_semaphore, #tpu.memory_space<semaphore_mem>>) src(%dma_wait3A_363 : memref<10000xi32, #tpu.memory_space<hbm>>) dst(%arg8 : memref<10000xi32, #tpu.memory_space<vmem>>)
      tpu.yield
    }) : () -> ()
    "tpu.region"() ({
      %run_scoped3A = tpu.sem_alloc : memref<!tpu.dma_semaphore, #tpu.memory_space<semaphore_mem>>
      %dma_start3A_360 = tpu.memref_slice %arg5[%mul3A_2] : memref<320000xi32, #tpu.memory_space<hbm>> -> memref<10000xi32, #tpu.memory_space<hbm>>
      %dma_start3A_361 = tpu.memref_slice %arg5[%mul3A_2] : memref<320000xi32, #tpu.memory_space<hbm>> -> memref<10000xi32, #tpu.memory_space<hbm>>
      tpu.enqueue_dma source(%dma_start3A_361 : memref<10000xi32, #tpu.memory_space<hbm>>) target(%arg9 : memref<10000xi32, #tpu.memory_space<vmem>>) target_semaphore(%run_scoped3A : memref<!tpu.dma_semaphore, #tpu.memory_space<semaphore_mem>>)
      %dma_wait3A_362 = tpu.memref_slice %arg5[%mul3A_2] : memref<320000xi32, #tpu.memory_space<hbm>> -> memref<10000xi32, #tpu.memory_space<hbm>>
      %dma_wait3A_363 = tpu.memref_slice %arg5[%mul3A_2] : memref<320000xi32, #tpu.memory_space<hbm>> -> memref<10000xi32, #tpu.memory_space<hbm>>
      tpu.wait_dma2 semaphore(%run_scoped3A : memref<!tpu.dma_semaphore, #tpu.memory_space<semaphore_mem>>) src(%dma_wait3A_363 : memref<10000xi32, #tpu.memory_space<hbm>>) dst(%arg9 : memref<10000xi32, #tpu.memory_space<vmem>>)
      tpu.yield
    }) : () -> ()
    %iota3A = tpu.iota {dimensions = array<i32: 0>} : vector<16xi32>
    %dma_start3A = arith.constant 0 : i32
    %dma_start3A_3 = arith.constant 0 : i32
    %dma_start3A_4 = tpu.memref_slice %arg10[%dma_start3A, %dma_start3A_3] : memref<384x16xf32, #tpu.memory_space<vmem>> -> memref<128x16xf32, #tpu.memory_space<vmem>>
    %dma_start3A_5 = arith.constant 0 : i32
    %dma_start3A_6 = tpu.memref_slice %arg8[%dma_start3A_5] : memref<10000xi32, #tpu.memory_space<vmem>> -> memref<128xi32, #tpu.memory_space<vmem>>
    %dma_start3A_7 = arith.constant 0 : i32
    %dma_start3A_8 = arith.constant 0 : i32
    %dma_start3A_9 = tpu.memref_slice %arg2[%dma_start3A_7, %dma_start3A_8] : memref<10000x16xf32, #tpu.memory_space<hbm>> -> memref<10000x16xf32, #tpu.memory_space<hbm>>
    tpu.enqueue_indirect_dma source(%dma_start3A_9 : memref<10000x16xf32, #tpu.memory_space<hbm>>) target(%dma_start3A_4 : memref<128x16xf32, #tpu.memory_space<vmem>>) offsets(%dma_start3A_6 : memref<128xi32, #tpu.memory_space<vmem>>) semaphore(%arg19 : memref<!tpu.dma_semaphore, #tpu.memory_space<semaphore_mem>>)
    %dma_start3A_10 = arith.constant 0 : i32
    %dma_start3A_11 = arith.constant 0 : i32
    %dma_start3A_12 = tpu.memref_slice %arg11[%dma_start3A_10, %dma_start3A_11] : memref<384x16xf32, #tpu.memory_space<vmem>> -> memref<128x16xf32, #tpu.memory_space<vmem>>
    %dma_start3A_13 = arith.constant 0 : i32
    %dma_start3A_14 = tpu.memref_slice %arg9[%dma_start3A_13] : memref<10000xi32, #tpu.memory_space<vmem>> -> memref<128xi32, #tpu.memory_space<vmem>>
    %dma_start3A_15 = arith.constant 0 : i32
    %dma_start3A_16 = arith.constant 0 : i32
    %dma_start3A_17 = tpu.memref_slice %arg3[%dma_start3A_15, %dma_start3A_16] : memref<10000x16xf32, #tpu.memory_space<hbm>> -> memref<10000x16xf32, #tpu.memory_space<hbm>>
    tpu.enqueue_indirect_dma source(%dma_start3A_17 : memref<10000x16xf32, #tpu.memory_space<hbm>>) target(%dma_start3A_12 : memref<128x16xf32, #tpu.memory_space<vmem>>) offsets(%dma_start3A_14 : memref<128xi32, #tpu.memory_space<vmem>>) semaphore(%arg20 : memref<!tpu.dma_semaphore, #tpu.memory_space<semaphore_mem>>)
    %dma_start3A_18 = arith.constant 128 : i32
    %dma_start3A_19 = arith.constant 0 : i32
    %dma_start3A_20 = tpu.memref_slice %arg10[%dma_start3A_18, %dma_start3A_19] : memref<384x16xf32, #tpu.memory_space<vmem>> -> memref<128x16xf32, #tpu.memory_space<vmem>>
    %dma_start3A_21 = arith.constant 128 : i32
    %dma_start3A_22 = tpu.memref_slice %arg8[%dma_start3A_21] : memref<10000xi32, #tpu.memory_space<vmem>> -> memref<128xi32, #tpu.memory_space<vmem>>
    %dma_start3A_23 = arith.constant 0 : i32
    %dma_start3A_24 = arith.constant 0 : i32
    %dma_start3A_25 = tpu.memref_slice %arg2[%dma_start3A_23, %dma_start3A_24] : memref<10000x16xf32, #tpu.memory_space<hbm>> -> memref<10000x16xf32, #tpu.memory_space<hbm>>
    tpu.enqueue_indirect_dma source(%dma_start3A_25 : memref<10000x16xf32, #tpu.memory_space<hbm>>) target(%dma_start3A_20 : memref<128x16xf32, #tpu.memory_space<vmem>>) offsets(%dma_start3A_22 : memref<128xi32, #tpu.memory_space<vmem>>) semaphore(%arg19 : memref<!tpu.dma_semaphore, #tpu.memory_space<semaphore_mem>>)
    %dma_start3A_26 = arith.constant 128 : i32
    %dma_start3A_27 = arith.constant 0 : i32
    %dma_start3A_28 = tpu.memref_slice %arg11[%dma_start3A_26, %dma_start3A_27] : memref<384x16xf32, #tpu.memory_space<vmem>> -> memref<128x16xf32, #tpu.memory_space<vmem>>
    %dma_start3A_29 = arith.constant 128 : i32
    %dma_start3A_30 = tpu.memref_slice %arg9[%dma_start3A_29] : memref<10000xi32, #tpu.memory_space<vmem>> -> memref<128xi32, #tpu.memory_space<vmem>>
    %dma_start3A_31 = arith.constant 0 : i32
    %dma_start3A_32 = arith.constant 0 : i32
    %dma_start3A_33 = tpu.memref_slice %arg3[%dma_start3A_31, %dma_start3A_32] : memref<10000x16xf32, #tpu.memory_space<hbm>> -> memref<10000x16xf32, #tpu.memory_space<hbm>>
    tpu.enqueue_indirect_dma source(%dma_start3A_33 : memref<10000x16xf32, #tpu.memory_space<hbm>>) target(%dma_start3A_28 : memref<128x16xf32, #tpu.memory_space<vmem>>) offsets(%dma_start3A_30 : memref<128xi32, #tpu.memory_space<vmem>>) semaphore(%arg20 : memref<!tpu.dma_semaphore, #tpu.memory_space<semaphore_mem>>)
    %dma_start3A_34 = arith.constant 256 : i32
    %dma_start3A_35 = arith.constant 0 : i32
    %dma_start3A_36 = tpu.memref_slice %arg10[%dma_start3A_34, %dma_start3A_35] : memref<384x16xf32, #tpu.memory_space<vmem>> -> memref<128x16xf32, #tpu.memory_space<vmem>>
    %dma_start3A_37 = arith.constant 256 : i32
    %dma_start3A_38 = tpu.memref_slice %arg8[%dma_start3A_37] : memref<10000xi32, #tpu.memory_space<vmem>> -> memref<128xi32, #tpu.memory_space<vmem>>
    %dma_start3A_39 = arith.constant 0 : i32
    %dma_start3A_40 = arith.constant 0 : i32
    %dma_start3A_41 = tpu.memref_slice %arg2[%dma_start3A_39, %dma_start3A_40] : memref<10000x16xf32, #tpu.memory_space<hbm>> -> memref<10000x16xf32, #tpu.memory_space<hbm>>
    tpu.enqueue_indirect_dma source(%dma_start3A_41 : memref<10000x16xf32, #tpu.memory_space<hbm>>) target(%dma_start3A_36 : memref<128x16xf32, #tpu.memory_space<vmem>>) offsets(%dma_start3A_38 : memref<128xi32, #tpu.memory_space<vmem>>) semaphore(%arg19 : memref<!tpu.dma_semaphore, #tpu.memory_space<semaphore_mem>>)
    %dma_start3A_42 = arith.constant 256 : i32
    %dma_start3A_43 = arith.constant 0 : i32
    %dma_start3A_44 = tpu.memref_slice %arg11[%dma_start3A_42, %dma_start3A_43] : memref<384x16xf32, #tpu.memory_space<vmem>> -> memref<128x16xf32, #tpu.memory_space<vmem>>
    %dma_start3A_45 = arith.constant 256 : i32
    %dma_start3A_46 = tpu.memref_slice %arg9[%dma_start3A_45] : memref<10000xi32, #tpu.memory_space<vmem>> -> memref<128xi32, #tpu.memory_space<vmem>>
    %dma_start3A_47 = arith.constant 0 : i32
    %dma_start3A_48 = arith.constant 0 : i32
    %dma_start3A_49 = tpu.memref_slice %arg3[%dma_start3A_47, %dma_start3A_48] : memref<10000x16xf32, #tpu.memory_space<hbm>> -> memref<10000x16xf32, #tpu.memory_space<hbm>>
    tpu.enqueue_indirect_dma source(%dma_start3A_49 : memref<10000x16xf32, #tpu.memory_space<hbm>>) target(%dma_start3A_44 : memref<128x16xf32, #tpu.memory_space<vmem>>) offsets(%dma_start3A_46 : memref<128xi32, #tpu.memory_space<vmem>>) semaphore(%arg20 : memref<!tpu.dma_semaphore, #tpu.memory_space<semaphore_mem>>)
    %dma_start3A_50 = arith.constant 0 : i32
    %dma_start3A_51 = arith.constant 0 : i32
    %dma_start3A_52 = tpu.memref_slice %arg12[%dma_start3A_50, %dma_start3A_51] : memref<384x16xf32, #tpu.memory_space<vmem>> -> memref<128x16xf32, #tpu.memory_space<vmem>>
    %dma_start3A_53 = arith.constant 384 : i32
    %dma_start3A_54 = tpu.memref_slice %arg8[%dma_start3A_53] : memref<10000xi32, #tpu.memory_space<vmem>> -> memref<128xi32, #tpu.memory_space<vmem>>
    %dma_start3A_55 = arith.constant 0 : i32
    %dma_start3A_56 = arith.constant 0 : i32
    %dma_start3A_57 = tpu.memref_slice %arg2[%dma_start3A_55, %dma_start3A_56] : memref<10000x16xf32, #tpu.memory_space<hbm>> -> memref<10000x16xf32, #tpu.memory_space<hbm>>
    tpu.enqueue_indirect_dma source(%dma_start3A_57 : memref<10000x16xf32, #tpu.memory_space<hbm>>) target(%dma_start3A_52 : memref<128x16xf32, #tpu.memory_space<vmem>>) offsets(%dma_start3A_54 : memref<128xi32, #tpu.memory_space<vmem>>) semaphore(%arg21 : memref<!tpu.dma_semaphore, #tpu.memory_space<semaphore_mem>>)
    %dma_start3A_58 = arith.constant 0 : i32
    %dma_start3A_59 = arith.constant 0 : i32
    %dma_start3A_60 = tpu.memref_slice %arg13[%dma_start3A_58, %dma_start3A_59] : memref<384x16xf32, #tpu.memory_space<vmem>> -> memref<128x16xf32, #tpu.memory_space<vmem>>
    %dma_start3A_61 = arith.constant 384 : i32
    %dma_start3A_62 = tpu.memref_slice %arg9[%dma_start3A_61] : memref<10000xi32, #tpu.memory_space<vmem>> -> memref<128xi32, #tpu.memory_space<vmem>>
    %dma_start3A_63 = arith.constant 0 : i32
    %dma_start3A_64 = arith.constant 0 : i32
    %dma_start3A_65 = tpu.memref_slice %arg3[%dma_start3A_63, %dma_start3A_64] : memref<10000x16xf32, #tpu.memory_space<hbm>> -> memref<10000x16xf32, #tpu.memory_space<hbm>>
    tpu.enqueue_indirect_dma source(%dma_start3A_65 : memref<10000x16xf32, #tpu.memory_space<hbm>>) target(%dma_start3A_60 : memref<128x16xf32, #tpu.memory_space<vmem>>) offsets(%dma_start3A_62 : memref<128xi32, #tpu.memory_space<vmem>>) semaphore(%arg22 : memref<!tpu.dma_semaphore, #tpu.memory_space<semaphore_mem>>)
    %dma_start3A_66 = arith.constant 128 : i32
    %dma_start3A_67 = arith.constant 0 : i32
    %dma_start3A_68 = tpu.memref_slice %arg12[%dma_start3A_66, %dma_start3A_67] : memref<384x16xf32, #tpu.memory_space<vmem>> -> memref<128x16xf32, #tpu.memory_space<vmem>>
    %dma_start3A_69 = arith.constant 512 : i32
    %dma_start3A_70 = tpu.memref_slice %arg8[%dma_start3A_69] : memref<10000xi32, #tpu.memory_space<vmem>> -> memref<128xi32, #tpu.memory_space<vmem>>
    %dma_start3A_71 = arith.constant 0 : i32
    %dma_start3A_72 = arith.constant 0 : i32
    %dma_start3A_73 = tpu.memref_slice %arg2[%dma_start3A_71, %dma_start3A_72] : memref<10000x16xf32, #tpu.memory_space<hbm>> -> memref<10000x16xf32, #tpu.memory_space<hbm>>
    tpu.enqueue_indirect_dma source(%dma_start3A_73 : memref<10000x16xf32, #tpu.memory_space<hbm>>) target(%dma_start3A_68 : memref<128x16xf32, #tpu.memory_space<vmem>>) offsets(%dma_start3A_70 : memref<128xi32, #tpu.memory_space<vmem>>) semaphore(%arg21 : memref<!tpu.dma_semaphore, #tpu.memory_space<semaphore_mem>>)
    %dma_start3A_74 = arith.constant 128 : i32
    %dma_start3A_75 = arith.constant 0 : i32
    %dma_start3A_76 = tpu.memref_slice %arg13[%dma_start3A_74, %dma_start3A_75] : memref<384x16xf32, #tpu.memory_space<vmem>> -> memref<128x16xf32, #tpu.memory_space<vmem>>
    %dma_start3A_77 = arith.constant 512 : i32
    %dma_start3A_78 = tpu.memref_slice %arg9[%dma_start3A_77] : memref<10000xi32, #tpu.memory_space<vmem>> -> memref<128xi32, #tpu.memory_space<vmem>>
    %dma_start3A_79 = arith.constant 0 : i32
    %dma_start3A_80 = arith.constant 0 : i32
    %dma_start3A_81 = tpu.memref_slice %arg3[%dma_start3A_79, %dma_start3A_80] : memref<10000x16xf32, #tpu.memory_space<hbm>> -> memref<10000x16xf32, #tpu.memory_space<hbm>>
    tpu.enqueue_indirect_dma source(%dma_start3A_81 : memref<10000x16xf32, #tpu.memory_space<hbm>>) target(%dma_start3A_76 : memref<128x16xf32, #tpu.memory_space<vmem>>) offsets(%dma_start3A_78 : memref<128xi32, #tpu.memory_space<vmem>>) semaphore(%arg22 : memref<!tpu.dma_semaphore, #tpu.memory_space<semaphore_mem>>)
    %dma_start3A_82 = arith.constant 256 : i32
    %dma_start3A_83 = arith.constant 0 : i32
    %dma_start3A_84 = tpu.memref_slice %arg12[%dma_start3A_82, %dma_start3A_83] : memref<384x16xf32, #tpu.memory_space<vmem>> -> memref<128x16xf32, #tpu.memory_space<vmem>>
    %dma_start3A_85 = arith.constant 640 : i32
    %dma_start3A_86 = tpu.memref_slice %arg8[%dma_start3A_85] : memref<10000xi32, #tpu.memory_space<vmem>> -> memref<128xi32, #tpu.memory_space<vmem>>
    %dma_start3A_87 = arith.constant 0 : i32
    %dma_start3A_88 = arith.constant 0 : i32
    %dma_start3A_89 = tpu.memref_slice %arg2[%dma_start3A_87, %dma_start3A_88] : memref<10000x16xf32, #tpu.memory_space<hbm>> -> memref<10000x16xf32, #tpu.memory_space<hbm>>
    tpu.enqueue_indirect_dma source(%dma_start3A_89 : memref<10000x16xf32, #tpu.memory_space<hbm>>) target(%dma_start3A_84 : memref<128x16xf32, #tpu.memory_space<vmem>>) offsets(%dma_start3A_86 : memref<128xi32, #tpu.memory_space<vmem>>) semaphore(%arg21 : memref<!tpu.dma_semaphore, #tpu.memory_space<semaphore_mem>>)
    %dma_start3A_90 = arith.constant 256 : i32
    %dma_start3A_91 = arith.constant 0 : i32
    %dma_start3A_92 = tpu.memref_slice %arg13[%dma_start3A_90, %dma_start3A_91] : memref<384x16xf32, #tpu.memory_space<vmem>> -> memref<128x16xf32, #tpu.memory_space<vmem>>
    %dma_start3A_93 = arith.constant 640 : i32
    %dma_start3A_94 = tpu.memref_slice %arg9[%dma_start3A_93] : memref<10000xi32, #tpu.memory_space<vmem>> -> memref<128xi32, #tpu.memory_space<vmem>>
    %dma_start3A_95 = arith.constant 0 : i32
    %dma_start3A_96 = arith.constant 0 : i32
    %dma_start3A_97 = tpu.memref_slice %arg3[%dma_start3A_95, %dma_start3A_96] : memref<10000x16xf32, #tpu.memory_space<hbm>> -> memref<10000x16xf32, #tpu.memory_space<hbm>>
    tpu.enqueue_indirect_dma source(%dma_start3A_97 : memref<10000x16xf32, #tpu.memory_space<hbm>>) target(%dma_start3A_92 : memref<128x16xf32, #tpu.memory_space<vmem>>) offsets(%dma_start3A_94 : memref<128xi32, #tpu.memory_space<vmem>>) semaphore(%arg22 : memref<!tpu.dma_semaphore, #tpu.memory_space<semaphore_mem>>)
    %scan3A = arith.constant 0 : i32
    %scan3A_98 = arith.constant 0 : i32
    %scan3A_99 = arith.constant 8 : i32
    %scan3A_100 = arith.addi %scan3A_98, %scan3A_99 : i32
    %scan3A_101 = arith.constant 1 : i32
    scf.for %scan3A_360 = %scan3A_98 to %scan3A_100 step %scan3A_101  : i32 {
      %mul3A_361 = arith.constant 3 : i32
      %mul3A_362 = arith.muli %mul3A_361, %scan3A_360 : i32
      %add3A_363 = arith.constant 0 : i32
      %add3A_364 = arith.addi %mul3A_362, %add3A_363 : i32
      %add3A_365 = arith.constant 2 : i32
      %add3A_366 = arith.addi %add3A_364, %add3A_365 : i32
      %mul3A_367 = arith.constant 384 : i32
      %mul3A_368 = arith.muli %add3A_366, %mul3A_367 : i32
      %add3A_369 = arith.constant 0 : i32
      %add3A_370 = arith.addi %mul3A_368, %add3A_369 : i32
      %dma_start3A_371 = arith.constant 0 : i32
      %dma_start3A_372 = arith.constant 0 : i32
      %dma_start3A_373 = tpu.memref_slice %arg14[%dma_start3A_371, %dma_start3A_372] : memref<384x16xf32, #tpu.memory_space<vmem>> -> memref<128x16xf32, #tpu.memory_space<vmem>>
      %dma_start3A_374 = tpu.memref_slice %arg8[%add3A_370] : memref<10000xi32, #tpu.memory_space<vmem>> -> memref<128xi32, #tpu.memory_space<vmem>>
      %dma_start3A_375 = arith.constant 0 : i32
      %dma_start3A_376 = arith.constant 0 : i32
      %dma_start3A_377 = tpu.memref_slice %arg2[%dma_start3A_375, %dma_start3A_376] : memref<10000x16xf32, #tpu.memory_space<hbm>> -> memref<10000x16xf32, #tpu.memory_space<hbm>>
      tpu.enqueue_indirect_dma source(%dma_start3A_377 : memref<10000x16xf32, #tpu.memory_space<hbm>>) target(%dma_start3A_373 : memref<128x16xf32, #tpu.memory_space<vmem>>) offsets(%dma_start3A_374 : memref<128xi32, #tpu.memory_space<vmem>>) semaphore(%arg23 : memref<!tpu.dma_semaphore, #tpu.memory_space<semaphore_mem>>)
      %dma_start3A_378 = arith.constant 0 : i32
      %dma_start3A_379 = arith.constant 0 : i32
      %dma_start3A_380 = tpu.memref_slice %arg15[%dma_start3A_378, %dma_start3A_379] : memref<384x16xf32, #tpu.memory_space<vmem>> -> memref<128x16xf32, #tpu.memory_space<vmem>>
      %dma_start3A_381 = tpu.memref_slice %arg9[%add3A_370] : memref<10000xi32, #tpu.memory_space<vmem>> -> memref<128xi32, #tpu.memory_space<vmem>>
      %dma_start3A_382 = arith.constant 0 : i32
      %dma_start3A_383 = arith.constant 0 : i32
      %dma_start3A_384 = tpu.memref_slice %arg3[%dma_start3A_382, %dma_start3A_383] : memref<10000x16xf32, #tpu.memory_space<hbm>> -> memref<10000x16xf32, #tpu.memory_space<hbm>>
      tpu.enqueue_indirect_dma source(%dma_start3A_384 : memref<10000x16xf32, #tpu.memory_space<hbm>>) target(%dma_start3A_380 : memref<128x16xf32, #tpu.memory_space<vmem>>) offsets(%dma_start3A_381 : memref<128xi32, #tpu.memory_space<vmem>>) semaphore(%arg24 : memref<!tpu.dma_semaphore, #tpu.memory_space<semaphore_mem>>)
      %mul3A_385 = arith.constant 384 : i32
      %mul3A_386 = arith.muli %add3A_366, %mul3A_385 : i32
      %add3A_387 = arith.constant 128 : i32
      %add3A_388 = arith.addi %mul3A_386, %add3A_387 : i32
      %dma_start3A_389 = arith.constant 128 : i32
      %dma_start3A_390 = arith.constant 0 : i32
      %dma_start3A_391 = tpu.memref_slice %arg14[%dma_start3A_389, %dma_start3A_390] : memref<384x16xf32, #tpu.memory_space<vmem>> -> memref<128x16xf32, #tpu.memory_space<vmem>>
      %dma_start3A_392 = tpu.memref_slice %arg8[%add3A_388] : memref<10000xi32, #tpu.memory_space<vmem>> -> memref<128xi32, #tpu.memory_space<vmem>>
      %dma_start3A_393 = arith.constant 0 : i32
      %dma_start3A_394 = arith.constant 0 : i32
      %dma_start3A_395 = tpu.memref_slice %arg2[%dma_start3A_393, %dma_start3A_394] : memref<10000x16xf32, #tpu.memory_space<hbm>> -> memref<10000x16xf32, #tpu.memory_space<hbm>>
      tpu.enqueue_indirect_dma source(%dma_start3A_395 : memref<10000x16xf32, #tpu.memory_space<hbm>>) target(%dma_start3A_391 : memref<128x16xf32, #tpu.memory_space<vmem>>) offsets(%dma_start3A_392 : memref<128xi32, #tpu.memory_space<vmem>>) semaphore(%arg23 : memref<!tpu.dma_semaphore, #tpu.memory_space<semaphore_mem>>)
      %dma_start3A_396 = arith.constant 128 : i32
      %dma_start3A_397 = arith.constant 0 : i32
      %dma_start3A_398 = tpu.memref_slice %arg15[%dma_start3A_396, %dma_start3A_397] : memref<384x16xf32, #tpu.memory_space<vmem>> -> memref<128x16xf32, #tpu.memory_space<vmem>>
      %dma_start3A_399 = tpu.memref_slice %arg9[%add3A_388] : memref<10000xi32, #tpu.memory_space<vmem>> -> memref<128xi32, #tpu.memory_space<vmem>>
      %dma_start3A_400 = arith.constant 0 : i32
      %dma_start3A_401 = arith.constant 0 : i32
      %dma_start3A_402 = tpu.memref_slice %arg3[%dma_start3A_400, %dma_start3A_401] : memref<10000x16xf32, #tpu.memory_space<hbm>> -> memref<10000x16xf32, #tpu.memory_space<hbm>>
      tpu.enqueue_indirect_dma source(%dma_start3A_402 : memref<10000x16xf32, #tpu.memory_space<hbm>>) target(%dma_start3A_398 : memref<128x16xf32, #tpu.memory_space<vmem>>) offsets(%dma_start3A_399 : memref<128xi32, #tpu.memory_space<vmem>>) semaphore(%arg24 : memref<!tpu.dma_semaphore, #tpu.memory_space<semaphore_mem>>)
      %mul3A_403 = arith.constant 384 : i32
      %mul3A_404 = arith.muli %add3A_366, %mul3A_403 : i32
      %add3A_405 = arith.constant 256 : i32
      %add3A_406 = arith.addi %mul3A_404, %add3A_405 : i32
      %dma_start3A_407 = arith.constant 256 : i32
      %dma_start3A_408 = arith.constant 0 : i32
      %dma_start3A_409 = tpu.memref_slice %arg14[%dma_start3A_407, %dma_start3A_408] : memref<384x16xf32, #tpu.memory_space<vmem>> -> memref<128x16xf32, #tpu.memory_space<vmem>>
      %dma_start3A_410 = tpu.memref_slice %arg8[%add3A_406] : memref<10000xi32, #tpu.memory_space<vmem>> -> memref<128xi32, #tpu.memory_space<vmem>>
      %dma_start3A_411 = arith.constant 0 : i32
      %dma_start3A_412 = arith.constant 0 : i32
      %dma_start3A_413 = tpu.memref_slice %arg2[%dma_start3A_411, %dma_start3A_412] : memref<10000x16xf32, #tpu.memory_space<hbm>> -> memref<10000x16xf32, #tpu.memory_space<hbm>>
      tpu.enqueue_indirect_dma source(%dma_start3A_413 : memref<10000x16xf32, #tpu.memory_space<hbm>>) target(%dma_start3A_409 : memref<128x16xf32, #tpu.memory_space<vmem>>) offsets(%dma_start3A_410 : memref<128xi32, #tpu.memory_space<vmem>>) semaphore(%arg23 : memref<!tpu.dma_semaphore, #tpu.memory_space<semaphore_mem>>)
      %dma_start3A_414 = arith.constant 256 : i32
      %dma_start3A_415 = arith.constant 0 : i32
      %dma_start3A_416 = tpu.memref_slice %arg15[%dma_start3A_414, %dma_start3A_415] : memref<384x16xf32, #tpu.memory_space<vmem>> -> memref<128x16xf32, #tpu.memory_space<vmem>>
      %dma_start3A_417 = tpu.memref_slice %arg9[%add3A_406] : memref<10000xi32, #tpu.memory_space<vmem>> -> memref<128xi32, #tpu.memory_space<vmem>>
      %dma_start3A_418 = arith.constant 0 : i32
      %dma_start3A_419 = arith.constant 0 : i32
      %dma_start3A_420 = tpu.memref_slice %arg3[%dma_start3A_418, %dma_start3A_419] : memref<10000x16xf32, #tpu.memory_space<hbm>> -> memref<10000x16xf32, #tpu.memory_space<hbm>>
      tpu.enqueue_indirect_dma source(%dma_start3A_420 : memref<10000x16xf32, #tpu.memory_space<hbm>>) target(%dma_start3A_416 : memref<128x16xf32, #tpu.memory_space<vmem>>) offsets(%dma_start3A_417 : memref<128xi32, #tpu.memory_space<vmem>>) semaphore(%arg24 : memref<!tpu.dma_semaphore, #tpu.memory_space<semaphore_mem>>)
      %add3A_421 = arith.constant 0 : i32
      %add3A_422 = arith.addi %mul3A_362, %add3A_421 : i32
      %dma_wait3A_423 = arith.constant 0 : i32
      %dma_wait3A_424 = arith.constant 0 : i32
      %dma_wait3A_425 = tpu.memref_slice %arg2[%dma_wait3A_423, %dma_wait3A_424] : memref<10000x16xf32, #tpu.memory_space<hbm>> -> memref<384x16xf32, #tpu.memory_space<hbm>>
      %dma_wait3A_426 = arith.constant 0 : i32
      %dma_wait3A_427 = arith.constant 0 : i32
      %dma_wait3A_428 = tpu.memref_slice %arg2[%dma_wait3A_426, %dma_wait3A_427] : memref<10000x16xf32, #tpu.memory_space<hbm>> -> memref<384x16xf32, #tpu.memory_space<hbm>>
      tpu.wait_dma2 semaphore(%arg19 : memref<!tpu.dma_semaphore, #tpu.memory_space<semaphore_mem>>) src(%dma_wait3A_428 : memref<384x16xf32, #tpu.memory_space<hbm>>) dst(%arg10 : memref<384x16xf32, #tpu.memory_space<vmem>>)
      %dma_wait3A_429 = arith.constant 0 : i32
      %dma_wait3A_430 = arith.constant 0 : i32
      %dma_wait3A_431 = tpu.memref_slice %arg3[%dma_wait3A_429, %dma_wait3A_430] : memref<10000x16xf32, #tpu.memory_space<hbm>> -> memref<384x16xf32, #tpu.memory_space<hbm>>
      %dma_wait3A_432 = arith.constant 0 : i32
      %dma_wait3A_433 = arith.constant 0 : i32
      %dma_wait3A_434 = tpu.memref_slice %arg3[%dma_wait3A_432, %dma_wait3A_433] : memref<10000x16xf32, #tpu.memory_space<hbm>> -> memref<384x16xf32, #tpu.memory_space<hbm>>
      tpu.wait_dma2 semaphore(%arg20 : memref<!tpu.dma_semaphore, #tpu.memory_space<semaphore_mem>>) src(%dma_wait3A_434 : memref<384x16xf32, #tpu.memory_space<hbm>>) dst(%arg11 : memref<384x16xf32, #tpu.memory_space<vmem>>)
      %gt3A = arith.constant 0 : i32
      %gt3A_435 = arith.cmpi sgt, %scan3A_360, %gt3A : i32
      %convert_element_type3A = arith.extui %gt3A_435 : i1 to i32
      %cond3A = arith.constant 0 : i32
      %cond3A_436 = arith.cmpi ne, %convert_element_type3A, %cond3A : i32
      scf.if %cond3A_436 {
        %dma_wait3A_615 = arith.constant 0 : i32
        %dma_wait3A_616 = arith.constant 0 : i32
        %dma_wait3A_617 = tpu.memref_slice %arg16[%dma_wait3A_615, %dma_wait3A_616] : memref<16x385xf32, #tpu.memory_space<vmem>> -> memref<8x384xf32, #tpu.memory_space<vmem>>
        %dma_wait3A_618 = arith.constant 0 : i32
        %dma_wait3A_619 = tpu.memref_slice %arg6[%dma_wait3A_618, %mul3A_2] : memref<8x320000xf32, #tpu.memory_space<hbm>> -> memref<8x384xf32, #tpu.memory_space<hbm>>
        %dma_wait3A_620 = arith.constant 0 : i32
        %dma_wait3A_621 = tpu.memref_slice %arg6[%dma_wait3A_620, %mul3A_2] : memref<8x320000xf32, #tpu.memory_space<hbm>> -> memref<8x384xf32, #tpu.memory_space<hbm>>
        %dma_wait3A_622 = arith.constant 0 : i32
        %dma_wait3A_623 = arith.constant 0 : i32
        %dma_wait3A_624 = tpu.memref_slice %arg16[%dma_wait3A_622, %dma_wait3A_623] : memref<16x385xf32, #tpu.memory_space<vmem>> -> memref<8x384xf32, #tpu.memory_space<vmem>>
        tpu.wait_dma2 semaphore(%arg25 : memref<!tpu.dma_semaphore, #tpu.memory_space<semaphore_mem>>) src(%dma_wait3A_624 : memref<8x384xf32, #tpu.memory_space<vmem>>) dst(%dma_wait3A_621 : memref<8x384xf32, #tpu.memory_space<hbm>>)
        %dma_wait3A_625 = arith.constant 8 : i32
        %dma_wait3A_626 = arith.constant 0 : i32
        %dma_wait3A_627 = tpu.memref_slice %arg16[%dma_wait3A_625, %dma_wait3A_626] : memref<16x385xf32, #tpu.memory_space<vmem>> -> memref<8x384xf32, #tpu.memory_space<vmem>>
        %dma_wait3A_628 = arith.constant 0 : i32
        %dma_wait3A_629 = tpu.memref_slice %arg7[%dma_wait3A_628, %mul3A_2] : memref<8x320000xf32, #tpu.memory_space<hbm>> -> memref<8x384xf32, #tpu.memory_space<hbm>>
        %dma_wait3A_630 = arith.constant 0 : i32
        %dma_wait3A_631 = tpu.memref_slice %arg7[%dma_wait3A_630, %mul3A_2] : memref<8x320000xf32, #tpu.memory_space<hbm>> -> memref<8x384xf32, #tpu.memory_space<hbm>>
        %dma_wait3A_632 = arith.constant 8 : i32
        %dma_wait3A_633 = arith.constant 0 : i32
        %dma_wait3A_634 = tpu.memref_slice %arg16[%dma_wait3A_632, %dma_wait3A_633] : memref<16x385xf32, #tpu.memory_space<vmem>> -> memref<8x384xf32, #tpu.memory_space<vmem>>
        tpu.wait_dma2 semaphore(%arg25 : memref<!tpu.dma_semaphore, #tpu.memory_space<semaphore_mem>>) src(%dma_wait3A_634 : memref<8x384xf32, #tpu.memory_space<vmem>>) dst(%dma_wait3A_631 : memref<8x384xf32, #tpu.memory_space<hbm>>)
      } else {
      }
      %parallel_loop3A_437 = arith.constant 0 : i32
      %parallel_loop3A_438 = arith.constant 384 : i32
      %parallel_loop3A_439 = arith.constant 1 : i32
      scf.for %parallel_loop3A_615 = %parallel_loop3A_437 to %parallel_loop3A_438 step %parallel_loop3A_439  : i32 {
        %parallel_loop3A_616 = arith.index_cast %parallel_loop3A_615 : i32 to index
        %parallel_loop3A_617 = arith.constant 0 : index
        %parallel_loop3A_618 = tpu.vector_load %arg10[%parallel_loop3A_616, %parallel_loop3A_617] {strides = array<i32>} : memref<384x16xf32, #tpu.memory_space<vmem>>, vector<16xf32>,
        %parallel_loop3A_619 = arith.index_cast %parallel_loop3A_615 : i32 to index
        %parallel_loop3A_620 = arith.constant 0 : index
        %parallel_loop3A_621 = tpu.vector_load %arg11[%parallel_loop3A_619, %parallel_loop3A_620] {strides = array<i32>} : memref<384x16xf32, #tpu.memory_space<vmem>>, vector<16xf32>,
        %parallel_loop3A_622 = arith.addf %parallel_loop3A_618, %parallel_loop3A_621 : vector<16xf32>
        %parallel_loop3A_623 = vector.broadcast %parallel_loop3A_615 : i32 to vector<16xi32>
        tpu.vector_store_idx %arg16[%iota3A, %parallel_loop3A_623], %parallel_loop3A_622 : memref<16x385xf32, #tpu.memory_space<vmem>>[vector<16xi32>, vector<16xi32>], vector<16xf32>,
      } {sc.loop_unroll_factor = 8 : i64, sc.parallel_access}
      %mul3A_440 = arith.constant 384 : i32
      %mul3A_441 = arith.muli %add3A_422, %mul3A_440 : i32
      %add3A_442 = arith.addi %mul3A_2, %mul3A_441 : i32
      %dma_start3A_443 = arith.constant 0 : i32
      %dma_start3A_444 = arith.constant 0 : i32
      %dma_start3A_445 = tpu.memref_slice %arg16[%dma_start3A_443, %dma_start3A_444] : memref<16x385xf32, #tpu.memory_space<vmem>> -> memref<8x384xf32, #tpu.memory_space<vmem>>
      %dma_start3A_446 = arith.constant 0 : i32
      %dma_start3A_447 = tpu.memref_slice %arg6[%dma_start3A_446, %add3A_442] : memref<8x320000xf32, #tpu.memory_space<hbm>> -> memref<8x384xf32, #tpu.memory_space<hbm>>
      %dma_start3A_448 = arith.constant 0 : i32
      %dma_start3A_449 = tpu.memref_slice %arg6[%dma_start3A_448, %add3A_442] : memref<8x320000xf32, #tpu.memory_space<hbm>> -> memref<8x384xf32, #tpu.memory_space<hbm>>
      %dma_start3A_450 = arith.constant 0 : i32
      %dma_start3A_451 = arith.constant 0 : i32
      %dma_start3A_452 = tpu.memref_slice %arg16[%dma_start3A_450, %dma_start3A_451] : memref<16x385xf32, #tpu.memory_space<vmem>> -> memref<8x384xf32, #tpu.memory_space<vmem>>
      tpu.enqueue_dma source(%dma_start3A_452 : memref<8x384xf32, #tpu.memory_space<vmem>>) target(%dma_start3A_449 : memref<8x384xf32, #tpu.memory_space<hbm>>) target_semaphore(%arg25 : memref<!tpu.dma_semaphore, #tpu.memory_space<semaphore_mem>>)
      %dma_start3A_453 = arith.constant 8 : i32
      %dma_start3A_454 = arith.constant 0 : i32
      %dma_start3A_455 = tpu.memref_slice %arg16[%dma_start3A_453, %dma_start3A_454] : memref<16x385xf32, #tpu.memory_space<vmem>> -> memref<8x384xf32, #tpu.memory_space<vmem>>
      %dma_start3A_456 = arith.constant 0 : i32
      %dma_start3A_457 = tpu.memref_slice %arg7[%dma_start3A_456, %add3A_442] : memref<8x320000xf32, #tpu.memory_space<hbm>> -> memref<8x384xf32, #tpu.memory_space<hbm>>
      %dma_start3A_458 = arith.constant 0 : i32
      %dma_start3A_459 = tpu.memref_slice %arg7[%dma_start3A_458, %add3A_442] : memref<8x320000xf32, #tpu.memory_space<hbm>> -> memref<8x384xf32, #tpu.memory_space<hbm>>
      %dma_start3A_460 = arith.constant 8 : i32
      %dma_start3A_461 = arith.constant 0 : i32
      %dma_start3A_462 = tpu.memref_slice %arg16[%dma_start3A_460, %dma_start3A_461] : memref<16x385xf32, #tpu.memory_space<vmem>> -> memref<8x384xf32, #tpu.memory_space<vmem>>
      tpu.enqueue_dma source(%dma_start3A_462 : memref<8x384xf32, #tpu.memory_space<vmem>>) target(%dma_start3A_459 : memref<8x384xf32, #tpu.memory_space<hbm>>) target_semaphore(%arg25 : memref<!tpu.dma_semaphore, #tpu.memory_space<semaphore_mem>>)
      %add3A_463 = arith.constant 1 : i32
      %add3A_464 = arith.addi %mul3A_362, %add3A_463 : i32
      %add3A_465 = arith.constant 2 : i32
      %add3A_466 = arith.addi %add3A_464, %add3A_465 : i32
      %mul3A_467 = arith.constant 384 : i32
      %mul3A_468 = arith.muli %add3A_466, %mul3A_467 : i32
      %add3A_469 = arith.constant 0 : i32
      %add3A_470 = arith.addi %mul3A_468, %add3A_469 : i32
      %dma_start3A_471 = arith.constant 0 : i32
      %dma_start3A_472 = arith.constant 0 : i32
      %dma_start3A_473 = tpu.memref_slice %arg10[%dma_start3A_471, %dma_start3A_472] : memref<384x16xf32, #tpu.memory_space<vmem>> -> memref<128x16xf32, #tpu.memory_space<vmem>>
      %dma_start3A_474 = tpu.memref_slice %arg8[%add3A_470] : memref<10000xi32, #tpu.memory_space<vmem>> -> memref<128xi32, #tpu.memory_space<vmem>>
      %dma_start3A_475 = arith.constant 0 : i32
      %dma_start3A_476 = arith.constant 0 : i32
      %dma_start3A_477 = tpu.memref_slice %arg2[%dma_start3A_475, %dma_start3A_476] : memref<10000x16xf32, #tpu.memory_space<hbm>> -> memref<10000x16xf32, #tpu.memory_space<hbm>>
      tpu.enqueue_indirect_dma source(%dma_start3A_477 : memref<10000x16xf32, #tpu.memory_space<hbm>>) target(%dma_start3A_473 : memref<128x16xf32, #tpu.memory_space<vmem>>) offsets(%dma_start3A_474 : memref<128xi32, #tpu.memory_space<vmem>>) semaphore(%arg19 : memref<!tpu.dma_semaphore, #tpu.memory_space<semaphore_mem>>)
      %dma_start3A_478 = arith.constant 0 : i32
      %dma_start3A_479 = arith.constant 0 : i32
      %dma_start3A_480 = tpu.memref_slice %arg11[%dma_start3A_478, %dma_start3A_479] : memref<384x16xf32, #tpu.memory_space<vmem>> -> memref<128x16xf32, #tpu.memory_space<vmem>>
      %dma_start3A_481 = tpu.memref_slice %arg9[%add3A_470] : memref<10000xi32, #tpu.memory_space<vmem>> -> memref<128xi32, #tpu.memory_space<vmem>>
      %dma_start3A_482 = arith.constant 0 : i32
      %dma_start3A_483 = arith.constant 0 : i32
      %dma_start3A_484 = tpu.memref_slice %arg3[%dma_start3A_482, %dma_start3A_483] : memref<10000x16xf32, #tpu.memory_space<hbm>> -> memref<10000x16xf32, #tpu.memory_space<hbm>>
      tpu.enqueue_indirect_dma source(%dma_start3A_484 : memref<10000x16xf32, #tpu.memory_space<hbm>>) target(%dma_start3A_480 : memref<128x16xf32, #tpu.memory_space<vmem>>) offsets(%dma_start3A_481 : memref<128xi32, #tpu.memory_space<vmem>>) semaphore(%arg20 : memref<!tpu.dma_semaphore, #tpu.memory_space<semaphore_mem>>)
      %mul3A_485 = arith.constant 384 : i32
      %mul3A_486 = arith.muli %add3A_466, %mul3A_485 : i32
      %add3A_487 = arith.constant 128 : i32
      %add3A_488 = arith.addi %mul3A_486, %add3A_487 : i32
      %dma_start3A_489 = arith.constant 128 : i32
      %dma_start3A_490 = arith.constant 0 : i32
      %dma_start3A_491 = tpu.memref_slice %arg10[%dma_start3A_489, %dma_start3A_490] : memref<384x16xf32, #tpu.memory_space<vmem>> -> memref<128x16xf32, #tpu.memory_space<vmem>>
      %dma_start3A_492 = tpu.memref_slice %arg8[%add3A_488] : memref<10000xi32, #tpu.memory_space<vmem>> -> memref<128xi32, #tpu.memory_space<vmem>>
      %dma_start3A_493 = arith.constant 0 : i32
      %dma_start3A_494 = arith.constant 0 : i32
      %dma_start3A_495 = tpu.memref_slice %arg2[%dma_start3A_493, %dma_start3A_494] : memref<10000x16xf32, #tpu.memory_space<hbm>> -> memref<10000x16xf32, #tpu.memory_space<hbm>>
      tpu.enqueue_indirect_dma source(%dma_start3A_495 : memref<10000x16xf32, #tpu.memory_space<hbm>>) target(%dma_start3A_491 : memref<128x16xf32, #tpu.memory_space<vmem>>) offsets(%dma_start3A_492 : memref<128xi32, #tpu.memory_space<vmem>>) semaphore(%arg19 : memref<!tpu.dma_semaphore, #tpu.memory_space<semaphore_mem>>)
      %dma_start3A_496 = arith.constant 128 : i32
      %dma_start3A_497 = arith.constant 0 : i32
      %dma_start3A_498 = tpu.memref_slice %arg11[%dma_start3A_496, %dma_start3A_497] : memref<384x16xf32, #tpu.memory_space<vmem>> -> memref<128x16xf32, #tpu.memory_space<vmem>>
      %dma_start3A_499 = tpu.memref_slice %arg9[%add3A_488] : memref<10000xi32, #tpu.memory_space<vmem>> -> memref<128xi32, #tpu.memory_space<vmem>>
      %dma_start3A_500 = arith.constant 0 : i32
      %dma_start3A_501 = arith.constant 0 : i32
      %dma_start3A_502 = tpu.memref_slice %arg3[%dma_start3A_500, %dma_start3A_501] : memref<10000x16xf32, #tpu.memory_space<hbm>> -> memref<10000x16xf32, #tpu.memory_space<hbm>>
      tpu.enqueue_indirect_dma source(%dma_start3A_502 : memref<10000x16xf32, #tpu.memory_space<hbm>>) target(%dma_start3A_498 : memref<128x16xf32, #tpu.memory_space<vmem>>) offsets(%dma_start3A_499 : memref<128xi32, #tpu.memory_space<vmem>>) semaphore(%arg20 : memref<!tpu.dma_semaphore, #tpu.memory_space<semaphore_mem>>)
      %mul3A_503 = arith.constant 384 : i32
      %mul3A_504 = arith.muli %add3A_466, %mul3A_503 : i32
      %add3A_505 = arith.constant 256 : i32
      %add3A_506 = arith.addi %mul3A_504, %add3A_505 : i32
      %dma_start3A_507 = arith.constant 256 : i32
      %dma_start3A_508 = arith.constant 0 : i32
      %dma_start3A_509 = tpu.memref_slice %arg10[%dma_start3A_507, %dma_start3A_508] : memref<384x16xf32, #tpu.memory_space<vmem>> -> memref<128x16xf32, #tpu.memory_space<vmem>>
      %dma_start3A_510 = tpu.memref_slice %arg8[%add3A_506] : memref<10000xi32, #tpu.memory_space<vmem>> -> memref<128xi32, #tpu.memory_space<vmem>>
      %dma_start3A_511 = arith.constant 0 : i32
      %dma_start3A_512 = arith.constant 0 : i32
      %dma_start3A_513 = tpu.memref_slice %arg2[%dma_start3A_511, %dma_start3A_512] : memref<10000x16xf32, #tpu.memory_space<hbm>> -> memref<10000x16xf32, #tpu.memory_space<hbm>>
      tpu.enqueue_indirect_dma source(%dma_start3A_513 : memref<10000x16xf32, #tpu.memory_space<hbm>>) target(%dma_start3A_509 : memref<128x16xf32, #tpu.memory_space<vmem>>) offsets(%dma_start3A_510 : memref<128xi32, #tpu.memory_space<vmem>>) semaphore(%arg19 : memref<!tpu.dma_semaphore, #tpu.memory_space<semaphore_mem>>)
      %dma_start3A_514 = arith.constant 256 : i32
      %dma_start3A_515 = arith.constant 0 : i32
      %dma_start3A_516 = tpu.memref_slice %arg11[%dma_start3A_514, %dma_start3A_515] : memref<384x16xf32, #tpu.memory_space<vmem>> -> memref<128x16xf32, #tpu.memory_space<vmem>>
      %dma_start3A_517 = tpu.memref_slice %arg9[%add3A_506] : memref<10000xi32, #tpu.memory_space<vmem>> -> memref<128xi32, #tpu.memory_space<vmem>>
      %dma_start3A_518 = arith.constant 0 : i32
      %dma_start3A_519 = arith.constant 0 : i32
      %dma_start3A_520 = tpu.memref_slice %arg3[%dma_start3A_518, %dma_start3A_519] : memref<10000x16xf32, #tpu.memory_space<hbm>> -> memref<10000x16xf32, #tpu.memory_space<hbm>>
      tpu.enqueue_indirect_dma source(%dma_start3A_520 : memref<10000x16xf32, #tpu.memory_space<hbm>>) target(%dma_start3A_516 : memref<128x16xf32, #tpu.memory_space<vmem>>) offsets(%dma_start3A_517 : memref<128xi32, #tpu.memory_space<vmem>>) semaphore(%arg20 : memref<!tpu.dma_semaphore, #tpu.memory_space<semaphore_mem>>)
      %add3A_521 = arith.constant 1 : i32
      %add3A_522 = arith.addi %mul3A_362, %add3A_521 : i32
      %dma_wait3A_523 = arith.constant 0 : i32
      %dma_wait3A_524 = arith.constant 0 : i32
      %dma_wait3A_525 = tpu.memref_slice %arg2[%dma_wait3A_523, %dma_wait3A_524] : memref<10000x16xf32, #tpu.memory_space<hbm>> -> memref<384x16xf32, #tpu.memory_space<hbm>>
      %dma_wait3A_526 = arith.constant 0 : i32
      %dma_wait3A_527 = arith.constant 0 : i32
      %dma_wait3A_528 = tpu.memref_slice %arg2[%dma_wait3A_526, %dma_wait3A_527] : memref<10000x16xf32, #tpu.memory_space<hbm>> -> memref<384x16xf32, #tpu.memory_space<hbm>>
      tpu.wait_dma2 semaphore(%arg21 : memref<!tpu.dma_semaphore, #tpu.memory_space<semaphore_mem>>) src(%dma_wait3A_528 : memref<384x16xf32, #tpu.memory_space<hbm>>) dst(%arg12 : memref<384x16xf32, #tpu.memory_space<vmem>>)
      %dma_wait3A_529 = arith.constant 0 : i32
      %dma_wait3A_530 = arith.constant 0 : i32
      %dma_wait3A_531 = tpu.memref_slice %arg3[%dma_wait3A_529, %dma_wait3A_530] : memref<10000x16xf32, #tpu.memory_space<hbm>> -> memref<384x16xf32, #tpu.memory_space<hbm>>
      %dma_wait3A_532 = arith.constant 0 : i32
      %dma_wait3A_533 = arith.constant 0 : i32
      %dma_wait3A_534 = tpu.memref_slice %arg3[%dma_wait3A_532, %dma_wait3A_533] : memref<10000x16xf32, #tpu.memory_space<hbm>> -> memref<384x16xf32, #tpu.memory_space<hbm>>
      tpu.wait_dma2 semaphore(%arg22 : memref<!tpu.dma_semaphore, #tpu.memory_space<semaphore_mem>>) src(%dma_wait3A_534 : memref<384x16xf32, #tpu.memory_space<hbm>>) dst(%arg13 : memref<384x16xf32, #tpu.memory_space<vmem>>)
      %gt3A_535 = arith.constant 0 : i32
      %gt3A_536 = arith.cmpi sgt, %scan3A_360, %gt3A_535 : i32
      %convert_element_type3A_537 = arith.extui %gt3A_536 : i1 to i32
      %cond3A_538 = arith.constant 0 : i32
      %cond3A_539 = arith.cmpi ne, %convert_element_type3A_537, %cond3A_538 : i32
      scf.if %cond3A_539 {
        %dma_wait3A_615 = arith.constant 0 : i32
        %dma_wait3A_616 = arith.constant 0 : i32
        %dma_wait3A_617 = tpu.memref_slice %arg17[%dma_wait3A_615, %dma_wait3A_616] : memref<16x385xf32, #tpu.memory_space<vmem>> -> memref<8x384xf32, #tpu.memory_space<vmem>>
        %dma_wait3A_618 = arith.constant 0 : i32
        %dma_wait3A_619 = tpu.memref_slice %arg6[%dma_wait3A_618, %mul3A_2] : memref<8x320000xf32, #tpu.memory_space<hbm>> -> memref<8x384xf32, #tpu.memory_space<hbm>>
        %dma_wait3A_620 = arith.constant 0 : i32
        %dma_wait3A_621 = tpu.memref_slice %arg6[%dma_wait3A_620, %mul3A_2] : memref<8x320000xf32, #tpu.memory_space<hbm>> -> memref<8x384xf32, #tpu.memory_space<hbm>>
        %dma_wait3A_622 = arith.constant 0 : i32
        %dma_wait3A_623 = arith.constant 0 : i32
        %dma_wait3A_624 = tpu.memref_slice %arg17[%dma_wait3A_622, %dma_wait3A_623] : memref<16x385xf32, #tpu.memory_space<vmem>> -> memref<8x384xf32, #tpu.memory_space<vmem>>
        tpu.wait_dma2 semaphore(%arg26 : memref<!tpu.dma_semaphore, #tpu.memory_space<semaphore_mem>>) src(%dma_wait3A_624 : memref<8x384xf32, #tpu.memory_space<vmem>>) dst(%dma_wait3A_621 : memref<8x384xf32, #tpu.memory_space<hbm>>)
        %dma_wait3A_625 = arith.constant 8 : i32
        %dma_wait3A_626 = arith.constant 0 : i32
        %dma_wait3A_627 = tpu.memref_slice %arg17[%dma_wait3A_625, %dma_wait3A_626] : memref<16x385xf32, #tpu.memory_space<vmem>> -> memref<8x384xf32, #tpu.memory_space<vmem>>
        %dma_wait3A_628 = arith.constant 0 : i32
        %dma_wait3A_629 = tpu.memref_slice %arg7[%dma_wait3A_628, %mul3A_2] : memref<8x320000xf32, #tpu.memory_space<hbm>> -> memref<8x384xf32, #tpu.memory_space<hbm>>
        %dma_wait3A_630 = arith.constant 0 : i32
        %dma_wait3A_631 = tpu.memref_slice %arg7[%dma_wait3A_630, %mul3A_2] : memref<8x320000xf32, #tpu.memory_space<hbm>> -> memref<8x384xf32, #tpu.memory_space<hbm>>
        %dma_wait3A_632 = arith.constant 8 : i32
        %dma_wait3A_633 = arith.constant 0 : i32
        %dma_wait3A_634 = tpu.memref_slice %arg17[%dma_wait3A_632, %dma_wait3A_633] : memref<16x385xf32, #tpu.memory_space<vmem>> -> memref<8x384xf32, #tpu.memory_space<vmem>>
        tpu.wait_dma2 semaphore(%arg26 : memref<!tpu.dma_semaphore, #tpu.memory_space<semaphore_mem>>) src(%dma_wait3A_634 : memref<8x384xf32, #tpu.memory_space<vmem>>) dst(%dma_wait3A_631 : memref<8x384xf32, #tpu.memory_space<hbm>>)
      } else {
      }
      %parallel_loop3A_540 = arith.constant 0 : i32
      %parallel_loop3A_541 = arith.constant 384 : i32
      %parallel_loop3A_542 = arith.constant 1 : i32
      scf.for %parallel_loop3A_615 = %parallel_loop3A_540 to %parallel_loop3A_541 step %parallel_loop3A_542  : i32 {
        %parallel_loop3A_616 = arith.index_cast %parallel_loop3A_615 : i32 to index
        %parallel_loop3A_617 = arith.constant 0 : index
        %parallel_loop3A_618 = tpu.vector_load %arg12[%parallel_loop3A_616, %parallel_loop3A_617] {strides = array<i32>} : memref<384x16xf32, #tpu.memory_space<vmem>>, vector<16xf32>,
        %parallel_loop3A_619 = arith.index_cast %parallel_loop3A_615 : i32 to index
        %parallel_loop3A_620 = arith.constant 0 : index
        %parallel_loop3A_621 = tpu.vector_load %arg13[%parallel_loop3A_619, %parallel_loop3A_620] {strides = array<i32>} : memref<384x16xf32, #tpu.memory_space<vmem>>, vector<16xf32>,
        %parallel_loop3A_622 = arith.addf %parallel_loop3A_618, %parallel_loop3A_621 : vector<16xf32>
        %parallel_loop3A_623 = vector.broadcast %parallel_loop3A_615 : i32 to vector<16xi32>
        tpu.vector_store_idx %arg17[%iota3A, %parallel_loop3A_623], %parallel_loop3A_622 : memref<16x385xf32, #tpu.memory_space<vmem>>[vector<16xi32>, vector<16xi32>], vector<16xf32>,
      } {sc.loop_unroll_factor = 8 : i64, sc.parallel_access}
      %mul3A_543 = arith.constant 384 : i32
      %mul3A_544 = arith.muli %add3A_522, %mul3A_543 : i32
      %add3A_545 = arith.addi %mul3A_2, %mul3A_544 : i32
      %dma_start3A_546 = arith.constant 0 : i32
      %dma_start3A_547 = arith.constant 0 : i32
      %dma_start3A_548 = tpu.memref_slice %arg17[%dma_start3A_546, %dma_start3A_547] : memref<16x385xf32, #tpu.memory_space<vmem>> -> memref<8x384xf32, #tpu.memory_space<vmem>>
      %dma_start3A_549 = arith.constant 0 : i32
      %dma_start3A_550 = tpu.memref_slice %arg6[%dma_start3A_549, %add3A_545] : memref<8x320000xf32, #tpu.memory_space<hbm>> -> memref<8x384xf32, #tpu.memory_space<hbm>>
      %dma_start3A_551 = arith.constant 0 : i32
      %dma_start3A_552 = tpu.memref_slice %arg6[%dma_start3A_551, %add3A_545] : memref<8x320000xf32, #tpu.memory_space<hbm>> -> memref<8x384xf32, #tpu.memory_space<hbm>>
      %dma_start3A_553 = arith.constant 0 : i32
      %dma_start3A_554 = arith.constant 0 : i32
      %dma_start3A_555 = tpu.memref_slice %arg17[%dma_start3A_553, %dma_start3A_554] : memref<16x385xf32, #tpu.memory_space<vmem>> -> memref<8x384xf32, #tpu.memory_space<vmem>>
      tpu.enqueue_dma source(%dma_start3A_555 : memref<8x384xf32, #tpu.memory_space<vmem>>) target(%dma_start3A_552 : memref<8x384xf32, #tpu.memory_space<hbm>>) target_semaphore(%arg26 : memref<!tpu.dma_semaphore, #tpu.memory_space<semaphore_mem>>)
      %dma_start3A_556 = arith.constant 8 : i32
      %dma_start3A_557 = arith.constant 0 : i32
      %dma_start3A_558 = tpu.memref_slice %arg17[%dma_start3A_556, %dma_start3A_557] : memref<16x385xf32, #tpu.memory_space<vmem>> -> memref<8x384xf32, #tpu.memory_space<vmem>>
      %dma_start3A_559 = arith.constant 0 : i32
      %dma_start3A_560 = tpu.memref_slice %arg7[%dma_start3A_559, %add3A_545] : memref<8x320000xf32, #tpu.memory_space<hbm>> -> memref<8x384xf32, #tpu.memory_space<hbm>>
      %dma_start3A_561 = arith.constant 0 : i32
      %dma_start3A_562 = tpu.memref_slice %arg7[%dma_start3A_561, %add3A_545] : memref<8x320000xf32, #tpu.memory_space<hbm>> -> memref<8x384xf32, #tpu.memory_space<hbm>>
      %dma_start3A_563 = arith.constant 8 : i32
      %dma_start3A_564 = arith.constant 0 : i32
      %dma_start3A_565 = tpu.memref_slice %arg17[%dma_start3A_563, %dma_start3A_564] : memref<16x385xf32, #tpu.memory_space<vmem>> -> memref<8x384xf32, #tpu.memory_space<vmem>>
      tpu.enqueue_dma source(%dma_start3A_565 : memref<8x384xf32, #tpu.memory_space<vmem>>) target(%dma_start3A_562 : memref<8x384xf32, #tpu.memory_space<hbm>>) target_semaphore(%arg26 : memref<!tpu.dma_semaphore, #tpu.memory_space<semaphore_mem>>)
      %lt3A = arith.constant 7 : i32
      %lt3A_566 = arith.cmpi slt, %scan3A_360, %lt3A : i32
      %convert_element_type3A_567 = arith.extui %lt3A_566 : i1 to i32
      %cond3A_568 = arith.constant 0 : i32
      %cond3A_569 = arith.cmpi ne, %convert_element_type3A_567, %cond3A_568 : i32
      scf.if %cond3A_569 {
        %add3A_615 = arith.constant 4 : i32
        %add3A_616 = arith.addi %mul3A_362, %add3A_615 : i32
        %mul3A_617 = arith.constant 384 : i32
        %mul3A_618 = arith.muli %add3A_616, %mul3A_617 : i32
        %add3A_619 = arith.constant 0 : i32
        %add3A_620 = arith.addi %mul3A_618, %add3A_619 : i32
        %dma_start3A_621 = arith.constant 0 : i32
        %dma_start3A_622 = arith.constant 0 : i32
        %dma_start3A_623 = tpu.memref_slice %arg12[%dma_start3A_621, %dma_start3A_622] : memref<384x16xf32, #tpu.memory_space<vmem>> -> memref<128x16xf32, #tpu.memory_space<vmem>>
        %dma_start3A_624 = tpu.memref_slice %arg8[%add3A_620] : memref<10000xi32, #tpu.memory_space<vmem>> -> memref<128xi32, #tpu.memory_space<vmem>>
        %dma_start3A_625 = arith.constant 0 : i32
        %dma_start3A_626 = arith.constant 0 : i32
        %dma_start3A_627 = tpu.memref_slice %arg2[%dma_start3A_625, %dma_start3A_626] : memref<10000x16xf32, #tpu.memory_space<hbm>> -> memref<10000x16xf32, #tpu.memory_space<hbm>>
        tpu.enqueue_indirect_dma source(%dma_start3A_627 : memref<10000x16xf32, #tpu.memory_space<hbm>>) target(%dma_start3A_623 : memref<128x16xf32, #tpu.memory_space<vmem>>) offsets(%dma_start3A_624 : memref<128xi32, #tpu.memory_space<vmem>>) semaphore(%arg21 : memref<!tpu.dma_semaphore, #tpu.memory_space<semaphore_mem>>)
        %dma_start3A_628 = arith.constant 0 : i32
        %dma_start3A_629 = arith.constant 0 : i32
        %dma_start3A_630 = tpu.memref_slice %arg13[%dma_start3A_628, %dma_start3A_629] : memref<384x16xf32, #tpu.memory_space<vmem>> -> memref<128x16xf32, #tpu.memory_space<vmem>>
        %dma_start3A_631 = tpu.memref_slice %arg9[%add3A_620] : memref<10000xi32, #tpu.memory_space<vmem>> -> memref<128xi32, #tpu.memory_space<vmem>>
        %dma_start3A_632 = arith.constant 0 : i32
        %dma_start3A_633 = arith.constant 0 : i32
        %dma_start3A_634 = tpu.memref_slice %arg3[%dma_start3A_632, %dma_start3A_633] : memref<10000x16xf32, #tpu.memory_space<hbm>> -> memref<10000x16xf32, #tpu.memory_space<hbm>>
        tpu.enqueue_indirect_dma source(%dma_start3A_634 : memref<10000x16xf32, #tpu.memory_space<hbm>>) target(%dma_start3A_630 : memref<128x16xf32, #tpu.memory_space<vmem>>) offsets(%dma_start3A_631 : memref<128xi32, #tpu.memory_space<vmem>>) semaphore(%arg22 : memref<!tpu.dma_semaphore, #tpu.memory_space<semaphore_mem>>)
        %mul3A_635 = arith.constant 384 : i32
        %mul3A_636 = arith.muli %add3A_616, %mul3A_635 : i32
        %add3A_637 = arith.constant 128 : i32
        %add3A_638 = arith.addi %mul3A_636, %add3A_637 : i32
        %dma_start3A_639 = arith.constant 128 : i32
        %dma_start3A_640 = arith.constant 0 : i32
        %dma_start3A_641 = tpu.memref_slice %arg12[%dma_start3A_639, %dma_start3A_640] : memref<384x16xf32, #tpu.memory_space<vmem>> -> memref<128x16xf32, #tpu.memory_space<vmem>>
        %dma_start3A_642 = tpu.memref_slice %arg8[%add3A_638] : memref<10000xi32, #tpu.memory_space<vmem>> -> memref<128xi32, #tpu.memory_space<vmem>>
        %dma_start3A_643 = arith.constant 0 : i32
        %dma_start3A_644 = arith.constant 0 : i32
        %dma_start3A_645 = tpu.memref_slice %arg2[%dma_start3A_643, %dma_start3A_644] : memref<10000x16xf32, #tpu.memory_space<hbm>> -> memref<10000x16xf32, #tpu.memory_space<hbm>>
        tpu.enqueue_indirect_dma source(%dma_start3A_645 : memref<10000x16xf32, #tpu.memory_space<hbm>>) target(%dma_start3A_641 : memref<128x16xf32, #tpu.memory_space<vmem>>) offsets(%dma_start3A_642 : memref<128xi32, #tpu.memory_space<vmem>>) semaphore(%arg21 : memref<!tpu.dma_semaphore, #tpu.memory_space<semaphore_mem>>)
        %dma_start3A_646 = arith.constant 128 : i32
        %dma_start3A_647 = arith.constant 0 : i32
        %dma_start3A_648 = tpu.memref_slice %arg13[%dma_start3A_646, %dma_start3A_647] : memref<384x16xf32, #tpu.memory_space<vmem>> -> memref<128x16xf32, #tpu.memory_space<vmem>>
        %dma_start3A_649 = tpu.memref_slice %arg9[%add3A_638] : memref<10000xi32, #tpu.memory_space<vmem>> -> memref<128xi32, #tpu.memory_space<vmem>>
        %dma_start3A_650 = arith.constant 0 : i32
        %dma_start3A_651 = arith.constant 0 : i32
        %dma_start3A_652 = tpu.memref_slice %arg3[%dma_start3A_650, %dma_start3A_651] : memref<10000x16xf32, #tpu.memory_space<hbm>> -> memref<10000x16xf32, #tpu.memory_space<hbm>>
        tpu.enqueue_indirect_dma source(%dma_start3A_652 : memref<10000x16xf32, #tpu.memory_space<hbm>>) target(%dma_start3A_648 : memref<128x16xf32, #tpu.memory_space<vmem>>) offsets(%dma_start3A_649 : memref<128xi32, #tpu.memory_space<vmem>>) semaphore(%arg22 : memref<!tpu.dma_semaphore, #tpu.memory_space<semaphore_mem>>)
        %mul3A_653 = arith.constant 384 : i32
        %mul3A_654 = arith.muli %add3A_616, %mul3A_653 : i32
        %add3A_655 = arith.constant 256 : i32
        %add3A_656 = arith.addi %mul3A_654, %add3A_655 : i32
        %dma_start3A_657 = arith.constant 256 : i32
        %dma_start3A_658 = arith.constant 0 : i32
        %dma_start3A_659 = tpu.memref_slice %arg12[%dma_start3A_657, %dma_start3A_658] : memref<384x16xf32, #tpu.memory_space<vmem>> -> memref<128x16xf32, #tpu.memory_space<vmem>>
        %dma_start3A_660 = tpu.memref_slice %arg8[%add3A_656] : memref<10000xi32, #tpu.memory_space<vmem>> -> memref<128xi32, #tpu.memory_space<vmem>>
        %dma_start3A_661 = arith.constant 0 : i32
        %dma_start3A_662 = arith.constant 0 : i32
        %dma_start3A_663 = tpu.memref_slice %arg2[%dma_start3A_661, %dma_start3A_662] : memref<10000x16xf32, #tpu.memory_space<hbm>> -> memref<10000x16xf32, #tpu.memory_space<hbm>>
        tpu.enqueue_indirect_dma source(%dma_start3A_663 : memref<10000x16xf32, #tpu.memory_space<hbm>>) target(%dma_start3A_659 : memref<128x16xf32, #tpu.memory_space<vmem>>) offsets(%dma_start3A_660 : memref<128xi32, #tpu.memory_space<vmem>>) semaphore(%arg21 : memref<!tpu.dma_semaphore, #tpu.memory_space<semaphore_mem>>)
        %dma_start3A_664 = arith.constant 256 : i32
        %dma_start3A_665 = arith.constant 0 : i32
        %dma_start3A_666 = tpu.memref_slice %arg13[%dma_start3A_664, %dma_start3A_665] : memref<384x16xf32, #tpu.memory_space<vmem>> -> memref<128x16xf32, #tpu.memory_space<vmem>>
        %dma_start3A_667 = tpu.memref_slice %arg9[%add3A_656] : memref<10000xi32, #tpu.memory_space<vmem>> -> memref<128xi32, #tpu.memory_space<vmem>>
        %dma_start3A_668 = arith.constant 0 : i32
        %dma_start3A_669 = arith.constant 0 : i32
        %dma_start3A_670 = tpu.memref_slice %arg3[%dma_start3A_668, %dma_start3A_669] : memref<10000x16xf32, #tpu.memory_space<hbm>> -> memref<10000x16xf32, #tpu.memory_space<hbm>>
        tpu.enqueue_indirect_dma source(%dma_start3A_670 : memref<10000x16xf32, #tpu.memory_space<hbm>>) target(%dma_start3A_666 : memref<128x16xf32, #tpu.memory_space<vmem>>) offsets(%dma_start3A_667 : memref<128xi32, #tpu.memory_space<vmem>>) semaphore(%arg22 : memref<!tpu.dma_semaphore, #tpu.memory_space<semaphore_mem>>)
      } else {
      }
      %add3A_570 = arith.constant 2 : i32
      %add3A_571 = arith.addi %mul3A_362, %add3A_570 : i32
      %dma_wait3A_572 = arith.constant 0 : i32
      %dma_wait3A_573 = arith.constant 0 : i32
      %dma_wait3A_574 = tpu.memref_slice %arg2[%dma_wait3A_572, %dma_wait3A_573] : memref<10000x16xf32, #tpu.memory_space<hbm>> -> memref<384x16xf32, #tpu.memory_space<hbm>>
      %dma_wait3A_575 = arith.constant 0 : i32
      %dma_wait3A_576 = arith.constant 0 : i32
      %dma_wait3A_577 = tpu.memref_slice %arg2[%dma_wait3A_575, %dma_wait3A_576] : memref<10000x16xf32, #tpu.memory_space<hbm>> -> memref<384x16xf32, #tpu.memory_space<hbm>>
      tpu.wait_dma2 semaphore(%arg23 : memref<!tpu.dma_semaphore, #tpu.memory_space<semaphore_mem>>) src(%dma_wait3A_577 : memref<384x16xf32, #tpu.memory_space<hbm>>) dst(%arg14 : memref<384x16xf32, #tpu.memory_space<vmem>>)
      %dma_wait3A_578 = arith.constant 0 : i32
      %dma_wait3A_579 = arith.constant 0 : i32
      %dma_wait3A_580 = tpu.memref_slice %arg3[%dma_wait3A_578, %dma_wait3A_579] : memref<10000x16xf32, #tpu.memory_space<hbm>> -> memref<384x16xf32, #tpu.memory_space<hbm>>
      %dma_wait3A_581 = arith.constant 0 : i32
      %dma_wait3A_582 = arith.constant 0 : i32
      %dma_wait3A_583 = tpu.memref_slice %arg3[%dma_wait3A_581, %dma_wait3A_582] : memref<10000x16xf32, #tpu.memory_space<hbm>> -> memref<384x16xf32, #tpu.memory_space<hbm>>
      tpu.wait_dma2 semaphore(%arg24 : memref<!tpu.dma_semaphore, #tpu.memory_space<semaphore_mem>>) src(%dma_wait3A_583 : memref<384x16xf32, #tpu.memory_space<hbm>>) dst(%arg15 : memref<384x16xf32, #tpu.memory_space<vmem>>)
      %gt3A_584 = arith.constant 0 : i32
      %gt3A_585 = arith.cmpi sgt, %scan3A_360, %gt3A_584 : i32
      %convert_element_type3A_586 = arith.extui %gt3A_585 : i1 to i32
      %cond3A_587 = arith.constant 0 : i32
      %cond3A_588 = arith.cmpi ne, %convert_element_type3A_586, %cond3A_587 : i32
      scf.if %cond3A_588 {
        %dma_wait3A_615 = arith.constant 0 : i32
        %dma_wait3A_616 = arith.constant 0 : i32
        %dma_wait3A_617 = tpu.memref_slice %arg18[%dma_wait3A_615, %dma_wait3A_616] : memref<16x385xf32, #tpu.memory_space<vmem>> -> memref<8x384xf32, #tpu.memory_space<vmem>>
        %dma_wait3A_618 = arith.constant 0 : i32
        %dma_wait3A_619 = tpu.memref_slice %arg6[%dma_wait3A_618, %mul3A_2] : memref<8x320000xf32, #tpu.memory_space<hbm>> -> memref<8x384xf32, #tpu.memory_space<hbm>>
        %dma_wait3A_620 = arith.constant 0 : i32
        %dma_wait3A_621 = tpu.memref_slice %arg6[%dma_wait3A_620, %mul3A_2] : memref<8x320000xf32, #tpu.memory_space<hbm>> -> memref<8x384xf32, #tpu.memory_space<hbm>>
        %dma_wait3A_622 = arith.constant 0 : i32
        %dma_wait3A_623 = arith.constant 0 : i32
        %dma_wait3A_624 = tpu.memref_slice %arg18[%dma_wait3A_622, %dma_wait3A_623] : memref<16x385xf32, #tpu.memory_space<vmem>> -> memref<8x384xf32, #tpu.memory_space<vmem>>
        tpu.wait_dma2 semaphore(%arg27 : memref<!tpu.dma_semaphore, #tpu.memory_space<semaphore_mem>>) src(%dma_wait3A_624 : memref<8x384xf32, #tpu.memory_space<vmem>>) dst(%dma_wait3A_621 : memref<8x384xf32, #tpu.memory_space<hbm>>)
        %dma_wait3A_625 = arith.constant 8 : i32
        %dma_wait3A_626 = arith.constant 0 : i32
        %dma_wait3A_627 = tpu.memref_slice %arg18[%dma_wait3A_625, %dma_wait3A_626] : memref<16x385xf32, #tpu.memory_space<vmem>> -> memref<8x384xf32, #tpu.memory_space<vmem>>
        %dma_wait3A_628 = arith.constant 0 : i32
        %dma_wait3A_629 = tpu.memref_slice %arg7[%dma_wait3A_628, %mul3A_2] : memref<8x320000xf32, #tpu.memory_space<hbm>> -> memref<8x384xf32, #tpu.memory_space<hbm>>
        %dma_wait3A_630 = arith.constant 0 : i32
        %dma_wait3A_631 = tpu.memref_slice %arg7[%dma_wait3A_630, %mul3A_2] : memref<8x320000xf32, #tpu.memory_space<hbm>> -> memref<8x384xf32, #tpu.memory_space<hbm>>
        %dma_wait3A_632 = arith.constant 8 : i32
        %dma_wait3A_633 = arith.constant 0 : i32
        %dma_wait3A_634 = tpu.memref_slice %arg18[%dma_wait3A_632, %dma_wait3A_633] : memref<16x385xf32, #tpu.memory_space<vmem>> -> memref<8x384xf32, #tpu.memory_space<vmem>>
        tpu.wait_dma2 semaphore(%arg27 : memref<!tpu.dma_semaphore, #tpu.memory_space<semaphore_mem>>) src(%dma_wait3A_634 : memref<8x384xf32, #tpu.memory_space<vmem>>) dst(%dma_wait3A_631 : memref<8x384xf32, #tpu.memory_space<hbm>>)
      } else {
      }
      %parallel_loop3A_589 = arith.constant 0 : i32
      %parallel_loop3A_590 = arith.constant 384 : i32
      %parallel_loop3A_591 = arith.constant 1 : i32
      scf.for %parallel_loop3A_615 = %parallel_loop3A_589 to %parallel_loop3A_590 step %parallel_loop3A_591  : i32 {
        %parallel_loop3A_616 = arith.index_cast %parallel_loop3A_615 : i32 to index
        %parallel_loop3A_617 = arith.constant 0 : index
        %parallel_loop3A_618 = tpu.vector_load %arg14[%parallel_loop3A_616, %parallel_loop3A_617] {strides = array<i32>} : memref<384x16xf32, #tpu.memory_space<vmem>>, vector<16xf32>,
        %parallel_loop3A_619 = arith.index_cast %parallel_loop3A_615 : i32 to index
        %parallel_loop3A_620 = arith.constant 0 : index
        %parallel_loop3A_621 = tpu.vector_load %arg15[%parallel_loop3A_619, %parallel_loop3A_620] {strides = array<i32>} : memref<384x16xf32, #tpu.memory_space<vmem>>, vector<16xf32>,
        %parallel_loop3A_622 = arith.addf %parallel_loop3A_618, %parallel_loop3A_621 : vector<16xf32>
        %parallel_loop3A_623 = vector.broadcast %parallel_loop3A_615 : i32 to vector<16xi32>
        tpu.vector_store_idx %arg18[%iota3A, %parallel_loop3A_623], %parallel_loop3A_622 : memref<16x385xf32, #tpu.memory_space<vmem>>[vector<16xi32>, vector<16xi32>], vector<16xf32>,
      } {sc.loop_unroll_factor = 8 : i64, sc.parallel_access}
      %mul3A_592 = arith.constant 384 : i32
      %mul3A_593 = arith.muli %add3A_571, %mul3A_592 : i32
      %add3A_594 = arith.addi %mul3A_2, %mul3A_593 : i32
      %dma_start3A_595 = arith.constant 0 : i32
      %dma_start3A_596 = arith.constant 0 : i32
      %dma_start3A_597 = tpu.memref_slice %arg18[%dma_start3A_595, %dma_start3A_596] : memref<16x385xf32, #tpu.memory_space<vmem>> -> memref<8x384xf32, #tpu.memory_space<vmem>>
      %dma_start3A_598 = arith.constant 0 : i32
      %dma_start3A_599 = tpu.memref_slice %arg6[%dma_start3A_598, %add3A_594] : memref<8x320000xf32, #tpu.memory_space<hbm>> -> memref<8x384xf32, #tpu.memory_space<hbm>>
      %dma_start3A_600 = arith.constant 0 : i32
      %dma_start3A_601 = tpu.memref_slice %arg6[%dma_start3A_600, %add3A_594] : memref<8x320000xf32, #tpu.memory_space<hbm>> -> memref<8x384xf32, #tpu.memory_space<hbm>>
      %dma_start3A_602 = arith.constant 0 : i32
      %dma_start3A_603 = arith.constant 0 : i32
      %dma_start3A_604 = tpu.memref_slice %arg18[%dma_start3A_602, %dma_start3A_603] : memref<16x385xf32, #tpu.memory_space<vmem>> -> memref<8x384xf32, #tpu.memory_space<vmem>>
      tpu.enqueue_dma source(%dma_start3A_604 : memref<8x384xf32, #tpu.memory_space<vmem>>) target(%dma_start3A_601 : memref<8x384xf32, #tpu.memory_space<hbm>>) target_semaphore(%arg27 : memref<!tpu.dma_semaphore, #tpu.memory_space<semaphore_mem>>)
      %dma_start3A_605 = arith.constant 8 : i32
      %dma_start3A_606 = arith.constant 0 : i32
      %dma_start3A_607 = tpu.memref_slice %arg18[%dma_start3A_605, %dma_start3A_606] : memref<16x385xf32, #tpu.memory_space<vmem>> -> memref<8x384xf32, #tpu.memory_space<vmem>>
      %dma_start3A_608 = arith.constant 0 : i32
      %dma_start3A_609 = tpu.memref_slice %arg7[%dma_start3A_608, %add3A_594] : memref<8x320000xf32, #tpu.memory_space<hbm>> -> memref<8x384xf32, #tpu.memory_space<hbm>>
      %dma_start3A_610 = arith.constant 0 : i32
      %dma_start3A_611 = tpu.memref_slice %arg7[%dma_start3A_610, %add3A_594] : memref<8x320000xf32, #tpu.memory_space<hbm>> -> memref<8x384xf32, #tpu.memory_space<hbm>>
      %dma_start3A_612 = arith.constant 8 : i32
      %dma_start3A_613 = arith.constant 0 : i32
      %dma_start3A_614 = tpu.memref_slice %arg18[%dma_start3A_612, %dma_start3A_613] : memref<16x385xf32, #tpu.memory_space<vmem>> -> memref<8x384xf32, #tpu.memory_space<vmem>>
      tpu.enqueue_dma source(%dma_start3A_614 : memref<8x384xf32, #tpu.memory_space<vmem>>) target(%dma_start3A_611 : memref<8x384xf32, #tpu.memory_space<hbm>>) target_semaphore(%arg27 : memref<!tpu.dma_semaphore, #tpu.memory_space<semaphore_mem>>)
    }
    %scan3A_102 = arith.constant 8 : i32
    %dma_start3A_103 = arith.constant 0 : i32
    %dma_start3A_104 = arith.constant 0 : i32
    %dma_start3A_105 = tpu.memref_slice %arg12[%dma_start3A_103, %dma_start3A_104] : memref<384x16xf32, #tpu.memory_space<vmem>> -> memref<128x16xf32, #tpu.memory_space<vmem>>
    %dma_start3A_106 = arith.constant 9600 : i32
    %dma_start3A_107 = tpu.memref_slice %arg8[%dma_start3A_106] : memref<10000xi32, #tpu.memory_space<vmem>> -> memref<128xi32, #tpu.memory_space<vmem>>
    %dma_start3A_108 = arith.constant 0 : i32
    %dma_start3A_109 = arith.constant 0 : i32
    %dma_start3A_110 = tpu.memref_slice %arg2[%dma_start3A_108, %dma_start3A_109] : memref<10000x16xf32, #tpu.memory_space<hbm>> -> memref<10000x16xf32, #tpu.memory_space<hbm>>
    tpu.enqueue_indirect_dma source(%dma_start3A_110 : memref<10000x16xf32, #tpu.memory_space<hbm>>) target(%dma_start3A_105 : memref<128x16xf32, #tpu.memory_space<vmem>>) offsets(%dma_start3A_107 : memref<128xi32, #tpu.memory_space<vmem>>) semaphore(%arg21 : memref<!tpu.dma_semaphore, #tpu.memory_space<semaphore_mem>>)
    %dma_start3A_111 = arith.constant 0 : i32
    %dma_start3A_112 = arith.constant 0 : i32
    %dma_start3A_113 = tpu.memref_slice %arg13[%dma_start3A_111, %dma_start3A_112] : memref<384x16xf32, #tpu.memory_space<vmem>> -> memref<128x16xf32, #tpu.memory_space<vmem>>
    %dma_start3A_114 = arith.constant 9600 : i32
    %dma_start3A_115 = tpu.memref_slice %arg9[%dma_start3A_114] : memref<10000xi32, #tpu.memory_space<vmem>> -> memref<128xi32, #tpu.memory_space<vmem>>
    %dma_start3A_116 = arith.constant 0 : i32
    %dma_start3A_117 = arith.constant 0 : i32
    %dma_start3A_118 = tpu.memref_slice %arg3[%dma_start3A_116, %dma_start3A_117] : memref<10000x16xf32, #tpu.memory_space<hbm>> -> memref<10000x16xf32, #tpu.memory_space<hbm>>
    tpu.enqueue_indirect_dma source(%dma_start3A_118 : memref<10000x16xf32, #tpu.memory_space<hbm>>) target(%dma_start3A_113 : memref<128x16xf32, #tpu.memory_space<vmem>>) offsets(%dma_start3A_115 : memref<128xi32, #tpu.memory_space<vmem>>) semaphore(%arg22 : memref<!tpu.dma_semaphore, #tpu.memory_space<semaphore_mem>>)
    %dma_start3A_119 = arith.constant 128 : i32
    %dma_start3A_120 = arith.constant 0 : i32
    %dma_start3A_121 = tpu.memref_slice %arg12[%dma_start3A_119, %dma_start3A_120] : memref<384x16xf32, #tpu.memory_space<vmem>> -> memref<128x16xf32, #tpu.memory_space<vmem>>
    %dma_start3A_122 = arith.constant 9728 : i32
    %dma_start3A_123 = tpu.memref_slice %arg8[%dma_start3A_122] : memref<10000xi32, #tpu.memory_space<vmem>> -> memref<128xi32, #tpu.memory_space<vmem>>
    %dma_start3A_124 = arith.constant 0 : i32
    %dma_start3A_125 = arith.constant 0 : i32
    %dma_start3A_126 = tpu.memref_slice %arg2[%dma_start3A_124, %dma_start3A_125] : memref<10000x16xf32, #tpu.memory_space<hbm>> -> memref<10000x16xf32, #tpu.memory_space<hbm>>
    tpu.enqueue_indirect_dma source(%dma_start3A_126 : memref<10000x16xf32, #tpu.memory_space<hbm>>) target(%dma_start3A_121 : memref<128x16xf32, #tpu.memory_space<vmem>>) offsets(%dma_start3A_123 : memref<128xi32, #tpu.memory_space<vmem>>) semaphore(%arg21 : memref<!tpu.dma_semaphore, #tpu.memory_space<semaphore_mem>>)
    %dma_start3A_127 = arith.constant 128 : i32
    %dma_start3A_128 = arith.constant 0 : i32
    %dma_start3A_129 = tpu.memref_slice %arg13[%dma_start3A_127, %dma_start3A_128] : memref<384x16xf32, #tpu.memory_space<vmem>> -> memref<128x16xf32, #tpu.memory_space<vmem>>
    %dma_start3A_130 = arith.constant 9728 : i32
    %dma_start3A_131 = tpu.memref_slice %arg9[%dma_start3A_130] : memref<10000xi32, #tpu.memory_space<vmem>> -> memref<128xi32, #tpu.memory_space<vmem>>
    %dma_start3A_132 = arith.constant 0 : i32
    %dma_start3A_133 = arith.constant 0 : i32
    %dma_start3A_134 = tpu.memref_slice %arg3[%dma_start3A_132, %dma_start3A_133] : memref<10000x16xf32, #tpu.memory_space<hbm>> -> memref<10000x16xf32, #tpu.memory_space<hbm>>
    tpu.enqueue_indirect_dma source(%dma_start3A_134 : memref<10000x16xf32, #tpu.memory_space<hbm>>) target(%dma_start3A_129 : memref<128x16xf32, #tpu.memory_space<vmem>>) offsets(%dma_start3A_131 : memref<128xi32, #tpu.memory_space<vmem>>) semaphore(%arg22 : memref<!tpu.dma_semaphore, #tpu.memory_space<semaphore_mem>>)
    %dma_start3A_135 = arith.constant 256 : i32
    %dma_start3A_136 = arith.constant 0 : i32
    %dma_start3A_137 = tpu.memref_slice %arg12[%dma_start3A_135, %dma_start3A_136] : memref<384x16xf32, #tpu.memory_space<vmem>> -> memref<128x16xf32, #tpu.memory_space<vmem>>
    %dma_start3A_138 = arith.constant 9856 : i32
    %dma_start3A_139 = tpu.memref_slice %arg8[%dma_start3A_138] : memref<10000xi32, #tpu.memory_space<vmem>> -> memref<128xi32, #tpu.memory_space<vmem>>
    %dma_start3A_140 = arith.constant 0 : i32
    %dma_start3A_141 = arith.constant 0 : i32
    %dma_start3A_142 = tpu.memref_slice %arg2[%dma_start3A_140, %dma_start3A_141] : memref<10000x16xf32, #tpu.memory_space<hbm>> -> memref<10000x16xf32, #tpu.memory_space<hbm>>
    tpu.enqueue_indirect_dma source(%dma_start3A_142 : memref<10000x16xf32, #tpu.memory_space<hbm>>) target(%dma_start3A_137 : memref<128x16xf32, #tpu.memory_space<vmem>>) offsets(%dma_start3A_139 : memref<128xi32, #tpu.memory_space<vmem>>) semaphore(%arg21 : memref<!tpu.dma_semaphore, #tpu.memory_space<semaphore_mem>>)
    %dma_start3A_143 = arith.constant 256 : i32
    %dma_start3A_144 = arith.constant 0 : i32
    %dma_start3A_145 = tpu.memref_slice %arg13[%dma_start3A_143, %dma_start3A_144] : memref<384x16xf32, #tpu.memory_space<vmem>> -> memref<128x16xf32, #tpu.memory_space<vmem>>
    %dma_start3A_146 = arith.constant 9856 : i32
    %dma_start3A_147 = tpu.memref_slice %arg9[%dma_start3A_146] : memref<10000xi32, #tpu.memory_space<vmem>> -> memref<128xi32, #tpu.memory_space<vmem>>
    %dma_start3A_148 = arith.constant 0 : i32
    %dma_start3A_149 = arith.constant 0 : i32
    %dma_start3A_150 = tpu.memref_slice %arg3[%dma_start3A_148, %dma_start3A_149] : memref<10000x16xf32, #tpu.memory_space<hbm>> -> memref<10000x16xf32, #tpu.memory_space<hbm>>
    tpu.enqueue_indirect_dma source(%dma_start3A_150 : memref<10000x16xf32, #tpu.memory_space<hbm>>) target(%dma_start3A_145 : memref<128x16xf32, #tpu.memory_space<vmem>>) offsets(%dma_start3A_147 : memref<128xi32, #tpu.memory_space<vmem>>) semaphore(%arg22 : memref<!tpu.dma_semaphore, #tpu.memory_space<semaphore_mem>>)
    %dma_wait3A = arith.constant 0 : i32
    %dma_wait3A_151 = arith.constant 0 : i32
    %dma_wait3A_152 = tpu.memref_slice %arg2[%dma_wait3A, %dma_wait3A_151] : memref<10000x16xf32, #tpu.memory_space<hbm>> -> memref<384x16xf32, #tpu.memory_space<hbm>>
    %dma_wait3A_153 = arith.constant 0 : i32
    %dma_wait3A_154 = arith.constant 0 : i32
    %dma_wait3A_155 = tpu.memref_slice %arg2[%dma_wait3A_153, %dma_wait3A_154] : memref<10000x16xf32, #tpu.memory_space<hbm>> -> memref<384x16xf32, #tpu.memory_space<hbm>>
    tpu.wait_dma2 semaphore(%arg19 : memref<!tpu.dma_semaphore, #tpu.memory_space<semaphore_mem>>) src(%dma_wait3A_155 : memref<384x16xf32, #tpu.memory_space<hbm>>) dst(%arg10 : memref<384x16xf32, #tpu.memory_space<vmem>>)
    %dma_wait3A_156 = arith.constant 0 : i32
    %dma_wait3A_157 = arith.constant 0 : i32
    %dma_wait3A_158 = tpu.memref_slice %arg3[%dma_wait3A_156, %dma_wait3A_157] : memref<10000x16xf32, #tpu.memory_space<hbm>> -> memref<384x16xf32, #tpu.memory_space<hbm>>
    %dma_wait3A_159 = arith.constant 0 : i32
    %dma_wait3A_160 = arith.constant 0 : i32
    %dma_wait3A_161 = tpu.memref_slice %arg3[%dma_wait3A_159, %dma_wait3A_160] : memref<10000x16xf32, #tpu.memory_space<hbm>> -> memref<384x16xf32, #tpu.memory_space<hbm>>
    tpu.wait_dma2 semaphore(%arg20 : memref<!tpu.dma_semaphore, #tpu.memory_space<semaphore_mem>>) src(%dma_wait3A_161 : memref<384x16xf32, #tpu.memory_space<hbm>>) dst(%arg11 : memref<384x16xf32, #tpu.memory_space<vmem>>)
    %dma_wait3A_162 = arith.constant 0 : i32
    %dma_wait3A_163 = arith.constant 0 : i32
    %dma_wait3A_164 = tpu.memref_slice %arg16[%dma_wait3A_162, %dma_wait3A_163] : memref<16x385xf32, #tpu.memory_space<vmem>> -> memref<8x384xf32, #tpu.memory_space<vmem>>
    %dma_wait3A_165 = arith.constant 0 : i32
    %dma_wait3A_166 = tpu.memref_slice %arg6[%dma_wait3A_165, %mul3A_2] : memref<8x320000xf32, #tpu.memory_space<hbm>> -> memref<8x384xf32, #tpu.memory_space<hbm>>
    %dma_wait3A_167 = arith.constant 0 : i32
    %dma_wait3A_168 = tpu.memref_slice %arg6[%dma_wait3A_167, %mul3A_2] : memref<8x320000xf32, #tpu.memory_space<hbm>> -> memref<8x384xf32, #tpu.memory_space<hbm>>
    %dma_wait3A_169 = arith.constant 0 : i32
    %dma_wait3A_170 = arith.constant 0 : i32
    %dma_wait3A_171 = tpu.memref_slice %arg16[%dma_wait3A_169, %dma_wait3A_170] : memref<16x385xf32, #tpu.memory_space<vmem>> -> memref<8x384xf32, #tpu.memory_space<vmem>>
    tpu.wait_dma2 semaphore(%arg25 : memref<!tpu.dma_semaphore, #tpu.memory_space<semaphore_mem>>) src(%dma_wait3A_171 : memref<8x384xf32, #tpu.memory_space<vmem>>) dst(%dma_wait3A_168 : memref<8x384xf32, #tpu.memory_space<hbm>>)
    %dma_wait3A_172 = arith.constant 8 : i32
    %dma_wait3A_173 = arith.constant 0 : i32
    %dma_wait3A_174 = tpu.memref_slice %arg16[%dma_wait3A_172, %dma_wait3A_173] : memref<16x385xf32, #tpu.memory_space<vmem>> -> memref<8x384xf32, #tpu.memory_space<vmem>>
    %dma_wait3A_175 = arith.constant 0 : i32
    %dma_wait3A_176 = tpu.memref_slice %arg7[%dma_wait3A_175, %mul3A_2] : memref<8x320000xf32, #tpu.memory_space<hbm>> -> memref<8x384xf32, #tpu.memory_space<hbm>>
    %dma_wait3A_177 = arith.constant 0 : i32
    %dma_wait3A_178 = tpu.memref_slice %arg7[%dma_wait3A_177, %mul3A_2] : memref<8x320000xf32, #tpu.memory_space<hbm>> -> memref<8x384xf32, #tpu.memory_space<hbm>>
    %dma_wait3A_179 = arith.constant 8 : i32
    %dma_wait3A_180 = arith.constant 0 : i32
    %dma_wait3A_181 = tpu.memref_slice %arg16[%dma_wait3A_179, %dma_wait3A_180] : memref<16x385xf32, #tpu.memory_space<vmem>> -> memref<8x384xf32, #tpu.memory_space<vmem>>
    tpu.wait_dma2 semaphore(%arg25 : memref<!tpu.dma_semaphore, #tpu.memory_space<semaphore_mem>>) src(%dma_wait3A_181 : memref<8x384xf32, #tpu.memory_space<vmem>>) dst(%dma_wait3A_178 : memref<8x384xf32, #tpu.memory_space<hbm>>)
    %parallel_loop3A = arith.constant 0 : i32
    %parallel_loop3A_182 = arith.constant 384 : i32
    %parallel_loop3A_183 = arith.constant 1 : i32
    scf.for %parallel_loop3A_360 = %parallel_loop3A to %parallel_loop3A_182 step %parallel_loop3A_183  : i32 {
      %parallel_loop3A_361 = arith.index_cast %parallel_loop3A_360 : i32 to index
      %parallel_loop3A_362 = arith.constant 0 : index
      %parallel_loop3A_363 = tpu.vector_load %arg10[%parallel_loop3A_361, %parallel_loop3A_362] {strides = array<i32>} : memref<384x16xf32, #tpu.memory_space<vmem>>, vector<16xf32>,
      %parallel_loop3A_364 = arith.index_cast %parallel_loop3A_360 : i32 to index
      %parallel_loop3A_365 = arith.constant 0 : index
      %parallel_loop3A_366 = tpu.vector_load %arg11[%parallel_loop3A_364, %parallel_loop3A_365] {strides = array<i32>} : memref<384x16xf32, #tpu.memory_space<vmem>>, vector<16xf32>,
      %parallel_loop3A_367 = arith.addf %parallel_loop3A_363, %parallel_loop3A_366 : vector<16xf32>
      %parallel_loop3A_368 = vector.broadcast %parallel_loop3A_360 : i32 to vector<16xi32>
      tpu.vector_store_idx %arg16[%iota3A, %parallel_loop3A_368], %parallel_loop3A_367 : memref<16x385xf32, #tpu.memory_space<vmem>>[vector<16xi32>, vector<16xi32>], vector<16xf32>,
    } {sc.loop_unroll_factor = 8 : i64, sc.parallel_access}
    %add3A_184 = arith.constant 9216 : i32
    %add3A_185 = arith.addi %mul3A_2, %add3A_184 : i32
    %dma_start3A_186 = arith.constant 0 : i32
    %dma_start3A_187 = arith.constant 0 : i32
    %dma_start3A_188 = tpu.memref_slice %arg16[%dma_start3A_186, %dma_start3A_187] : memref<16x385xf32, #tpu.memory_space<vmem>> -> memref<8x384xf32, #tpu.memory_space<vmem>>
    %dma_start3A_189 = arith.constant 0 : i32
    %dma_start3A_190 = tpu.memref_slice %arg6[%dma_start3A_189, %add3A_185] : memref<8x320000xf32, #tpu.memory_space<hbm>> -> memref<8x384xf32, #tpu.memory_space<hbm>>
    %dma_start3A_191 = arith.constant 0 : i32
    %dma_start3A_192 = tpu.memref_slice %arg6[%dma_start3A_191, %add3A_185] : memref<8x320000xf32, #tpu.memory_space<hbm>> -> memref<8x384xf32, #tpu.memory_space<hbm>>
    %dma_start3A_193 = arith.constant 0 : i32
    %dma_start3A_194 = arith.constant 0 : i32
    %dma_start3A_195 = tpu.memref_slice %arg16[%dma_start3A_193, %dma_start3A_194] : memref<16x385xf32, #tpu.memory_space<vmem>> -> memref<8x384xf32, #tpu.memory_space<vmem>>
    tpu.enqueue_dma source(%dma_start3A_195 : memref<8x384xf32, #tpu.memory_space<vmem>>) target(%dma_start3A_192 : memref<8x384xf32, #tpu.memory_space<hbm>>) target_semaphore(%arg25 : memref<!tpu.dma_semaphore, #tpu.memory_space<semaphore_mem>>)
    %dma_start3A_196 = arith.constant 8 : i32
    %dma_start3A_197 = arith.constant 0 : i32
    %dma_start3A_198 = tpu.memref_slice %arg16[%dma_start3A_196, %dma_start3A_197] : memref<16x385xf32, #tpu.memory_space<vmem>> -> memref<8x384xf32, #tpu.memory_space<vmem>>
    %dma_start3A_199 = arith.constant 0 : i32
    %dma_start3A_200 = tpu.memref_slice %arg7[%dma_start3A_199, %add3A_185] : memref<8x320000xf32, #tpu.memory_space<hbm>> -> memref<8x384xf32, #tpu.memory_space<hbm>>
    %dma_start3A_201 = arith.constant 0 : i32
    %dma_start3A_202 = tpu.memref_slice %arg7[%dma_start3A_201, %add3A_185] : memref<8x320000xf32, #tpu.memory_space<hbm>> -> memref<8x384xf32, #tpu.memory_space<hbm>>
    %dma_start3A_203 = arith.constant 8 : i32
    %dma_start3A_204 = arith.constant 0 : i32
    %dma_start3A_205 = tpu.memref_slice %arg16[%dma_start3A_203, %dma_start3A_204] : memref<16x385xf32, #tpu.memory_space<vmem>> -> memref<8x384xf32, #tpu.memory_space<vmem>>
    tpu.enqueue_dma source(%dma_start3A_205 : memref<8x384xf32, #tpu.memory_space<vmem>>) target(%dma_start3A_202 : memref<8x384xf32, #tpu.memory_space<hbm>>) target_semaphore(%arg25 : memref<!tpu.dma_semaphore, #tpu.memory_space<semaphore_mem>>)
    %dma_wait3A_206 = arith.constant 0 : i32
    %dma_wait3A_207 = arith.constant 0 : i32
    %dma_wait3A_208 = tpu.memref_slice %arg2[%dma_wait3A_206, %dma_wait3A_207] : memref<10000x16xf32, #tpu.memory_space<hbm>> -> memref<384x16xf32, #tpu.memory_space<hbm>>
    %dma_wait3A_209 = arith.constant 0 : i32
    %dma_wait3A_210 = arith.constant 0 : i32
    %dma_wait3A_211 = tpu.memref_slice %arg2[%dma_wait3A_209, %dma_wait3A_210] : memref<10000x16xf32, #tpu.memory_space<hbm>> -> memref<384x16xf32, #tpu.memory_space<hbm>>
    tpu.wait_dma2 semaphore(%arg21 : memref<!tpu.dma_semaphore, #tpu.memory_space<semaphore_mem>>) src(%dma_wait3A_211 : memref<384x16xf32, #tpu.memory_space<hbm>>) dst(%arg12 : memref<384x16xf32, #tpu.memory_space<vmem>>)
    %dma_wait3A_212 = arith.constant 0 : i32
    %dma_wait3A_213 = arith.constant 0 : i32
    %dma_wait3A_214 = tpu.memref_slice %arg3[%dma_wait3A_212, %dma_wait3A_213] : memref<10000x16xf32, #tpu.memory_space<hbm>> -> memref<384x16xf32, #tpu.memory_space<hbm>>
    %dma_wait3A_215 = arith.constant 0 : i32
    %dma_wait3A_216 = arith.constant 0 : i32
    %dma_wait3A_217 = tpu.memref_slice %arg3[%dma_wait3A_215, %dma_wait3A_216] : memref<10000x16xf32, #tpu.memory_space<hbm>> -> memref<384x16xf32, #tpu.memory_space<hbm>>
    tpu.wait_dma2 semaphore(%arg22 : memref<!tpu.dma_semaphore, #tpu.memory_space<semaphore_mem>>) src(%dma_wait3A_217 : memref<384x16xf32, #tpu.memory_space<hbm>>) dst(%arg13 : memref<384x16xf32, #tpu.memory_space<vmem>>)
    %dma_wait3A_218 = arith.constant 0 : i32
    %dma_wait3A_219 = arith.constant 0 : i32
    %dma_wait3A_220 = tpu.memref_slice %arg17[%dma_wait3A_218, %dma_wait3A_219] : memref<16x385xf32, #tpu.memory_space<vmem>> -> memref<8x384xf32, #tpu.memory_space<vmem>>
    %dma_wait3A_221 = arith.constant 0 : i32
    %dma_wait3A_222 = tpu.memref_slice %arg6[%dma_wait3A_221, %mul3A_2] : memref<8x320000xf32, #tpu.memory_space<hbm>> -> memref<8x384xf32, #tpu.memory_space<hbm>>
    %dma_wait3A_223 = arith.constant 0 : i32
    %dma_wait3A_224 = tpu.memref_slice %arg6[%dma_wait3A_223, %mul3A_2] : memref<8x320000xf32, #tpu.memory_space<hbm>> -> memref<8x384xf32, #tpu.memory_space<hbm>>
    %dma_wait3A_225 = arith.constant 0 : i32
    %dma_wait3A_226 = arith.constant 0 : i32
    %dma_wait3A_227 = tpu.memref_slice %arg17[%dma_wait3A_225, %dma_wait3A_226] : memref<16x385xf32, #tpu.memory_space<vmem>> -> memref<8x384xf32, #tpu.memory_space<vmem>>
    tpu.wait_dma2 semaphore(%arg26 : memref<!tpu.dma_semaphore, #tpu.memory_space<semaphore_mem>>) src(%dma_wait3A_227 : memref<8x384xf32, #tpu.memory_space<vmem>>) dst(%dma_wait3A_224 : memref<8x384xf32, #tpu.memory_space<hbm>>)
    %dma_wait3A_228 = arith.constant 8 : i32
    %dma_wait3A_229 = arith.constant 0 : i32
    %dma_wait3A_230 = tpu.memref_slice %arg17[%dma_wait3A_228, %dma_wait3A_229] : memref<16x385xf32, #tpu.memory_space<vmem>> -> memref<8x384xf32, #tpu.memory_space<vmem>>
    %dma_wait3A_231 = arith.constant 0 : i32
    %dma_wait3A_232 = tpu.memref_slice %arg7[%dma_wait3A_231, %mul3A_2] : memref<8x320000xf32, #tpu.memory_space<hbm>> -> memref<8x384xf32, #tpu.memory_space<hbm>>
    %dma_wait3A_233 = arith.constant 0 : i32
    %dma_wait3A_234 = tpu.memref_slice %arg7[%dma_wait3A_233, %mul3A_2] : memref<8x320000xf32, #tpu.memory_space<hbm>> -> memref<8x384xf32, #tpu.memory_space<hbm>>
    %dma_wait3A_235 = arith.constant 8 : i32
    %dma_wait3A_236 = arith.constant 0 : i32
    %dma_wait3A_237 = tpu.memref_slice %arg17[%dma_wait3A_235, %dma_wait3A_236] : memref<16x385xf32, #tpu.memory_space<vmem>> -> memref<8x384xf32, #tpu.memory_space<vmem>>
    tpu.wait_dma2 semaphore(%arg26 : memref<!tpu.dma_semaphore, #tpu.memory_space<semaphore_mem>>) src(%dma_wait3A_237 : memref<8x384xf32, #tpu.memory_space<vmem>>) dst(%dma_wait3A_234 : memref<8x384xf32, #tpu.memory_space<hbm>>)
    %parallel_loop3A_238 = arith.constant 0 : i32
    %parallel_loop3A_239 = arith.constant 384 : i32
    %parallel_loop3A_240 = arith.constant 1 : i32
    scf.for %parallel_loop3A_360 = %parallel_loop3A_238 to %parallel_loop3A_239 step %parallel_loop3A_240  : i32 {
      %parallel_loop3A_361 = arith.index_cast %parallel_loop3A_360 : i32 to index
      %parallel_loop3A_362 = arith.constant 0 : index
      %parallel_loop3A_363 = tpu.vector_load %arg12[%parallel_loop3A_361, %parallel_loop3A_362] {strides = array<i32>} : memref<384x16xf32, #tpu.memory_space<vmem>>, vector<16xf32>,
      %parallel_loop3A_364 = arith.index_cast %parallel_loop3A_360 : i32 to index
      %parallel_loop3A_365 = arith.constant 0 : index
      %parallel_loop3A_366 = tpu.vector_load %arg13[%parallel_loop3A_364, %parallel_loop3A_365] {strides = array<i32>} : memref<384x16xf32, #tpu.memory_space<vmem>>, vector<16xf32>,
      %parallel_loop3A_367 = arith.addf %parallel_loop3A_363, %parallel_loop3A_366 : vector<16xf32>
      %parallel_loop3A_368 = vector.broadcast %parallel_loop3A_360 : i32 to vector<16xi32>
      tpu.vector_store_idx %arg17[%iota3A, %parallel_loop3A_368], %parallel_loop3A_367 : memref<16x385xf32, #tpu.memory_space<vmem>>[vector<16xi32>, vector<16xi32>], vector<16xf32>,
    } {sc.loop_unroll_factor = 8 : i64, sc.parallel_access}
    %add3A_241 = arith.constant 9600 : i32
    %add3A_242 = arith.addi %mul3A_2, %add3A_241 : i32
    %dma_start3A_243 = arith.constant 0 : i32
    %dma_start3A_244 = arith.constant 0 : i32
    %dma_start3A_245 = tpu.memref_slice %arg17[%dma_start3A_243, %dma_start3A_244] : memref<16x385xf32, #tpu.memory_space<vmem>> -> memref<8x384xf32, #tpu.memory_space<vmem>>
    %dma_start3A_246 = arith.constant 0 : i32
    %dma_start3A_247 = tpu.memref_slice %arg6[%dma_start3A_246, %add3A_242] : memref<8x320000xf32, #tpu.memory_space<hbm>> -> memref<8x384xf32, #tpu.memory_space<hbm>>
    %dma_start3A_248 = arith.constant 0 : i32
    %dma_start3A_249 = tpu.memref_slice %arg6[%dma_start3A_248, %add3A_242] : memref<8x320000xf32, #tpu.memory_space<hbm>> -> memref<8x384xf32, #tpu.memory_space<hbm>>
    %dma_start3A_250 = arith.constant 0 : i32
    %dma_start3A_251 = arith.constant 0 : i32
    %dma_start3A_252 = tpu.memref_slice %arg17[%dma_start3A_250, %dma_start3A_251] : memref<16x385xf32, #tpu.memory_space<vmem>> -> memref<8x384xf32, #tpu.memory_space<vmem>>
    tpu.enqueue_dma source(%dma_start3A_252 : memref<8x384xf32, #tpu.memory_space<vmem>>) target(%dma_start3A_249 : memref<8x384xf32, #tpu.memory_space<hbm>>) target_semaphore(%arg26 : memref<!tpu.dma_semaphore, #tpu.memory_space<semaphore_mem>>)
    %dma_start3A_253 = arith.constant 8 : i32
    %dma_start3A_254 = arith.constant 0 : i32
    %dma_start3A_255 = tpu.memref_slice %arg17[%dma_start3A_253, %dma_start3A_254] : memref<16x385xf32, #tpu.memory_space<vmem>> -> memref<8x384xf32, #tpu.memory_space<vmem>>
    %dma_start3A_256 = arith.constant 0 : i32
    %dma_start3A_257 = tpu.memref_slice %arg7[%dma_start3A_256, %add3A_242] : memref<8x320000xf32, #tpu.memory_space<hbm>> -> memref<8x384xf32, #tpu.memory_space<hbm>>
    %dma_start3A_258 = arith.constant 0 : i32
    %dma_start3A_259 = tpu.memref_slice %arg7[%dma_start3A_258, %add3A_242] : memref<8x320000xf32, #tpu.memory_space<hbm>> -> memref<8x384xf32, #tpu.memory_space<hbm>>
    %dma_start3A_260 = arith.constant 8 : i32
    %dma_start3A_261 = arith.constant 0 : i32
    %dma_start3A_262 = tpu.memref_slice %arg17[%dma_start3A_260, %dma_start3A_261] : memref<16x385xf32, #tpu.memory_space<vmem>> -> memref<8x384xf32, #tpu.memory_space<vmem>>
    tpu.enqueue_dma source(%dma_start3A_262 : memref<8x384xf32, #tpu.memory_space<vmem>>) target(%dma_start3A_259 : memref<8x384xf32, #tpu.memory_space<hbm>>) target_semaphore(%arg26 : memref<!tpu.dma_semaphore, #tpu.memory_space<semaphore_mem>>)
    %dma_wait3A_263 = arith.constant 0 : i32
    %dma_wait3A_264 = arith.constant 0 : i32
    %dma_wait3A_265 = tpu.memref_slice %arg16[%dma_wait3A_263, %dma_wait3A_264] : memref<16x385xf32, #tpu.memory_space<vmem>> -> memref<8x384xf32, #tpu.memory_space<vmem>>
    %dma_wait3A_266 = arith.constant 0 : i32
    %dma_wait3A_267 = tpu.memref_slice %arg6[%dma_wait3A_266, %mul3A_2] : memref<8x320000xf32, #tpu.memory_space<hbm>> -> memref<8x384xf32, #tpu.memory_space<hbm>>
    %dma_wait3A_268 = arith.constant 0 : i32
    %dma_wait3A_269 = tpu.memref_slice %arg6[%dma_wait3A_268, %mul3A_2] : memref<8x320000xf32, #tpu.memory_space<hbm>> -> memref<8x384xf32, #tpu.memory_space<hbm>>
    %dma_wait3A_270 = arith.constant 0 : i32
    %dma_wait3A_271 = arith.constant 0 : i32
    %dma_wait3A_272 = tpu.memref_slice %arg16[%dma_wait3A_270, %dma_wait3A_271] : memref<16x385xf32, #tpu.memory_space<vmem>> -> memref<8x384xf32, #tpu.memory_space<vmem>>
    tpu.wait_dma2 semaphore(%arg25 : memref<!tpu.dma_semaphore, #tpu.memory_space<semaphore_mem>>) src(%dma_wait3A_272 : memref<8x384xf32, #tpu.memory_space<vmem>>) dst(%dma_wait3A_269 : memref<8x384xf32, #tpu.memory_space<hbm>>)
    %dma_wait3A_273 = arith.constant 8 : i32
    %dma_wait3A_274 = arith.constant 0 : i32
    %dma_wait3A_275 = tpu.memref_slice %arg16[%dma_wait3A_273, %dma_wait3A_274] : memref<16x385xf32, #tpu.memory_space<vmem>> -> memref<8x384xf32, #tpu.memory_space<vmem>>
    %dma_wait3A_276 = arith.constant 0 : i32
    %dma_wait3A_277 = tpu.memref_slice %arg7[%dma_wait3A_276, %mul3A_2] : memref<8x320000xf32, #tpu.memory_space<hbm>> -> memref<8x384xf32, #tpu.memory_space<hbm>>
    %dma_wait3A_278 = arith.constant 0 : i32
    %dma_wait3A_279 = tpu.memref_slice %arg7[%dma_wait3A_278, %mul3A_2] : memref<8x320000xf32, #tpu.memory_space<hbm>> -> memref<8x384xf32, #tpu.memory_space<hbm>>
    %dma_wait3A_280 = arith.constant 8 : i32
    %dma_wait3A_281 = arith.constant 0 : i32
    %dma_wait3A_282 = tpu.memref_slice %arg16[%dma_wait3A_280, %dma_wait3A_281] : memref<16x385xf32, #tpu.memory_space<vmem>> -> memref<8x384xf32, #tpu.memory_space<vmem>>
    tpu.wait_dma2 semaphore(%arg25 : memref<!tpu.dma_semaphore, #tpu.memory_space<semaphore_mem>>) src(%dma_wait3A_282 : memref<8x384xf32, #tpu.memory_space<vmem>>) dst(%dma_wait3A_279 : memref<8x384xf32, #tpu.memory_space<hbm>>)
    %dma_wait3A_283 = arith.constant 0 : i32
    %dma_wait3A_284 = arith.constant 0 : i32
    %dma_wait3A_285 = tpu.memref_slice %arg17[%dma_wait3A_283, %dma_wait3A_284] : memref<16x385xf32, #tpu.memory_space<vmem>> -> memref<8x384xf32, #tpu.memory_space<vmem>>
    %dma_wait3A_286 = arith.constant 0 : i32
    %dma_wait3A_287 = tpu.memref_slice %arg6[%dma_wait3A_286, %mul3A_2] : memref<8x320000xf32, #tpu.memory_space<hbm>> -> memref<8x384xf32, #tpu.memory_space<hbm>>
    %dma_wait3A_288 = arith.constant 0 : i32
    %dma_wait3A_289 = tpu.memref_slice %arg6[%dma_wait3A_288, %mul3A_2] : memref<8x320000xf32, #tpu.memory_space<hbm>> -> memref<8x384xf32, #tpu.memory_space<hbm>>
    %dma_wait3A_290 = arith.constant 0 : i32
    %dma_wait3A_291 = arith.constant 0 : i32
    %dma_wait3A_292 = tpu.memref_slice %arg17[%dma_wait3A_290, %dma_wait3A_291] : memref<16x385xf32, #tpu.memory_space<vmem>> -> memref<8x384xf32, #tpu.memory_space<vmem>>
    tpu.wait_dma2 semaphore(%arg26 : memref<!tpu.dma_semaphore, #tpu.memory_space<semaphore_mem>>) src(%dma_wait3A_292 : memref<8x384xf32, #tpu.memory_space<vmem>>) dst(%dma_wait3A_289 : memref<8x384xf32, #tpu.memory_space<hbm>>)
    %dma_wait3A_293 = arith.constant 8 : i32
    %dma_wait3A_294 = arith.constant 0 : i32
    %dma_wait3A_295 = tpu.memref_slice %arg17[%dma_wait3A_293, %dma_wait3A_294] : memref<16x385xf32, #tpu.memory_space<vmem>> -> memref<8x384xf32, #tpu.memory_space<vmem>>
    %dma_wait3A_296 = arith.constant 0 : i32
    %dma_wait3A_297 = tpu.memref_slice %arg7[%dma_wait3A_296, %mul3A_2] : memref<8x320000xf32, #tpu.memory_space<hbm>> -> memref<8x384xf32, #tpu.memory_space<hbm>>
    %dma_wait3A_298 = arith.constant 0 : i32
    %dma_wait3A_299 = tpu.memref_slice %arg7[%dma_wait3A_298, %mul3A_2] : memref<8x320000xf32, #tpu.memory_space<hbm>> -> memref<8x384xf32, #tpu.memory_space<hbm>>
    %dma_wait3A_300 = arith.constant 8 : i32
    %dma_wait3A_301 = arith.constant 0 : i32
    %dma_wait3A_302 = tpu.memref_slice %arg17[%dma_wait3A_300, %dma_wait3A_301] : memref<16x385xf32, #tpu.memory_space<vmem>> -> memref<8x384xf32, #tpu.memory_space<vmem>>
    tpu.wait_dma2 semaphore(%arg26 : memref<!tpu.dma_semaphore, #tpu.memory_space<semaphore_mem>>) src(%dma_wait3A_302 : memref<8x384xf32, #tpu.memory_space<vmem>>) dst(%dma_wait3A_299 : memref<8x384xf32, #tpu.memory_space<hbm>>)
    %dma_wait3A_303 = arith.constant 0 : i32
    %dma_wait3A_304 = arith.constant 0 : i32
    %dma_wait3A_305 = tpu.memref_slice %arg18[%dma_wait3A_303, %dma_wait3A_304] : memref<16x385xf32, #tpu.memory_space<vmem>> -> memref<8x384xf32, #tpu.memory_space<vmem>>
    %dma_wait3A_306 = arith.constant 0 : i32
    %dma_wait3A_307 = tpu.memref_slice %arg6[%dma_wait3A_306, %mul3A_2] : memref<8x320000xf32, #tpu.memory_space<hbm>> -> memref<8x384xf32, #tpu.memory_space<hbm>>
    %dma_wait3A_308 = arith.constant 0 : i32
    %dma_wait3A_309 = tpu.memref_slice %arg6[%dma_wait3A_308, %mul3A_2] : memref<8x320000xf32, #tpu.memory_space<hbm>> -> memref<8x384xf32, #tpu.memory_space<hbm>>
    %dma_wait3A_310 = arith.constant 0 : i32
    %dma_wait3A_311 = arith.constant 0 : i32
    %dma_wait3A_312 = tpu.memref_slice %arg18[%dma_wait3A_310, %dma_wait3A_311] : memref<16x385xf32, #tpu.memory_space<vmem>> -> memref<8x384xf32, #tpu.memory_space<vmem>>
    tpu.wait_dma2 semaphore(%arg27 : memref<!tpu.dma_semaphore, #tpu.memory_space<semaphore_mem>>) src(%dma_wait3A_312 : memref<8x384xf32, #tpu.memory_space<vmem>>) dst(%dma_wait3A_309 : memref<8x384xf32, #tpu.memory_space<hbm>>)
    %dma_wait3A_313 = arith.constant 8 : i32
    %dma_wait3A_314 = arith.constant 0 : i32
    %dma_wait3A_315 = tpu.memref_slice %arg18[%dma_wait3A_313, %dma_wait3A_314] : memref<16x385xf32, #tpu.memory_space<vmem>> -> memref<8x384xf32, #tpu.memory_space<vmem>>
    %dma_wait3A_316 = arith.constant 0 : i32
    %dma_wait3A_317 = tpu.memref_slice %arg7[%dma_wait3A_316, %mul3A_2] : memref<8x320000xf32, #tpu.memory_space<hbm>> -> memref<8x384xf32, #tpu.memory_space<hbm>>
    %dma_wait3A_318 = arith.constant 0 : i32
    %dma_wait3A_319 = tpu.memref_slice %arg7[%dma_wait3A_318, %mul3A_2] : memref<8x320000xf32, #tpu.memory_space<hbm>> -> memref<8x384xf32, #tpu.memory_space<hbm>>
    %dma_wait3A_320 = arith.constant 8 : i32
    %dma_wait3A_321 = arith.constant 0 : i32
    %dma_wait3A_322 = tpu.memref_slice %arg18[%dma_wait3A_320, %dma_wait3A_321] : memref<16x385xf32, #tpu.memory_space<vmem>> -> memref<8x384xf32, #tpu.memory_space<vmem>>
    tpu.wait_dma2 semaphore(%arg27 : memref<!tpu.dma_semaphore, #tpu.memory_space<semaphore_mem>>) src(%dma_wait3A_322 : memref<8x384xf32, #tpu.memory_space<vmem>>) dst(%dma_wait3A_319 : memref<8x384xf32, #tpu.memory_space<hbm>>)
    %dma_start3A_323 = arith.constant 0 : i32
    %dma_start3A_324 = arith.constant 0 : i32
    %dma_start3A_325 = tpu.memref_slice %arg14[%dma_start3A_323, %dma_start3A_324] : memref<384x16xf32, #tpu.memory_space<vmem>> -> memref<16x16xf32, #tpu.memory_space<vmem>>
    %dma_start3A_326 = arith.constant 9984 : i32
    %dma_start3A_327 = tpu.memref_slice %arg8[%dma_start3A_326] : memref<10000xi32, #tpu.memory_space<vmem>> -> memref<16xi32, #tpu.memory_space<vmem>>
    %dma_start3A_328 = arith.constant 0 : i32
    %dma_start3A_329 = arith.constant 0 : i32
    %dma_start3A_330 = tpu.memref_slice %arg2[%dma_start3A_328, %dma_start3A_329] : memref<10000x16xf32, #tpu.memory_space<hbm>> -> memref<10000x16xf32, #tpu.memory_space<hbm>>
    tpu.enqueue_indirect_dma source(%dma_start3A_330 : memref<10000x16xf32, #tpu.memory_space<hbm>>) target(%dma_start3A_325 : memref<16x16xf32, #tpu.memory_space<vmem>>) offsets(%dma_start3A_327 : memref<16xi32, #tpu.memory_space<vmem>>) semaphore(%arg23 : memref<!tpu.dma_semaphore, #tpu.memory_space<semaphore_mem>>)
    %dma_start3A_331 = arith.constant 0 : i32
    %dma_start3A_332 = arith.constant 0 : i32
    %dma_start3A_333 = tpu.memref_slice %arg15[%dma_start3A_331, %dma_start3A_332] : memref<384x16xf32, #tpu.memory_space<vmem>> -> memref<16x16xf32, #tpu.memory_space<vmem>>
    %dma_start3A_334 = arith.constant 9984 : i32
    %dma_start3A_335 = tpu.memref_slice %arg9[%dma_start3A_334] : memref<10000xi32, #tpu.memory_space<vmem>> -> memref<16xi32, #tpu.memory_space<vmem>>
    %dma_start3A_336 = arith.constant 0 : i32
    %dma_start3A_337 = arith.constant 0 : i32
    %dma_start3A_338 = tpu.memref_slice %arg3[%dma_start3A_336, %dma_start3A_337] : memref<10000x16xf32, #tpu.memory_space<hbm>> -> memref<10000x16xf32, #tpu.memory_space<hbm>>
    tpu.enqueue_indirect_dma source(%dma_start3A_338 : memref<10000x16xf32, #tpu.memory_space<hbm>>) target(%dma_start3A_333 : memref<16x16xf32, #tpu.memory_space<vmem>>) offsets(%dma_start3A_335 : memref<16xi32, #tpu.memory_space<vmem>>) semaphore(%arg24 : memref<!tpu.dma_semaphore, #tpu.memory_space<semaphore_mem>>)
    %dma_wait3A_339 = arith.constant 0 : i32
    %dma_wait3A_340 = arith.constant 0 : i32
    %dma_wait3A_341 = tpu.memref_slice %arg14[%dma_wait3A_339, %dma_wait3A_340] : memref<384x16xf32, #tpu.memory_space<vmem>> -> memref<16x16xf32, #tpu.memory_space<vmem>>
    %dma_wait3A_342 = arith.constant 9984 : i32
    %dma_wait3A_343 = tpu.memref_slice %arg8[%dma_wait3A_342] : memref<10000xi32, #tpu.memory_space<vmem>> -> memref<16xi32, #tpu.memory_space<vmem>>
    %dma_wait3A_344 = arith.constant 0 : i32
    %dma_wait3A_345 = arith.constant 0 : i32
    %dma_wait3A_346 = tpu.memref_slice %arg2[%dma_wait3A_344, %dma_wait3A_345] : memref<10000x16xf32, #tpu.memory_space<hbm>> -> memref<10000x16xf32, #tpu.memory_space<hbm>>
    tpu.wait_indirect_dma semaphore(%arg23 : memref<!tpu.dma_semaphore, #tpu.memory_space<semaphore_mem>>) src(%dma_wait3A_346 : memref<10000x16xf32, #tpu.memory_space<hbm>>) dst(%dma_wait3A_341 : memref<16x16xf32, #tpu.memory_space<vmem>>)
    %dma_wait3A_347 = arith.constant 0 : i32
    %dma_wait3A_348 = arith.constant 0 : i32
    %dma_wait3A_349 = tpu.memref_slice %arg15[%dma_wait3A_347, %dma_wait3A_348] : memref<384x16xf32, #tpu.memory_space<vmem>> -> memref<16x16xf32, #tpu.memory_space<vmem>>
    %dma_wait3A_350 = arith.constant 9984 : i32
    %dma_wait3A_351 = tpu.memref_slice %arg9[%dma_wait3A_350] : memref<10000xi32, #tpu.memory_space<vmem>> -> memref<16xi32, #tpu.memory_space<vmem>>
    %dma_wait3A_352 = arith.constant 0 : i32
    %dma_wait3A_353 = arith.constant 0 : i32
    %dma_wait3A_354 = tpu.memref_slice %arg3[%dma_wait3A_352, %dma_wait3A_353] : memref<10000x16xf32, #tpu.memory_space<hbm>> -> memref<10000x16xf32, #tpu.memory_space<hbm>>
    tpu.wait_indirect_dma semaphore(%arg24 : memref<!tpu.dma_semaphore, #tpu.memory_space<semaphore_mem>>) src(%dma_wait3A_354 : memref<10000x16xf32, #tpu.memory_space<hbm>>) dst(%dma_wait3A_349 : memref<16x16xf32, #tpu.memory_space<vmem>>)
    %parallel_loop3A_355 = arith.constant 0 : i32
    %parallel_loop3A_356 = arith.constant 16 : i32
    %parallel_loop3A_357 = arith.constant 1 : i32
    scf.for %parallel_loop3A_360 = %parallel_loop3A_355 to %parallel_loop3A_356 step %parallel_loop3A_357  : i32 {
      %parallel_loop3A_361 = arith.index_cast %parallel_loop3A_360 : i32 to index
      %parallel_loop3A_362 = arith.constant 0 : index
      %parallel_loop3A_363 = tpu.vector_load %arg14[%parallel_loop3A_361, %parallel_loop3A_362] {strides = array<i32>} : memref<384x16xf32, #tpu.memory_space<vmem>>, vector<16xf32>,
      %parallel_loop3A_364 = arith.index_cast %parallel_loop3A_360 : i32 to index
      %parallel_loop3A_365 = arith.constant 0 : index
      %parallel_loop3A_366 = tpu.vector_load %arg15[%parallel_loop3A_364, %parallel_loop3A_365] {strides = array<i32>} : memref<384x16xf32, #tpu.memory_space<vmem>>, vector<16xf32>,
      %parallel_loop3A_367 = arith.addf %parallel_loop3A_363, %parallel_loop3A_366 : vector<16xf32>
      %parallel_loop3A_368 = vector.broadcast %parallel_loop3A_360 : i32 to vector<16xi32>
      tpu.vector_store_idx %arg18[%iota3A, %parallel_loop3A_368], %parallel_loop3A_367 : memref<16x385xf32, #tpu.memory_space<vmem>>[vector<16xi32>, vector<16xi32>], vector<16xf32>,
    } {sc.loop_unroll_factor = 8 : i64, sc.parallel_access}
    %add3A_358 = arith.constant 9984 : i32
    %add3A_359 = arith.addi %mul3A_2, %add3A_358 : i32
    "tpu.region"() ({
      %run_scoped3A = tpu.sem_alloc : memref<!tpu.dma_semaphore, #tpu.memory_space<semaphore_mem>>
      %dma_start3A_360 = arith.constant 0 : i32
      %dma_start3A_361 = arith.constant 0 : i32
      %dma_start3A_362 = tpu.memref_slice %arg18[%dma_start3A_360, %dma_start3A_361] : memref<16x385xf32, #tpu.memory_space<vmem>> -> memref<8x16xf32, #tpu.memory_space<vmem>>
      %dma_start3A_363 = arith.constant 0 : i32
      %dma_start3A_364 = tpu.memref_slice %arg6[%dma_start3A_363, %add3A_359] : memref<8x320000xf32, #tpu.memory_space<hbm>> -> memref<8x16xf32, #tpu.memory_space<hbm>>
      %dma_start3A_365 = arith.constant 0 : i32
      %dma_start3A_366 = tpu.memref_slice %arg6[%dma_start3A_365, %add3A_359] : memref<8x320000xf32, #tpu.memory_space<hbm>> -> memref<8x16xf32, #tpu.memory_space<hbm>>
      %dma_start3A_367 = arith.constant 0 : i32
      %dma_start3A_368 = arith.constant 0 : i32
      %dma_start3A_369 = tpu.memref_slice %arg18[%dma_start3A_367, %dma_start3A_368] : memref<16x385xf32, #tpu.memory_space<vmem>> -> memref<8x16xf32, #tpu.memory_space<vmem>>
      tpu.enqueue_dma source(%dma_start3A_369 : memref<8x16xf32, #tpu.memory_space<vmem>>) target(%dma_start3A_366 : memref<8x16xf32, #tpu.memory_space<hbm>>) target_semaphore(%run_scoped3A : memref<!tpu.dma_semaphore, #tpu.memory_space<semaphore_mem>>)
      %dma_wait3A_370 = arith.constant 0 : i32
      %dma_wait3A_371 = arith.constant 0 : i32
      %dma_wait3A_372 = tpu.memref_slice %arg18[%dma_wait3A_370, %dma_wait3A_371] : memref<16x385xf32, #tpu.memory_space<vmem>> -> memref<8x16xf32, #tpu.memory_space<vmem>>
      %dma_wait3A_373 = arith.constant 0 : i32
      %dma_wait3A_374 = tpu.memref_slice %arg6[%dma_wait3A_373, %add3A_359] : memref<8x320000xf32, #tpu.memory_space<hbm>> -> memref<8x16xf32, #tpu.memory_space<hbm>>
      %dma_wait3A_375 = arith.constant 0 : i32
      %dma_wait3A_376 = tpu.memref_slice %arg6[%dma_wait3A_375, %add3A_359] : memref<8x320000xf32, #tpu.memory_space<hbm>> -> memref<8x16xf32, #tpu.memory_space<hbm>>
      %dma_wait3A_377 = arith.constant 0 : i32
      %dma_wait3A_378 = arith.constant 0 : i32
      %dma_wait3A_379 = tpu.memref_slice %arg18[%dma_wait3A_377, %dma_wait3A_378] : memref<16x385xf32, #tpu.memory_space<vmem>> -> memref<8x16xf32, #tpu.memory_space<vmem>>
      tpu.wait_dma2 semaphore(%run_scoped3A : memref<!tpu.dma_semaphore, #tpu.memory_space<semaphore_mem>>) src(%dma_wait3A_379 : memref<8x16xf32, #tpu.memory_space<vmem>>) dst(%dma_wait3A_376 : memref<8x16xf32, #tpu.memory_space<hbm>>)
      tpu.yield
    }) : () -> ()
    "tpu.region"() ({
      %run_scoped3A = tpu.sem_alloc : memref<!tpu.dma_semaphore, #tpu.memory_space<semaphore_mem>>
      %dma_start3A_360 = arith.constant 8 : i32
      %dma_start3A_361 = arith.constant 0 : i32
      %dma_start3A_362 = tpu.memref_slice %arg18[%dma_start3A_360, %dma_start3A_361] : memref<16x385xf32, #tpu.memory_space<vmem>> -> memref<8x16xf32, #tpu.memory_space<vmem>>
      %dma_start3A_363 = arith.constant 0 : i32
      %dma_start3A_364 = tpu.memref_slice %arg7[%dma_start3A_363, %add3A_359] : memref<8x320000xf32, #tpu.memory_space<hbm>> -> memref<8x16xf32, #tpu.memory_space<hbm>>
      %dma_start3A_365 = arith.constant 0 : i32
      %dma_start3A_366 = tpu.memref_slice %arg7[%dma_start3A_365, %add3A_359] : memref<8x320000xf32, #tpu.memory_space<hbm>> -> memref<8x16xf32, #tpu.memory_space<hbm>>
      %dma_start3A_367 = arith.constant 8 : i32
      %dma_start3A_368 = arith.constant 0 : i32
      %dma_start3A_369 = tpu.memref_slice %arg18[%dma_start3A_367, %dma_start3A_368] : memref<16x385xf32, #tpu.memory_space<vmem>> -> memref<8x16xf32, #tpu.memory_space<vmem>>
      tpu.enqueue_dma source(%dma_start3A_369 : memref<8x16xf32, #tpu.memory_space<vmem>>) target(%dma_start3A_366 : memref<8x16xf32, #tpu.memory_space<hbm>>) target_semaphore(%run_scoped3A : memref<!tpu.dma_semaphore, #tpu.memory_space<semaphore_mem>>)
      %dma_wait3A_370 = arith.constant 8 : i32
      %dma_wait3A_371 = arith.constant 0 : i32
      %dma_wait3A_372 = tpu.memref_slice %arg18[%dma_wait3A_370, %dma_wait3A_371] : memref<16x385xf32, #tpu.memory_space<vmem>> -> memref<8x16xf32, #tpu.memory_space<vmem>>
      %dma_wait3A_373 = arith.constant 0 : i32
      %dma_wait3A_374 = tpu.memref_slice %arg7[%dma_wait3A_373, %add3A_359] : memref<8x320000xf32, #tpu.memory_space<hbm>> -> memref<8x16xf32, #tpu.memory_space<hbm>>
      %dma_wait3A_375 = arith.constant 0 : i32
      %dma_wait3A_376 = tpu.memref_slice %arg7[%dma_wait3A_375, %add3A_359] : memref<8x320000xf32, #tpu.memory_space<hbm>> -> memref<8x16xf32, #tpu.memory_space<hbm>>
      %dma_wait3A_377 = arith.constant 8 : i32
      %dma_wait3A_378 = arith.constant 0 : i32
      %dma_wait3A_379 = tpu.memref_slice %arg18[%dma_wait3A_377, %dma_wait3A_378] : memref<16x385xf32, #tpu.memory_space<vmem>> -> memref<8x16xf32, #tpu.memory_space<vmem>>
      tpu.wait_dma2 semaphore(%run_scoped3A : memref<!tpu.dma_semaphore, #tpu.memory_space<semaphore_mem>>) src(%dma_wait3A_379 : memref<8x16xf32, #tpu.memory_space<vmem>>) dst(%dma_wait3A_376 : memref<8x16xf32, #tpu.memory_space<hbm>>)
      tpu.yield
    }) : () -> ()
    return
  }
}

module attributes {stable_mosaic.version = 14 : i64} {
  func.func @_node_pre_body(%arg0: memref<1250x1024xf32, #tpu.memory_space<vmem>>, %arg1: memref<1024x128xf32, #tpu.memory_space<vmem>>, %arg2: memref<1024x128xf32, #tpu.memory_space<vmem>>, %arg3: memref<16x16xf32, #tpu.memory_space<vmem>>, %arg4: memref<16x16xf32, #tpu.memory_space<vmem>>, %arg5: memref<1250x8xi32, #tpu.memory_space<vmem>>, %arg6: memref<8x128xf32, #tpu.memory_space<vmem>>, %arg7: memref<128x128xf32, #tpu.memory_space<vmem>>, %arg8: memref<1250x128xf32, #tpu.memory_space<vmem>>, %arg9: memref<1250x128xf32, #tpu.memory_space<vmem>>) attributes {dimension_semantics = [], scalar_prefetch = 0 : i64, scratch_operands = 0 : i64, tpu.core_type = #tpu.core_type<tc>} {
    %get3A = arith.constant 0 : index
    %get3A_0 = arith.constant 0 : index
    %get3A_1 = vector.load %arg0[%get3A, %get3A_0] : memref<1250x1024xf32, #tpu.memory_space<vmem>>, vector<1250x1024xf32>
    %get3A_2 = arith.constant 0 : index
    %get3A_3 = arith.constant 0 : index
    %get3A_4 = vector.load %arg1[%get3A_2, %get3A_3] : memref<1024x128xf32, #tpu.memory_space<vmem>>, vector<1024x128xf32>
    %dot_general3A = arith.constant dense<0.000000e+00> : vector<1250x128xf32>
    %dot_general3A_5 = tpu.matmul %get3A_1, %get3A_4, %dot_general3A {dimension_numbers = #tpu.dot_dimension_numbers<[1], [0], [0], [1], [0, 0, 1, 1], [], []>, transpose_lhs_hint = false} : vector<1250x1024xf32>, vector<1024x128xf32>, vector<1250x128xf32> -> vector<1250x128xf32>
    %swap3A = arith.constant 0 : index
    %swap3A_6 = arith.constant 0 : index
    %swap3A_7 = vector.load %arg8[%swap3A, %swap3A_6] : memref<1250x128xf32, #tpu.memory_space<vmem>>, vector<1250x128xf32>
    tpu.vector_store %arg8[%swap3A, %swap3A_6], %dot_general3A_5 {strides = array<i32>} : memref<1250x128xf32, #tpu.memory_space<vmem>>, vector<1250x128xf32>,
    %get3A_8 = arith.constant 0 : index
    %get3A_9 = arith.constant 0 : index
    %get3A_10 = vector.load %arg3[%get3A_8, %get3A_9] : memref<16x16xf32, #tpu.memory_space<vmem>>, vector<16x16xf32>
    %get3A_11 = arith.constant 0 : index
    %get3A_12 = arith.constant 0 : index
    %get3A_13 = vector.load %arg4[%get3A_11, %get3A_12] : memref<16x16xf32, #tpu.memory_space<vmem>>, vector<16x16xf32>
    %dot_general3A_14 = arith.constant dense<0.000000e+00> : vector<16x16xf32>
    %dot_general3A_15 = tpu.matmul %get3A_10, %get3A_13, %dot_general3A_14 {dimension_numbers = #tpu.dot_dimension_numbers<[1], [0], [0], [1], [0, 0, 1, 1], [], []>, transpose_lhs_hint = false} : vector<16x16xf32>, vector<16x16xf32>, vector<16x16xf32> -> vector<16x16xf32>
    %tile3A = tpu.concatenate %dot_general3A_15, %dot_general3A_15, %dot_general3A_15, %dot_general3A_15, %dot_general3A_15, %dot_general3A_15, %dot_general3A_15, %dot_general3A_15 in 0 : vector<16x16xf32>, vector<16x16xf32>, vector<16x16xf32>, vector<16x16xf32>, vector<16x16xf32>, vector<16x16xf32>, vector<16x16xf32>, vector<16x16xf32> -> vector<128x16xf32>
    %tile3A_16 = tpu.concatenate %tile3A, %tile3A, %tile3A, %tile3A, %tile3A, %tile3A, %tile3A, %tile3A in 1 : vector<128x16xf32>, vector<128x16xf32>, vector<128x16xf32>, vector<128x16xf32>, vector<128x16xf32>, vector<128x16xf32>, vector<128x16xf32>, vector<128x16xf32> -> vector<128x128xf32>
    %get3A_17 = arith.constant 0 : index
    %get3A_18 = arith.constant 0 : index
    %get3A_19 = vector.load %arg7[%get3A_17, %get3A_18] : memref<128x128xf32, #tpu.memory_space<vmem>>, vector<128x128xf32>
    %mul3A = arith.mulf %tile3A_16, %get3A_19 : vector<128x128xf32>
    %get3A_20 = arith.constant 0 : index
    %get3A_21 = arith.constant 0 : index
    %get3A_22 = vector.load %arg5[%get3A_20, %get3A_21] : memref<1250x8xi32, #tpu.memory_space<vmem>>, vector<1250x8xi32>
    %convert_element_type3A = arith.sitofp %get3A_22 : vector<1250x8xi32> to vector<1250x8xf32>
    %get3A_23 = arith.constant 0 : index
    %get3A_24 = arith.constant 0 : index
    %get3A_25 = vector.load %arg6[%get3A_23, %get3A_24] : memref<8x128xf32, #tpu.memory_space<vmem>>, vector<8x128xf32>
    %dot_general3A_26 = arith.constant dense<0.000000e+00> : vector<1250x128xf32>
    %dot_general3A_27 = tpu.matmul %convert_element_type3A, %get3A_25, %dot_general3A_26 {dimension_numbers = #tpu.dot_dimension_numbers<[1], [0], [0], [1], [0, 0, 1, 1], [], []>, transpose_lhs_hint = false} : vector<1250x8xf32>, vector<8x128xf32>, vector<1250x128xf32> -> vector<1250x128xf32>
    %iota3A = tpu.iota {dimensions = array<i32: 1>} : vector<1x128xi32>
    %jit3A = arith.constant 16 : i32
    %eq3A = arith.constant 0 : i32
    %eq3A_28 = arith.cmpi eq, %jit3A, %eq3A : i32
    %jit3A_29 = arith.constant 1 : i32
    %select_n3A = arith.select %eq3A_28, %jit3A_29, %jit3A : i32
    %rem3A = vector.broadcast %select_n3A : i32 to vector<1x128xi32>
    %rem3A_30 = arith.remsi %iota3A, %rem3A : vector<1x128xi32>
    %ne3A = arith.constant 0 : i32
    %ne3A_31 = vector.broadcast %ne3A : i32 to vector<1x128xi32>
    %ne3A_32 = arith.cmpi ne, %rem3A_30, %ne3A_31 : vector<1x128xi32>
    %lt3A = arith.constant 0 : i32
    %lt3A_33 = vector.broadcast %lt3A : i32 to vector<1x128xi32>
    %lt3A_34 = arith.cmpi slt, %rem3A_30, %lt3A_33 : vector<1x128xi32>
    %lt3A_35 = arith.constant 0 : i32
    %lt3A_36 = arith.cmpi slt, %select_n3A, %lt3A_35 : i32
    %ne3A_37 = vector.broadcast %lt3A_36 : i1 to vector<1x128xi1>
    %ne3A_38 = vector.broadcast %ne3A_37 : vector<1x128xi1> to vector<1x128xi1>
    %ne3A_39 = arith.xori %lt3A_34, %ne3A_38 : vector<1x128xi1>
    %and3A = arith.andi %ne3A_39, %ne3A_32 : vector<1x128xi1>
    %add3A = vector.broadcast %select_n3A : i32 to vector<1x128xi32>
    %add3A_40 = arith.addi %rem3A_30, %add3A : vector<1x128xi32>
    %select_n3A_41 = arith.select %and3A, %add3A_40, %rem3A_30 : vector<1x128xi1>, vector<1x128xi32>
    %convert_element_type3A_42 = arith.sitofp %select_n3A_41 : vector<1x128xi32> to vector<1x128xf32>
    %eq3A_43 = vector.broadcast %convert_element_type3A_42 : vector<1x128xf32> to vector<1250x128xf32>
    %eq3A_44 = arith.cmpf oeq, %dot_general3A_27, %eq3A_43 : vector<1250x128xf32>
    %convert_element_type3A_45 = arith.extui %eq3A_44 : vector<1250x128xi1> to vector<1250x128xi32>
    %convert_element_type3A_46 = arith.sitofp %convert_element_type3A_45 : vector<1250x128xi32> to vector<1250x128xf32>
    %get3A_47 = arith.constant 0 : index
    %get3A_48 = arith.constant 0 : index
    %get3A_49 = vector.load %arg2[%get3A_47, %get3A_48] : memref<1024x128xf32, #tpu.memory_space<vmem>>, vector<1024x128xf32>
    %dot_general3A_50 = arith.constant dense<0.000000e+00> : vector<1250x128xf32>
    %dot_general3A_51 = tpu.matmul %get3A_1, %get3A_49, %dot_general3A_50 {dimension_numbers = #tpu.dot_dimension_numbers<[1], [0], [0], [1], [0, 0, 1, 1], [], []>, transpose_lhs_hint = false} : vector<1250x1024xf32>, vector<1024x128xf32>, vector<1250x128xf32> -> vector<1250x128xf32>
    %dot_general3A_52 = arith.constant dense<0.000000e+00> : vector<1250x128xf32>
    %dot_general3A_53 = tpu.matmul %convert_element_type3A_46, %mul3A, %dot_general3A_52 {dimension_numbers = #tpu.dot_dimension_numbers<[1], [0], [0], [1], [0, 0, 1, 1], [], []>, transpose_lhs_hint = false} : vector<1250x128xf32>, vector<128x128xf32>, vector<1250x128xf32> -> vector<1250x128xf32>
    %add3A_54 = arith.addf %dot_general3A_51, %dot_general3A_53 : vector<1250x128xf32>
    %swap3A_55 = arith.constant 0 : index
    %swap3A_56 = arith.constant 0 : index
    %swap3A_57 = vector.load %arg9[%swap3A_55, %swap3A_56] : memref<1250x128xf32, #tpu.memory_space<vmem>>, vector<1250x128xf32>
    tpu.vector_store %arg9[%swap3A_55, %swap3A_56], %add3A_54 {strides = array<i32>} : memref<1250x128xf32, #tpu.memory_space<vmem>>, vector<1250x128xf32>,
    return
  }
}

module attributes {stable_mosaic.version = 14 : i64} {
  func.func @_mlp_body(%arg0: i32, %arg1: memref<16x32000xf32, #tpu.memory_space<vmem>>, %arg2: memref<8x32000xf32, #tpu.memory_space<vmem>>, %arg3: memref<8x32000xf32, #tpu.memory_space<vmem>>, %arg4: memref<16x16xf32, #tpu.memory_space<vmem>>, %arg5: memref<16x16xf32, #tpu.memory_space<vmem>>, %arg6: memref<16x4xf32, #tpu.memory_space<vmem>>, %arg7: memref<16x32000xf32, #tpu.memory_space<vmem>>) attributes {dimension_semantics = [#tpu.dimension_semantics<arbitrary>], iteration_bounds = array<i64: 10>, scalar_prefetch = 0 : i64, scratch_operands = 0 : i64, tpu.core_type = #tpu.core_type<tc>, window_params = [{transform_indices = @transform_0, window_bounds = array<i64: 16, 32000>}, {transform_indices = @transform_1, window_bounds = array<i64: 8, 32000>}, {transform_indices = @transform_2, window_bounds = array<i64: 8, 32000>}, {pipeline_mode = #tpu.pipeline_mode<synchronous>, transform_indices = @transform_3, window_bounds = array<i64: 16, 16>}, {pipeline_mode = #tpu.pipeline_mode<synchronous>, transform_indices = @transform_4, window_bounds = array<i64: 16, 16>}, {pipeline_mode = #tpu.pipeline_mode<synchronous>, transform_indices = @transform_5, window_bounds = array<i64: 16, 4>}, {transform_indices = @transform_6, window_bounds = array<i64: 16, 32000>}]} {
    %get3A = arith.constant 0 : index
    %get3A_0 = arith.constant 0 : index
    %get3A_1 = vector.load %arg4[%get3A, %get3A_0] : memref<16x16xf32, #tpu.memory_space<vmem>>, vector<16x16xf32>
    %get3A_2 = arith.constant 0 : index
    %get3A_3 = arith.constant 0 : index
    %get3A_4 = vector.load %arg1[%get3A_2, %get3A_3] : memref<16x32000xf32, #tpu.memory_space<vmem>>, vector<16x32000xf32>
    %dot_general3A = arith.constant dense<0.000000e+00> : vector<16x32000xf32>
    %dot_general3A_5 = tpu.matmul %get3A_1, %get3A_4, %dot_general3A {dimension_numbers = #tpu.dot_dimension_numbers<[1], [0], [0], [1], [0, 0, 1, 1], [], []>, transpose_lhs_hint = false} : vector<16x16xf32>, vector<16x32000xf32>, vector<16x32000xf32> -> vector<16x32000xf32>
    %get3A_6 = arith.constant 0 : index
    %get3A_7 = arith.constant 0 : index
    %get3A_8 = vector.load %arg2[%get3A_6, %get3A_7] : memref<8x32000xf32, #tpu.memory_space<vmem>>, vector<8x32000xf32>
    %get3A_9 = arith.constant 0 : index
    %get3A_10 = arith.constant 0 : index
    %get3A_11 = vector.load %arg3[%get3A_9, %get3A_10] : memref<8x32000xf32, #tpu.memory_space<vmem>>, vector<8x32000xf32>
    %concatenate3A = tpu.concatenate %get3A_8, %get3A_11 in 0 : vector<8x32000xf32>, vector<8x32000xf32> -> vector<16x32000xf32>
    %add3A = arith.addf %dot_general3A_5, %concatenate3A : vector<16x32000xf32>
    %get3A_12 = arith.constant 0 : index
    %get3A_13 = arith.constant 0 : index
    %get3A_14 = vector.load %arg6[%get3A_12, %get3A_13] : memref<16x4xf32, #tpu.memory_space<vmem>>, vector<16x1xf32>
    %add3A_15 = vector.broadcast %get3A_14 : vector<16x1xf32> to vector<16x32000xf32>
    %add3A_16 = arith.addf %add3A, %add3A_15 : vector<16x32000xf32>
    %max3A = arith.constant 0.000000e+00 : f32
    %max3A_17 = vector.broadcast %max3A : f32 to vector<16x32000xf32>
    %max3A_18 = arith.maximumf %add3A_16, %max3A_17 : vector<16x32000xf32>
    %get3A_19 = arith.constant 0 : index
    %get3A_20 = arith.constant 0 : index
    %get3A_21 = vector.load %arg5[%get3A_19, %get3A_20] : memref<16x16xf32, #tpu.memory_space<vmem>>, vector<16x16xf32>
    %dot_general3A_22 = arith.constant dense<0.000000e+00> : vector<16x32000xf32>
    %dot_general3A_23 = tpu.matmul %get3A_21, %max3A_18, %dot_general3A_22 {dimension_numbers = #tpu.dot_dimension_numbers<[1], [0], [0], [1], [0, 0, 1, 1], [], []>, transpose_lhs_hint = false} : vector<16x16xf32>, vector<16x32000xf32>, vector<16x32000xf32> -> vector<16x32000xf32>
    %get3A_24 = arith.constant 0 : index
    %get3A_25 = arith.constant 1 : index
    %get3A_26 = vector.load %arg6[%get3A_24, %get3A_25] : memref<16x4xf32, #tpu.memory_space<vmem>>, vector<16x1xf32>
    %add3A_27 = vector.broadcast %get3A_26 : vector<16x1xf32> to vector<16x32000xf32>
    %add3A_28 = arith.addf %dot_general3A_23, %add3A_27 : vector<16x32000xf32>
    %max3A_29 = arith.constant 0.000000e+00 : f32
    %max3A_30 = vector.broadcast %max3A_29 : f32 to vector<16x32000xf32>
    %max3A_31 = arith.maximumf %add3A_28, %max3A_30 : vector<16x32000xf32>
    %reduce_sum3A = arith.constant dense<0.000000e+00> : vector<32000xf32>
    %reduce_sum3A_32 = vector.multi_reduction <add>, %max3A_31, %reduce_sum3A [0] : vector<16x32000xf32> to vector<32000xf32>
    %broadcast_in_dim3A = vector.shape_cast %reduce_sum3A_32 : vector<32000xf32> to vector<1x32000xf32>
    %div3A = arith.constant 1.600000e+01 : f32
    %div3A_33 = vector.broadcast %div3A : f32 to vector<1x32000xf32>
    %div3A_34 = arith.divf %broadcast_in_dim3A, %div3A_33 : vector<1x32000xf32>
    %sub3A = vector.broadcast %div3A_34 : vector<1x32000xf32> to vector<16x32000xf32>
    %sub3A_35 = arith.subf %max3A_31, %sub3A : vector<16x32000xf32>
    %mul3A = arith.mulf %sub3A_35, %sub3A_35 : vector<16x32000xf32>
    %reduce_sum3A_36 = arith.constant dense<0.000000e+00> : vector<32000xf32>
    %reduce_sum3A_37 = vector.multi_reduction <add>, %mul3A, %reduce_sum3A_36 [0] : vector<16x32000xf32> to vector<32000xf32>
    %broadcast_in_dim3A_38 = vector.shape_cast %reduce_sum3A_37 : vector<32000xf32> to vector<1x32000xf32>
    %div3A_39 = arith.constant 1.600000e+01 : f32
    %div3A_40 = vector.broadcast %div3A_39 : f32 to vector<1x32000xf32>
    %div3A_41 = arith.divf %broadcast_in_dim3A_38, %div3A_40 : vector<1x32000xf32>
    %add3A_42 = arith.constant 9.99999974E-6 : f32
    %add3A_43 = vector.broadcast %add3A_42 : f32 to vector<1x32000xf32>
    %add3A_44 = arith.addf %div3A_41, %add3A_43 : vector<1x32000xf32>
    %rsqrt3A = math.rsqrt %add3A_44 : vector<1x32000xf32>
    %mul3A_45 = vector.broadcast %rsqrt3A : vector<1x32000xf32> to vector<16x32000xf32>
    %mul3A_46 = arith.mulf %sub3A_35, %mul3A_45 : vector<16x32000xf32>
    %get3A_47 = arith.constant 0 : index
    %get3A_48 = arith.constant 2 : index
    %get3A_49 = vector.load %arg6[%get3A_47, %get3A_48] : memref<16x4xf32, #tpu.memory_space<vmem>>, vector<16x1xf32>
    %mul3A_50 = vector.broadcast %get3A_49 : vector<16x1xf32> to vector<16x32000xf32>
    %mul3A_51 = arith.mulf %mul3A_46, %mul3A_50 : vector<16x32000xf32>
    %get3A_52 = arith.constant 0 : index
    %get3A_53 = arith.constant 3 : index
    %get3A_54 = vector.load %arg6[%get3A_52, %get3A_53] : memref<16x4xf32, #tpu.memory_space<vmem>>, vector<16x1xf32>
    %add3A_55 = vector.broadcast %get3A_54 : vector<16x1xf32> to vector<16x32000xf32>
    %add3A_56 = arith.addf %mul3A_51, %add3A_55 : vector<16x32000xf32>
    %swap3A = arith.constant 0 : index
    %swap3A_57 = arith.constant 0 : index
    %swap3A_58 = vector.load %arg7[%swap3A, %swap3A_57] : memref<16x32000xf32, #tpu.memory_space<vmem>>, vector<16x32000xf32>
    tpu.vector_store %arg7[%swap3A, %swap3A_57], %add3A_56 {strides = array<i32>} : memref<16x32000xf32, #tpu.memory_space<vmem>>, vector<16x32000xf32>,
    return
  }
  func.func @transform_0(%arg0: i32) -> (i32, i32) {
    %c0_i32 = arith.constant 0 : i32
    %c0_i32_0 = arith.constant 0 : i32
    return %c0_i32, %arg0 : i32, i32
  }
  func.func @transform_1(%arg0: i32) -> (i32, i32) {
    %c0_i32 = arith.constant 0 : i32
    %c0_i32_0 = arith.constant 0 : i32
    return %c0_i32, %arg0 : i32, i32
  }
  func.func @transform_2(%arg0: i32) -> (i32, i32) {
    %c0_i32 = arith.constant 0 : i32
    %c0_i32_0 = arith.constant 0 : i32
    return %c0_i32, %arg0 : i32, i32
  }
  func.func @transform_3(%arg0: i32) -> (i32, i32) {
    %c0_i32 = arith.constant 0 : i32
    %c0_i32_0 = arith.constant 0 : i32
    %c0_i32_1 = arith.constant 0 : i32
    return %c0_i32, %c0_i32_0 : i32, i32
  }
  func.func @transform_4(%arg0: i32) -> (i32, i32) {
    %c0_i32 = arith.constant 0 : i32
    %c0_i32_0 = arith.constant 0 : i32
    %c0_i32_1 = arith.constant 0 : i32
    return %c0_i32, %c0_i32_0 : i32, i32
  }
  func.func @transform_5(%arg0: i32) -> (i32, i32) {
    %c0_i32 = arith.constant 0 : i32
    %c0_i32_0 = arith.constant 0 : i32
    %c0_i32_1 = arith.constant 0 : i32
    return %c0_i32, %c0_i32_0 : i32, i32
  }
  func.func @transform_6(%arg0: i32) -> (i32, i32) {
    %c0_i32 = arith.constant 0 : i32
    %c0_i32_0 = arith.constant 0 : i32
    return %c0_i32, %arg0 : i32, i32
  }
}

</mosaic_0001>

<sc_bundles>
// kernel: kernel.5.cloned.1.call-start
scs
__scs_entry_jumppad:
0x0: {  	(pc) =	sbr.rel $0x88, $3  }
0x1: {  	(tag) =	ssettag $0x0;
	lr =	simm.s32 $0x1  }
0x2: {  	[smem:$0x3F96] =	sst lr;
	_ =	strace $0xD0000000  }
0x3: {  	_ = 	snop  }
0x4: {  	_ = 	snop  }
0x5: {  	_ = 	snop  }
0x6: {  	_ = 	snop  }
0x7: {  	_ = 	snop  }
__scs_overlays_trampoline_lowered:
0x8: {  	[smem:$0x3FA5] =	sst s0  }
0x9: {  	[smem:$0x3FA6] =	sst s1  }
0xa: {  	[smem:$0x3FA7] =	sst s2  }
0xb: {  	[smem:$0x3FA8] =	sst s3  }
0xc: {  	[smem:$0x3FA9] =	sst s4  }
0xd: {  	[smem:$0x3FAA] =	sst s5  }
0xe: {  	[smem:$0x3FAB] =	sst s6  }
0xf: {  	[smem:$0x3FAC] =	sst s7  }
0x10: {  	[smem:$0x3FAD] =	sst s8  }
0x11: {  	[smem:$0x3FAE] =	sst s9;
	s0 =	simm.s32 @!p0 $0x0  }
0x12: {  	s1 =	sld [smem:$0x3F94];
	s0 =	simm.s32 @p0 $0x1  }
0x13: {  	[smem:$0x3FAF] =	sst s0;
	s0 =	simm.s32 @!p1 $0x0  }
0x14: {  	s2 =	sld [smem:$0x3F93];
	s0 =	simm.s32 @p1 $0x1  }
0x15: {  	[smem:$0x3FB0] =	sst s0;
	s0 =	simm.s32 @!p2 $0x0  }
0x16: {  	s3 =	sld [smem:$0x3FDB];
	s0 =	simm.s32 @p2 $0x1  }
0x17: {  	s4 =	simm.s32 $0x1BF5;
	[smem:$0x3FB2] =	sst s0  }
0x18: {  	s0 =	sld [smem:$0x3F95];
	_ =	swait.ge [sflag:s4], $0x0  }
0x19: {  	s7 =	sld [smem:$0x3F96]  }
0x1a: {  	s8 =	sadd.s32 $0xFFFFE003, lr  }
0x1b: {  	s9 =	sadd.s32 $0xFFFFFEF7, lr;
	s5 =	simm.s32 $0xFFFFFFFF;
	p2 =	slt.u32 s8, $0xFFFFF086  }
0x1c: {  	p1 =	slt.u32 s9, $0xF7A;
	s5 =	simm.s32 @!p2 $0x0  }
0x1d: {  	s5 =	simm.s32 @p1 $0x1;
	p0 =	seq.s32 s7, s2  }
0x1e: {  	s7 =	smul.u32 @!p0 $0xF7A, s2;
	p2 =	seq.s32 @!p0 s5, $0x0  }
0x1f: {  	s9 =	smul.u32 $0xF7A, s1;
	s8 =	simm.s32 @!p0 $0x1BF5;
	p2 =	por !p2, p0  }
0x20: {  	[sflag:s8] =	ssyncset.s32 @!p0 $0xFFFFF086;
	s6 =	sadd.s32 @!p0 s3, s7;
	s7 =	simm.s32 @!p0 $0x108  }
0x21: {  	s3 =	sadd.s32 s3, s9;
	s6 =	sadd.s32 @!p0 $0x88, s6;
	s7 =	simm.s32 @p2 $0x1082  }
0x22: {  	[simem:s7], [sflag:s8] =	dma.local @!p0 [hbm:s6], $0xF7A  }
0x23: {  	s9 =	sor.u32 $0xD0000000, s2;
	s6 =	simm.s32 $0x108;
	_ =	swait.ge @!p0 [sflag:s8], $0x0  }
0x24: {  	s3 =	sadd.s32 $0x88, s3;
	s6 =	simm.s32 @!p1 $0x1082;
	[sflag:s4] =	ssyncset.s32 $0xFFFFF086  }
0x25: {  	[simem:s6], [sflag:s4] =	dma.local [hbm:s3], $0xF7A  }
0x26: {  	[smem:$0x3F96] =	sst s1;
	(tag) =	ssettag s2;
	_ =	strace s9  }
0x27: {  	s1 =	sld [smem:$0x3FA6]  }
0x28: {  	s2 =	sld [smem:$0x3FA7]  }
0x29: {  	s4 =	sld [smem:$0x3FA9]  }
0x2a: {  	p0 =	seq.s32 s5, $0x0;
	s5 =	sld [smem:$0x3FAA]  }
0x2b: {  	s6 =	sld [smem:$0x3FAB]  }
0x2c: {  	s7 =	sld [smem:$0x3FAC]  }
0x2d: {  	s3 =	simm.s32 $0x108;
	s8 =	sld [smem:$0x3FAD]  }
0x2e: {  	s3 =	simm.s32 @!p0 $0x1082;
	s9 =	sld [smem:$0x3FAE]  }
0x2f: {  	lr =	sadd.s32 s0, s3;
	s0 =	sld [smem:$0x3FA5]  }
0x30: {  	s3 =	sld [smem:$0x3FA8]  }
0x31: {  	[smem:$0x3FB1] =	sst s10  }
0x32: {  	s10 =	sld [smem:$0x3FAF];
	_ =	sdelay $0x3  }
0x33: {  	p0 =	seq.s32 s10, $0x1;
	s10 =	sld [smem:$0x3FB1];
	_ =	sdelay $0x3  }
0x34: {  	[smem:$0x3FB1] =	sst s10  }
0x35: {  	s10 =	sld [smem:$0x3FB0];
	_ =	sdelay $0x3  }
0x36: {  	p1 =	seq.s32 s10, $0x1;
	s10 =	sld [smem:$0x3FB1];
	_ =	sdelay $0x3  }
0x37: {  	[smem:$0x3FB1] =	sst s10  }
0x38: {  	s10 =	sld [smem:$0x3FB2]  }
0x39: {  	_ = 	snop;
	(pc) =	sbr.ind lr, $3  }
0x3a: {  	_ = 	snop  }
0x3b: {  	_ = 	snop  }
0x3c: {  	p2 =	seq.s32 s10, $0x1;
	s10 =	sld [smem:$0x3FB1]  }
0x3d: {  	_ =	shalt  }
0x3e: {  	_ =	shalt  }
0x3f: {  	_ =	shalt  }
0x40: {  	_ =	shalt  }
0x41: {  	_ =	shalt  }
0x42: {  	_ =	shalt  }
0x43: {  	_ =	shalt  }
0x44: {  	_ =	shalt  }
0x45: {  	_ =	shalt  }
0x46: {  	_ =	shalt  }
0x47: {  	_ =	shalt  }
0x48: {  	_ =	shalt  }
0x49: {  	_ =	shalt  }
0x4a: {  	_ =	shalt  }
0x4b: {  	_ =	shalt  }
0x4c: {  	_ =	shalt  }
0x4d: {  	_ =	shalt  }
0x4e: {  	_ =	shalt  }
0x4f: {  	_ =	shalt  }
0x50: {  	_ =	shalt  }
0x51: {  	_ =	shalt  }
0x52: {  	_ =	shalt  }
0x53: {  	_ =	shalt  }
0x54: {  	_ =	shalt  }
0x55: {  	_ =	shalt  }
0x56: {  	_ =	shalt  }
0x57: {  	_ =	shalt  }
0x58: {  	_ =	shalt  }
0x59: {  	_ =	shalt  }
0x5a: {  	_ =	shalt  }
0x5b: {  	_ =	shalt  }
0x5c: {  	_ =	shalt  }
0x5d: {  	_ =	shalt  }
0x5e: {  	_ =	shalt  }
0x5f: {  	_ =	shalt  }
0x60: {  	_ =	shalt  }
0x61: {  	_ =	shalt  }
0x62: {  	_ =	shalt  }
0x63: {  	_ =	shalt  }
0x64: {  	_ =	shalt  }
0x65: {  	_ =	shalt  }
0x66: {  	_ =	shalt  }
0x67: {  	_ =	shalt  }
0x68: {  	_ =	shalt  }
0x69: {  	_ =	shalt  }
0x6a: {  	_ =	shalt  }
0x6b: {  	_ =	shalt  }
0x6c: {  	_ =	shalt  }
0x6d: {  	_ =	shalt  }
0x6e: {  	_ =	shalt  }
0x6f: {  	_ =	shalt  }
0x70: {  	_ =	shalt  }
0x71: {  	_ =	shalt  }
0x72: {  	_ =	shalt  }
0x73: {  	_ =	shalt  }
0x74: {  	_ =	shalt  }
0x75: {  	_ =	shalt  }
0x76: {  	_ =	shalt  }
0x77: {  	_ =	shalt  }
0x78: {  	_ =	shalt  }
0x79: {  	_ =	shalt  }
0x7a: {  	_ =	shalt  }
0x7b: {  	_ =	shalt  }
0x7c: {  	_ =	shalt  }
0x7d: {  	_ =	shalt  }
0x7e: {  	_ =	shalt  }
0x7f: {  	_ =	shalt  }
0x80: {  	_ =	shalt  }
0x81: {  	_ =	shalt  }
0x82: {  	_ =	shalt  }
0x83: {  	_ =	shalt  }
0x84: {  	_ =	shalt  }
0x85: {  	_ =	shalt  }
0x86: {  	_ =	shalt  }
0x87: {  	_ =	shalt  }
.Lfunc_end0:
.L_simem_size_0:
called_computation_lowered:
.L_overlay_start_0:
0x88: {  	s2 =	sld [smem:$0x3FD9]  }
0x89: {  	s3 =	sld [smem:$0x3FFE];
	_ =	sdelay $0x1  }
0x8a: {  	s1 =	srdreg.scid  }
0x8b: {  	s0 =	sand.u32 $0x1, s1  }
0x8c: {  	s17 =	sshll.u32 s0, $0xA;
	s2 =	sadd.s32 s3, s2  }
0x8d: {  	s2 =	sadd.s32 s2, s17  }
0x8e: {  	[smem:$0x3FBD] =	sst s2  }
0x8f: {  	_ = 	snop  }
0x90: {  	s2 =	sld [smem:$0x3FD0];
	(tm) =	ssettm $0x1  }
0x91: {  	s18 =	sld [smem:$0x3FFB];
	_ =	sdelay $0x3  }
0x92: {  	_ =	strace s18  }
0x93: {  	s3 =	sld [smem:$0x3FFC];
	_ =	sdelay $0x3  }
0x94: {  	_ =	strace s3  }
0x95: {  	s3 =	sld [smem:$0x3FFD];
	_ =	sdelay $0x3  }
0x96: {  	_ =	strace s3  }
0x97: {  	_ =	strace $0x8FFFFFFF  }
0x98: {  	s19 =	sld [smem:$0x3FDB];
	_ =	sdelay $0x1  }
0x99: {  	s4 =	simm.s32 $_scs_section_size  }
0x9a: {  	s5 =	simm.s32 $_size__tile_overlayer_lowered;
	s6 =	simm.s32 $_tile_overlayer_lowered  }
0x9b: {  	s22 =	simm.s32 $0x1BFF;
	s21 =	sshll.u32 s6, $0x1;
	s3 =	sadd.s32 s4, s19  }
0x9c: {  	s7 =	simm.s32 $0x0;
	s20 =	sshll.u32 s5, $0x1;
	s5 =	sadd.s32 s21, s3  }
0x9d: {  	[timem:s7], [sflag:s22] =	dma.local [hbm:s5], s20  }
0x9e: {  	_ =	swait.ge [sflag:s22], s20  }
0x9f: {  	s4 =	ssub.s32 $0x0, s20;
	[sflag:s22] =	ssyncset.done $0x0  }
0xa0: {  	[sflag:s22] =	ssyncadd.s32 s4;
	_ =	sdelay $0x1  }
0xa1: {  	s23 =	simm.s32 $0x1B8B  }
0xa2: {  	_ =	swait.ge [sflag:s23], $0x1  }
0xa3: {  	[sflag:s23] =	ssyncset.done $0x0  }
0xa4: {  	s25 =	simm.s32 $0x1B8E;
	s24 =	sld [smem:$0x3FFE];
	[sflag:s23] =	ssyncadd.s32 $0xFFFFFFFF  }
0xa5: {  	s26 =	simm.s32 $execute0_lowered;
	[smem:$0x3FD2] =	sst s25  }
0xa6: {  	s5 =	sshll.u32 s26, $0x1;
	_ =	strace $0x80000046;
	[dreg:$0x1] =	wrdreg $0xFFFFFFFF  }
0xa7: {  	s28 =	simm.s32 $_size_execute0_lowered;
	s3 =	sadd.s32 s3, s5;
	[dreg:$0x0] =	wrdreg $0x0  }
0xa8: {  	s5 =	sshll.u32 s28, $0x1;
	[dreg:$0x2] =	wrdreg s3  }
0xa9: {  	[dreg:$0x3] =	wrdreg s5  }
0xaa: {  	[dreg:$0x4] =	wrdreg $0xC0  }
0xab: {  	_ =	task [dreg:s7], $0x5FFFF  }
0xac: {  	[dreg:$0x1] =	wrdreg $0xFFFFFFFF  }
0xad: {  	[dreg:$0x0] =	wrdreg $0x60  }
0xae: {  	[dreg:$0x2] =	wrdreg s24  }
0xaf: {  	[dreg:$0x3] =	wrdreg s2  }
0xb0: {  	[dreg:$0x4] =	wrdreg $0x9  }
0xb1: {  	_ =	task.clear_ibuf [dreg:s7], $0x5FFFF;
	_ =	strace $0x90000046  }
0xb2: {  	s29 =	simm.s32 $0x9;
	_ =	strace $0x80000048  }
0xb3: {  	_ =	swait.ge [sflag:s29], $0x1  }
0xb4: {  	[sflag:s29] =	ssyncadd.s32 $0xFFFFFFFF  }
0xb5: {  	_ =	strace $0x90000048  }
0xb6: {  	_ =	sfence  }
0xb7: {  	s30 =	sld [smem:$0x0];
	_ =	sdelay $0x2  }
0xb8: {  	s31 =	sshll.u32 s1, $0xD;
	s1 =	sshrl.u32 s1, $0x2  }
0xb9: {  	s3 =	sand.u32 $0x4000, s31;
	s1 =	sadd.s32 s1, s30  }
0xba: {  	s0 =	sor.u32 s3, s0;
	s1 =	sshll.u32 s1, $0x11  }
0xbb: {  	s0 =	sor.u32 s1, s0  }
0xbc: {  	s0 =	sadd.s32 $0x8F2B, s0  }
0xbd: {  	[sflag:s0] =	ssyncadd.remote.s32 $0x1  }
0xbe: {  	_ =	sfence.sel $0xFFFF  }
0xbf: {  	[dreg:$0x0] =	wrdreg $0xFFFFFFFF;
	(pc) =	sbr.abs _section_cstart, $3  }
0xc0: {  	[dreg:$0x1] =	wrdreg $0xFFFFFFFF  }
0xc1: {  	_ =	task.clear_ibuf [dreg:s7], $0x2FFFF;
	_ =	strace $0x9FFFFFFF  }
0xc2: {  	(tm) =	ssettm $0x7FFFFFFF  }
0xc3: {  	_ =	shalt  }
tec
execute0_lowered:
.L_overlay_start_1:
0x0: {  	(tag) =	ssettag $0x1  }
0x1: {  	s0 =	rddreg [dreg:$0x0]  }
0x2: {  	s1 =	srdreg.scid;
	s3 =	stileid.u32  }
0x3: {  	s2 =	rddreg [dreg:$0x1];
	s13 =	simm.s32 $0xA;
	s17 =	simm.s32 $0x7E20  }
0x4: {  	s18 =	simm.s32 $0x9620;
	s1 =	sand.u32 $0x1, s1;
	s4 =	sshll.u32 s3, $0x1  }
0x5: {  	s31 =	simm.s32 $0x2;
	s28 =	simm.s32 $0x4;
	s4 =	sor.u32 s1, s4  }
0x6: {  	s30 =	simm.s32 $0xF6A0;
	s29 =	simm.s32 $0x12180;
	s4 =	smul.u32 $0x2710, s4  }
0x7: {  	s12 =	simm.s32 $0x0;
	s3 =	simm.s32 $0x0;
	s5 =	sadd.s32 $0x15A00, s0  }
0x8: {  	s6 =	sadd.s32 $0x1AA00, s0;
	s7 =	sadd.s32 $0x1FA00, s0;
	s8 =	sshrl.u32 s4, $0x3  }
0x9: {  	[smem:$0x7FF] =	sst s3;
	s1 =	ssub.s32 $0x2, s1;
	s9 =	sadd.s32 s8, s0  }
0xa: {  	_ =	strace $0x80000047;
	s19 =	sshrl.u32 s1, $0x1;
	s20 =	sadd.s32 $0xBC00, s9  }
0xb: {  	s21 =	sadd.s32 $0x480, s8;
	s9 =	sadd.s32 $0x1E00, s9;
	[dreg:$0x3] =	wrdreg s20  }
0xc: {  	s0 =	ssub.s32 s1, s19;
	s22 =	sadd.s32 s2, s21;
	[dreg:$0x4] =	wrdreg s9  }
0xd: {  	s23 =	sadd.s32 $0x4B0, s8;
	s1 =	sadd.s32 s7, s21;
	[dreg:$0x5] =	wrdreg s22  }
0xe: {  	s8 =	sadd.s32 $0x4E0, s8;
	s24 =	sadd.s32 s2, s23;
	[dreg:$0x6] =	wrdreg s1  }
0xf: {  	s10 =	sadd.s32 $0x180, s4;
	s25 =	sadd.s32 s2, s8;
	[dreg:$0x7] =	wrdreg s24  }
0x10: {  	v0 =	vlaneseq.u32;
	s19 =	simm.s32 $0x10F20;
	s26 =	sadd.s32 s7, s8;
	[dreg:$0x9] =	wrdreg s25  }
0x11: {  	v0 =	vmul.u32 $0x188, v0;
	s0 =	smax.u32 s0, $0x1;
	s8 =	simm.s32 $0x11FF8;
	[dreg:$0xa] =	wrdreg s26  }
0x12: {  	v1 =	vimm.s32 $0x0;
	vm0 =	vcmask $0x300;
	s21 =	simm.s32 $0x12490;
	s1 =	sadd.s32 s7, s23;
	[dreg:$0xb] =	wrdreg s0  }
0x13: {  	v1 =	vsel vm0, $0x3, v1;
	v2 =	vor.u32 $0x1, v0;
	s20 =	simm.s32 $0x80;
	s0 =	simm.s32 $0x1;
	s26 =	simm.s32 $0xDE20  }
0x14: {  	v3 =	vor.u32 $0x2, v0;
	v4 =	vor.u32 $0x3, v0;
	v5 =	vor.u32 $0x4, v0;
	s25 =	simm.s32 $0x3;
	s22 =	simm.s32 $0x5;
	s23 =	simm.s32 $0x6  }
0x15: {  	v6 =	vor.u32 $0x5, v0;
	v7 =	vor.u32 $0x6, v0;
	v8 =	vor.u32 $0x7, v0;
	s9 =	simm.s32 $0x12308;
	[dreg:$0x8] =	wrdreg s1;
	s1 =	simm.s32 $0x12618  }
.LBB2_1:
0x16: {  	[dreg:$0xc] =	wrdreg s12  }
0x17: {  	s11 =	rddreg [dreg:$0x3]  }
0x18: {  	[tilespmem:s3], [sflag:$0xA] =	stream.linear.gather [hbm4b:s11+s3], $0x2710, $0x38;
	[tilespmem:$0x127A0] =	vst v63  }
0x19: {  	_ =	swait.ge [sflag:s13], $0x2710  }
0x1a: {  	[sflag:s13] =	ssyncset.done $0x0  }
0x1b: {  	s24 =	simm.s32 $0x2710;
	s16 =	rddreg [dreg:$0x4];
	[sflag:s13] =	ssyncadd.s32 $0xFFFFD8F0  }
0x1c: {  	[tilespmem:s24], [sflag:$0xA] =	stream.linear.gather [hbm4b:s16+s3], $0x2710, $0x38;
	[tilespmem:$0x127A0] =	vst v63  }
0x1d: {  	_ =	swait.ge [sflag:s13], $0x2710  }
0x1e: {  	[sflag:s13] =	ssyncset.done $0x0  }
0x1f: {  	[sflag:s13] =	ssyncadd.s32 $0xFFFFD8F0;
	s13 =	simm.s32 $0x4E20  }
0x20: {  	[tilespmem:s13], [sflag:$0x1] =	stream.indirect.gather [hbm4b:s5+s20], $0x10, s3, s20, $0xb8;
	[tilespmem:$0x127A0] =	vst v63  }
0x21: {  	s14 =	simm.s32 $0x6620  }
0x22: {  	[tilespmem:s14], [sflag:$0x2] =	stream.indirect.gather [hbm4b:s6+s20], $0x10, s24, s20, $0xb8;
	[tilespmem:$0x127A0] =	vst v63  }
0x23: {  	s15 =	simm.s32 $0x5620  }
0x24: {  	[tilespmem:s15], [sflag:$0x1] =	stream.indirect.gather [hbm4b:s5+s20], $0x10, s20, s20, $0xb8;
	[tilespmem:$0x127A0] =	vst v63  }
0x25: {  	s16 =	simm.s32 $0x2790;
	s24 =	simm.s32 $0x6E20  }
0x26: {  	[tilespmem:s24], [sflag:$0x2] =	stream.indirect.gather [hbm4b:s6+s20], $0x10, s16, s20, $0xb8;
	[tilespmem:$0x127A0] =	vst v63  }
0x27: {  	s12 =	simm.s32 $0x100;
	s13 =	simm.s32 $0x5E20  }
0x28: {  	[tilespmem:s13], [sflag:$0x1] =	stream.indirect.gather [hbm4b:s5+s20], $0x10, s12, s20, $0xb8;
	[tilespmem:$0x127A0] =	vst v63  }
0x29: {  	s14 =	simm.s32 $0x2810;
	s15 =	simm.s32 $0x7620  }
0x2a: {  	[tilespmem:s15], [sflag:$0x2] =	stream.indirect.gather [hbm4b:s6+s20], $0x10, s14, s20, $0xb8;
	[tilespmem:$0x127A0] =	vst v63  }
0x2b: {  	s16 =	simm.s32 $0x180  }
0x2c: {  	[tilespmem:s17], [sflag:$0x3] =	stream.indirect.gather [hbm4b:s5+s20], $0x10, s16, s20, $0xb8;
	[tilespmem:$0x127A0] =	vst v63  }
0x2d: {  	s24 =	simm.s32 $0x2890  }
0x2e: {  	[tilespmem:s18], [sflag:$0x4] =	stream.indirect.gather [hbm4b:s6+s20], $0x10, s24, s20, $0xb8;
	[tilespmem:$0x127A0] =	vst v63  }
0x2f: {  	s12 =	simm.s32 $0x200;
	s13 =	simm.s32 $0x8620  }
0x30: {  	[tilespmem:s13], [sflag:$0x3] =	stream.indirect.gather [hbm4b:s5+s20], $0x10, s12, s20, $0xb8;
	[tilespmem:$0x127A0] =	vst v63  }
0x31: {  	s14 =	simm.s32 $0x2910;
	s15 =	simm.s32 $0x9E20  }
0x32: {  	[tilespmem:s15], [sflag:$0x4] =	stream.indirect.gather [hbm4b:s6+s20], $0x10, s14, s20, $0xb8;
	[tilespmem:$0x127A0] =	vst v63  }
0x33: {  	s16 =	simm.s32 $0x280;
	s17 =	simm.s32 $0x8E20  }
0x34: {  	[tilespmem:s17], [sflag:$0x3] =	stream.indirect.gather [hbm4b:s5+s20], $0x10, s16, s20, $0xb8;
	[tilespmem:$0x127A0] =	vst v63  }
0x35: {  	s18 =	simm.s32 $0x2990;
	s24 =	simm.s32 $0xA620;
	s17 =	simm.s32 $0x0  }
0x36: {  	[tilespmem:s24], [sflag:$0x4] =	stream.indirect.gather [hbm4b:s6+s20], $0x10, s18, s20, $0xb8;
	[tilespmem:$0x127A0] =	vst v63  }
.LBB2_2:
0x37: {  	s11 =	smul.u32 $0x480, s17;
	_ =	sdelay $0x1  }
0x38: {  	s12 =	simm.s32 $0xAE20;
	s18 =	sadd.s32 $0x300, s11  }
0x39: {  	[tilespmem:s12], [sflag:$0x5] =	stream.indirect.gather [hbm4b:s5+s20], $0x10, s18, s20, $0xb8;
	[tilespmem:$0x127A0] =	vst v63  }
0x3a: {  	s13 =	simm.s32 $0xC620;
	s24 =	sadd.s32 $0x2A10, s11  }
0x3b: {  	[tilespmem:s13], [sflag:$0x6] =	stream.indirect.gather [hbm4b:s6+s20], $0x10, s24, s20, $0xb8;
	[tilespmem:$0x127A0] =	vst v63  }
0x3c: {  	s15 =	simm.s32 $0xB620;
	s14 =	sadd.s32 $0x380, s11  }
0x3d: {  	[tilespmem:s15], [sflag:$0x5] =	stream.indirect.gather [hbm4b:s5+s20], $0x10, s14, s20, $0xb8;
	[tilespmem:$0x127A0] =	vst v63  }
0x3e: {  	s16 =	sadd.s32 $0x2A90, s11;
	s24 =	simm.s32 $0xCE20  }
0x3f: {  	[tilespmem:s24], [sflag:$0x6] =	stream.indirect.gather [hbm4b:s6+s20], $0x10, s16, s20, $0xb8;
	[tilespmem:$0x127A0] =	vst v63  }
0x40: {  	s13 =	sadd.s32 $0x400, s11;
	s14 =	simm.s32 $0xBE20  }
0x41: {  	[tilespmem:s14], [sflag:$0x5] =	stream.indirect.gather [hbm4b:s5+s20], $0x10, s13, s20, $0xb8;
	[tilespmem:$0x127A0] =	vst v63  }
0x42: {  	s15 =	sadd.s32 $0x2B10, s11;
	s16 =	simm.s32 $0xD620  }
0x43: {  	[tilespmem:s16], [sflag:$0x6] =	stream.indirect.gather [hbm4b:s6+s20], $0x10, s15, s20, $0xb8;
	[tilespmem:$0x127A0] =	vst v63  }
0x44: {  	_ =	swait.ge [sflag:s0], $0x1800  }
0x45: {  	[sflag:s0] =	ssyncset.done $0x0  }
0x46: {  	[sflag:s0] =	ssyncadd.s32 $0xFFFFE800  }
0x47: {  	_ =	swait.ge [sflag:s31], $0x1800  }
0x48: {  	p0 =	seq.s32 s17, $0x0;
	[sflag:s31] =	ssyncset.done $0x0  }
0x49: {  	s12 =	simm.s32 @!p0 $0x7;
	[sflag:s31] =	ssyncadd.s32 $0xFFFFE800  }
0x4a: {  	_ =	swait.ge @!p0 [sflag:s12], $0xC00  }
0x4b: {  	[sflag:s12] =	ssyncset.done @!p0 $0x0  }
0x4c: {  	[sflag:s12] =	ssyncadd.s32 @!p0 $0xFFFFF400  }
0x4d: {  	_ =	swait.ge @!p0 [sflag:s12], $0xC00  }
0x4e: {  	s14 =	simm.s32 $0x7;
	[sflag:s12] =	ssyncset.done @!p0 $0x0  }
0x4f: {  	s24 =	simm.s32 $0x1;
	s13 =	simm.s32 $0x4E60;
	v9 =	vmov s14;
	[sflag:s12] =	ssyncadd.s32 @!p0 $0xFFFFF400  }
0x50: {  	v11 =	vmov s24;
	v9 =	vshrl.u32 v9, $0x3;
	s12 =	simm.s32 $0x6660;
	v10 =	vld [tilespmem:s13+$0x30]  }
0x51: {  	v11 =	vshrl.u32 v11, $0x3;
	v9 =	vshll.u32 v9, v1;
	v12 =	vld [tilespmem:s12+$0x30]  }
0x52: {  	s24 =	simm.s32 $0x3;
	v11 =	vshll.u32 v11, v1;
	s16 =	simm.s32 $0x2;
	v13 =	vbroadcast v9, $0x0;
	v9 =	vld [tilespmem:s12+$0xFFFFFFC0]  }
0x53: {  	v17 =	vmov s24;
	s15 =	simm.s32 $0x0;
	v11 =	vbroadcast v11, $0x0;
	v15 =	vmov s16;
	v16 =	vld [tilespmem:s13+$0xFFFFFFD0]  }
0x54: {  	s24 =	simm.s32 $0x5;
	v14 =	vmov s15;
	v18 =	vadd.s32 v8, v13;
	v13 =	vshrl.u32 v15, $0x3;
	v19 =	vld [tilespmem:s12+$0xFFFFFFD0]  }
0x55: {  	v22 =	vmov s24;
	v14 =	vshrl.u32 v14, $0x3;
	v13 =	vshll.u32 v13, v1;
	v20 =	vld [tilespmem:s13+$0xFFFFFFE0]  }
0x56: {  	s16 =	simm.s32 $0x4;
	v11 =	vadd.s32 v2, v11;
	v15 =	vshrl.u32 v17, $0x3;
	v13 =	vbroadcast v13, $0x0;
	v17 =	vld [tilespmem:s12+$0xFFFFFFE0]  }
0x57: {  	v21 =	vld [tilespmem:s13+$0xFFFFFFF0];
	v12 =	vadd.f32 v12, v10;
	v10 =	vshll.u32 v15, v1;
	v15 =	vmov s16  }
0x58: {  	v23 =	vadd.s32 v3, v13;
	v24 =	vld [tilespmem:s12+$0xFFFFFFF0];
	v10 =	vbroadcast v10, $0x0;
	v15 =	vshrl.u32 v15, $0x3  }
0x59: {  	v13 =	vshll.u32 v14, v1;
	v14 =	vld [tilespmem:s13+$0x0];
	v16 =	vadd.f32 v19, v16;
	v19 =	vshll.u32 v15, v1  }
0x5a: {  	v22 =	vshrl.u32 v22, $0x3;
	s16 =	simm.s32 $0x6;
	v15 =	vld [tilespmem:s12+$0x0];
	v10 =	vadd.s32 v4, v10;
	v19 =	vbroadcast v19, $0x0  }
0x5b: {  	[tilespmem:v18+s26+$0x0] =	vst.idx.msk $0xffff, v12;
	v18 =	vadd.f32 v17, v20;
	v12 =	vld [tilespmem:s13+$0x10];
	v20 =	vshll.u32 v22, v1;
	v22 =	vmov s16  }
0x5c: {  	s24 =	simm.s32 $0x9;
	[tilespmem:v11+s26+$0x0] =	vst.idx.msk $0xffff, v16;
	v17 =	vld [tilespmem:s12+$0x10];
	v20 =	vbroadcast v20, $0x0;
	v22 =	vshrl.u32 v22, $0x3;
	v11 =	vadd.s32 v5, v19  }
0x5d: {  	s14 =	simm.s32 $0x8;
	s15 =	simm.s32 $0x10;
	s16 =	simm.s32 $0xF;
	v16 =	vld [tilespmem:s13+$0x20];
	[tilespmem:v23+s26+$0x0] =	vst.idx.msk $0xffff, v18;
	v18 =	vadd.f32 v24, v21;
	v21 =	vshll.u32 v22, v1;
	v19 =	vmov s24  }
.LBB2_3:
0x5e: {  	p1 =	slt.u32 s15, $0x178;
	v22 =	vmov s16;
	v20 =	vadd.s32 v6, v20;
	v23 =	vld [tilespmem:s12+$0x20];
	v21 =	vbroadcast v21, $0x0  }
0x5f: {  	v13 =	vbroadcast v13, $0x0;
	v22 =	vshrl.u32 v22, $0x3;
	v24 =	vld [tilespmem:s13+$0xFFFFFFC0];
	[tilespmem:v10+s26+$0x0] =	vst.idx.msk $0xffff, v18;
	v10 =	vadd.f32 v15, v14;
	s13 =	sadd.s32 $0x80, s13  }
0x60: {  	s12 =	sadd.s32 $0x80, s12;
	v14 =	vshrl.u32 v19, $0x3;
	v15 =	vld [tilespmem:s13+$0x30];
	v18 =	vshll.u32 v22, v1;
	v19 =	vadd.s32 v7, v21  }
0x61: {  	s16 =	sadd.s32 $0x2, s14;
	v13 =	vadd.s32 v0, v13;
	v21 =	vld [tilespmem:s12+$0x30];
	v18 =	vbroadcast v18, $0x0;
	[tilespmem:v11+s26+$0x0] =	vst.idx.msk $0xffff, v10;
	v10 =	vadd.f32 v17, v12  }
0x62: {  	v14 =	vshll.u32 v14, v1;
	v12 =	vmov s14;
	v17 =	vmov s16;
	s16 =	sadd.s32 $0x3, s14;
	v11 =	vld [tilespmem:s12+$0xFFFFFFC0]  }
0x63: {  	v25 =	vmov s16;
	v22 =	vld [tilespmem:s13+$0xFFFFFFD0];
	v18 =	vadd.s32 v8, v18;
	[tilespmem:v20+s26+$0x0] =	vst.idx.msk $0xffff, v10;
	v10 =	vadd.f32 v23, v16  }
0x64: {  	v14 =	vbroadcast v14, $0x0;
	v17 =	vshrl.u32 v17, $0x3;
	v16 =	vld [tilespmem:s12+$0xFFFFFFD0];
	v26 =	vadd.f32 v9, v24  }
0x65: {  	v12 =	vshrl.u32 v12, $0x3;
	v17 =	vshll.u32 v17, v1;
	v23 =	vshrl.u32 v25, $0x3;
	v20 =	vld [tilespmem:s13+$0xFFFFFFE0];
	[tilespmem:v19+s26+$0x0] =	vst.idx.msk $0xffff, v10  }
0x66: {  	s24 =	sadd.s32 $0x5, s14;
	s16 =	sadd.s32 $0x4, s14;
	v19 =	vadd.s32 v2, v14;
	v10 =	vbroadcast v17, $0x0;
	v24 =	vld [tilespmem:s12+$0xFFFFFFE0];
	v14 =	vadd.f32 v21, v15;
	[tilespmem:v13+s26+$0x0] =	vst.idx.msk $0xffff, v26  }
0x67: {  	v17 =	vmov s24;
	v13 =	vshll.u32 v23, v1;
	v15 =	vmov s16;
	v21 =	vld [tilespmem:s13+$0xFFFFFFF0];
	v9 =	vmovc v11  }
0x68: {  	v23 =	vadd.s32 v3, v10;
	v10 =	vbroadcast v13, $0x0;
	v11 =	vshrl.u32 v15, $0x3;
	v25 =	vld [tilespmem:s12+$0xFFFFFFF0];
	[tilespmem:v18+s26+$0x0] =	vst.idx.msk $0xffff, v14  }
.Ltmp0:
0x69: {  	v13 =	vshll.u32 v12, v1;
	v11 =	vshll.u32 v11, v1;
	v12 =	vadd.f32 v16, v22;
	v14 =	vld [tilespmem:s13+$0x0];
	(pc) =	sbr.rel @p1 .LBB2_3-.Ltmp0, $4  }
0x6a: {  	s16 =	sadd.s32 $0x6, s14;
	s14 =	smov.u32 s15;
	v10 =	vadd.s32 v4, v10;
	v11 =	vbroadcast v11, $0x0;
	v16 =	vshrl.u32 v17, $0x3;
	v15 =	vld [tilespmem:s12+$0x0]  }
0x6b: {  	v16 =	vshll.u32 v16, v1;
	[tilespmem:v19+s26+$0x0] =	vst.idx.msk $0xffff, v12;
	v18 =	vadd.f32 v24, v20;
	v12 =	vld [tilespmem:s13+$0x10];
	v19 =	vmov s16  }
0x6c: {  	s16 =	sadd.s32 $0x1, s15;
	v11 =	vadd.s32 v5, v11;
	v20 =	vbroadcast v16, $0x0;
	v17 =	vld [tilespmem:s12+$0x10];
	v22 =	vshrl.u32 v19, $0x3  }
0x6d: {  	s15 =	sadd.s32 $0x8, s15;
	v19 =	vmov s16;
	s16 =	sadd.s32 $0x7, s14;
	[tilespmem:v23+s26+$0x0] =	vst.idx.msk $0xffff, v18;
	v18 =	vadd.f32 v25, v21;
	v16 =	vld [tilespmem:s13+$0x20];
	v21 =	vshll.u32 v22, v1  }
0x6e: {  	v22 =	vld [tilespmem:s12+$0x20]  }
0x6f: {  	v23 =	vmov s16;
	v24 =	vld [tilespmem:s13+$0xFFFFFFC0];
	s13 =	sadd.s32 $0x80, s13  }
0x70: {  	v20 =	vadd.s32 v6, v20;
	v21 =	vbroadcast v21, $0x0;
	s12 =	sadd.s32 $0x80, s12;
	v13 =	vbroadcast v13, $0x0;
	v25 =	vld [tilespmem:s13+$0x30]  }
0x71: {  	v19 =	vshrl.u32 v19, $0x3;
	s15 =	sadd.s32 $0x2, s14;
	s24 =	sadd.s32 $0x3, s14;
	v23 =	vshrl.u32 v23, $0x3;
	v14 =	vadd.f32 v15, v14;
	v26 =	vld [tilespmem:s12+$0xFFFFFFC0]  }
0x72: {  	s16 =	sadd.s32 $0x4, s14;
	v27 =	vld [tilespmem:s13+$0xFFFFFFD0];
	v19 =	vshll.u32 v19, v1;
	v28 =	vmov s15;
	v29 =	vmov s24  }
0x73: {  	v30 =	vld [tilespmem:s12+$0xFFFFFFD0];
	v32 =	vmov s16;
	v15 =	vshll.u32 v23, v1;
	v21 =	vadd.s32 v7, v21  }
0x74: {  	v57 =	vld [tilespmem:s13+$0xFFFFFFE0];
	s24 =	sadd.s32 $0x5, s14;
	v13 =	vadd.s32 v0, v13;
	v19 =	vbroadcast v19, $0x0;
	v29 =	vshrl.u32 v29, $0x3  }
0x75: {  	v58 =	vld [tilespmem:s12+$0xFFFFFFE0];
	[tilespmem:v10+s26+$0x0] =	vst.idx.msk $0xffff, v18;
	v33 =	vmov s24;
	v18 =	vshrl.u32 v32, $0x3;
	v15 =	vbroadcast v15, $0x0  }
0x76: {  	v31 =	vld [tilespmem:s13+$0xFFFFFFF0];
	s24 =	sadd.s32 $0x6, s14;
	v12 =	vadd.f32 v17, v12;
	v17 =	vmov s14;
	v59 =	vshll.u32 v29, v1  }
0x77: {  	v60 =	vld [tilespmem:s12+$0xFFFFFFF0];
	[tilespmem:v11+s26+$0x0] =	vst.idx.msk $0xffff, v14;
	v11 =	vshll.u32 v18, v1;
	v14 =	vshrl.u32 v33, $0x3;
	v62 =	vmov s24  }
0x78: {  	v34 =	vld [tilespmem:s13+$0x0];
	v17 =	vshrl.u32 v17, $0x3;
	v19 =	vadd.s32 v2, v19;
	v10 =	vbroadcast v59, $0x0  }
0x79: {  	v23 =	vld [tilespmem:s12+$0x30];
	v15 =	vadd.s32 v8, v15;
	v16 =	vadd.f32 v22, v16;
	v22 =	vshrl.u32 v28, $0x3  }
0x7a: {  	v18 =	vld [tilespmem:s13+$0x10];
	v9 =	vadd.f32 v9, v24;
	[tilespmem:v20+s26+$0x0] =	vst.idx.msk $0xffff, v12;
	v12 =	vshll.u32 v14, v1;
	v20 =	vshrl.u32 v62, $0x3  }
0x7b: {  	v14 =	vld [tilespmem:s12+$0x10];
	v22 =	vshll.u32 v22, v1;
	v10 =	vadd.s32 v4, v10;
	v12 =	vbroadcast v12, $0x0;
	[tilespmem:v21+s26+$0x0] =	vst.idx.msk $0xffff, v16  }
0x7c: {  	v20 =	vshll.u32 v20, v1;
	v22 =	vbroadcast v22, $0x0;
	v16 =	vld [tilespmem:s13+$0x20];
	[tilespmem:v13+s26+$0x0] =	vst.idx.msk $0xffff, v9;
	v9 =	vadd.f32 v30, v27  }
0x7d: {  	v17 =	vshll.u32 v17, v1;
	v13 =	vld [tilespmem:s12+$0x20];
	v20 =	vbroadcast v20, $0x0;
	v12 =	vadd.s32 v6, v12  }
0x7e: {  	v17 =	vbroadcast v17, $0x0;
	v21 =	vld [tilespmem:s13+$0xFFFFFFC0];
	v22 =	vadd.s32 v3, v22;
	[tilespmem:v19+s26+$0x0] =	vst.idx.msk $0xffff, v9;
	v9 =	vadd.f32 v60, v31  }
0x7f: {  	v61 =	vld [tilespmem:s12+$0x0];
	v11 =	vbroadcast v11, $0x0;
	v23 =	vadd.f32 v23, v25;
	v19 =	vadd.s32 v7, v20  }
0x80: {  	v17 =	vadd.s32 v0, v17;
	[tilespmem:v10+s26+$0x0] =	vst.idx.msk $0xffff, v9;
	v9 =	vadd.f32 v14, v18  }
0x81: {  	v11 =	vadd.s32 v5, v11;
	[tilespmem:v15+s26+$0x0] =	vst.idx.msk $0xffff, v23;
	v15 =	vadd.f32 v58, v57  }
0x82: {  	v10 =	vadd.f32 v13, v16;
	[tilespmem:v12+s26+$0x0] =	vst.idx.msk $0xffff, v9  }
0x83: {  	v9 =	vadd.f32 v26, v21;
	[tilespmem:v22+s26+$0x0] =	vst.idx.msk $0xffff, v15  }
0x84: {  	s15 =	sadd.s32 s4, s11;
	v15 =	vadd.f32 v61, v34;
	[tilespmem:v19+s26+$0x0] =	vst.idx.msk $0xffff, v10  }
0x85: {  	s12 =	sshrl.u32 s15, $0x3;
	[tilespmem:v17+s26+$0x0] =	vst.idx.msk $0xffff, v9  }
0x86: {  	s13 =	sadd.s32 s2, s12;
	[tilespmem:v11+s26+$0x0] =	vst.idx.msk $0xffff, v15  }
0x87: {  	[hbm4b:s13+s3] =	stream.linear.scatter [tilespmem:s26], [sflag:$0x7], $0x180, $0x38;
	[tilespmem:$0x127A0] =	vst v63  }
0x88: {  	s24 =	simm.s32 $0xDFA8;
	s16 =	sadd.s32 $0x9C40, s13  }
0x89: {  	[hbm4b:s16+s3] =	stream.linear.scatter [tilespmem:s24], [sflag:$0x7], $0x180, $0x38;
	[tilespmem:$0x127A0] =	vst v63  }
0x8a: {  	s16 =	sadd.s32 $0x13880, s13;
	s24 =	simm.s32 $0xE130  }
0x8b: {  	[hbm4b:s16+s3] =	stream.linear.scatter [tilespmem:s24], [sflag:$0x7], $0x180, $0x38;
	[tilespmem:$0x127A0] =	vst v63  }
0x8c: {  	s16 =	sadd.s32 $0x1D4C0, s13;
	s24 =	simm.s32 $0xE2B8  }
0x8d: {  	[hbm4b:s16+s3] =	stream.linear.scatter [tilespmem:s24], [sflag:$0x7], $0x180, $0x38;
	[tilespmem:$0x127A0] =	vst v63  }
0x8e: {  	s16 =	sadd.s32 $0x27100, s13;
	s24 =	simm.s32 $0xE440  }
0x8f: {  	[hbm4b:s16+s3] =	stream.linear.scatter [tilespmem:s24], [sflag:$0x7], $0x180, $0x38;
	[tilespmem:$0x127A0] =	vst v63  }
0x90: {  	s16 =	sadd.s32 $0x30D40, s13;
	s24 =	simm.s32 $0xE5C8  }
0x91: {  	[hbm4b:s16+s3] =	stream.linear.scatter [tilespmem:s24], [sflag:$0x7], $0x180, $0x38;
	[tilespmem:$0x127A0] =	vst v63  }
0x92: {  	s16 =	sadd.s32 $0x3A980, s13;
	s24 =	simm.s32 $0xE750  }
0x93: {  	[hbm4b:s16+s3] =	stream.linear.scatter [tilespmem:s24], [sflag:$0x7], $0x180, $0x38;
	[tilespmem:$0x127A0] =	vst v63  }
0x94: {  	s13 =	sadd.s32 $0x445C0, s13;
	s16 =	simm.s32 $0xE8D8  }
0x95: {  	[hbm4b:s13+s3] =	stream.linear.scatter [tilespmem:s16], [sflag:$0x7], $0x180, $0x38;
	[tilespmem:$0x127A0] =	vst v63  }
0x96: {  	s12 =	sadd.s32 s7, s12;
	s24 =	simm.s32 $0xEA60  }
0x97: {  	[hbm4b:s12+s3] =	stream.linear.scatter [tilespmem:s24], [sflag:$0x7], $0x180, $0x38;
	[tilespmem:$0x127A0] =	vst v63  }
0x98: {  	s15 =	simm.s32 $0xEBE8;
	s14 =	sadd.s32 $0x9C40, s12  }
0x99: {  	[hbm4b:s14+s3] =	stream.linear.scatter [tilespmem:s15], [sflag:$0x7], $0x180, $0x38;
	[tilespmem:$0x127A0] =	vst v63  }
0x9a: {  	s16 =	sadd.s32 $0x13880, s12;
	s24 =	simm.s32 $0xED70  }
0x9b: {  	[hbm4b:s16+s3] =	stream.linear.scatter [tilespmem:s24], [sflag:$0x7], $0x180, $0x38;
	[tilespmem:$0x127A0] =	vst v63  }
0x9c: {  	s14 =	sadd.s32 $0x1D4C0, s12;
	s15 =	simm.s32 $0xEEF8  }
0x9d: {  	[hbm4b:s14+s3] =	stream.linear.scatter [tilespmem:s15], [sflag:$0x7], $0x180, $0x38;
	[tilespmem:$0x127A0] =	vst v63  }
0x9e: {  	s16 =	sadd.s32 $0x27100, s12;
	s24 =	simm.s32 $0xF080  }
0x9f: {  	[hbm4b:s16+s3] =	stream.linear.scatter [tilespmem:s24], [sflag:$0x7], $0x180, $0x38;
	[tilespmem:$0x127A0] =	vst v63  }
0xa0: {  	s14 =	sadd.s32 $0x30D40, s12;
	s15 =	simm.s32 $0xF208  }
0xa1: {  	[hbm4b:s14+s3] =	stream.linear.scatter [tilespmem:s15], [sflag:$0x7], $0x180, $0x38;
	[tilespmem:$0x127A0] =	vst v63  }
0xa2: {  	s16 =	sadd.s32 $0x3A980, s12;
	s24 =	simm.s32 $0xF390  }
0xa3: {  	[hbm4b:s16+s3] =	stream.linear.scatter [tilespmem:s24], [sflag:$0x7], $0x180, $0x38;
	[tilespmem:$0x127A0] =	vst v63  }
0xa4: {  	s12 =	sadd.s32 $0x445C0, s12;
	s15 =	simm.s32 $0xF518  }
0xa5: {  	[hbm4b:s12+s3] =	stream.linear.scatter [tilespmem:s15], [sflag:$0x7], $0x180, $0x38;
	[tilespmem:$0x127A0] =	vst v63  }
0xa6: {  	s16 =	sadd.s32 $0x480, s11;
	s24 =	simm.s32 $0x4E20  }
0xa7: {  	[tilespmem:s24], [sflag:$0x1] =	stream.indirect.gather [hbm4b:s5+s20], $0x10, s16, s20, $0xb8;
	[tilespmem:$0x127A0] =	vst v63  }
0xa8: {  	s14 =	sadd.s32 $0x2B90, s11;
	s15 =	simm.s32 $0x6620  }
0xa9: {  	[tilespmem:s15], [sflag:$0x2] =	stream.indirect.gather [hbm4b:s6+s20], $0x10, s14, s20, $0xb8;
	[tilespmem:$0x127A0] =	vst v63  }
0xaa: {  	s16 =	sadd.s32 $0x500, s11;
	s24 =	simm.s32 $0x5620  }
0xab: {  	[tilespmem:s24], [sflag:$0x1] =	stream.indirect.gather [hbm4b:s5+s20], $0x10, s16, s20, $0xb8;
	[tilespmem:$0x127A0] =	vst v63  }
0xac: {  	s14 =	sadd.s32 $0x2C10, s11;
	s15 =	simm.s32 $0x6E20  }
0xad: {  	[tilespmem:s15], [sflag:$0x2] =	stream.indirect.gather [hbm4b:s6+s20], $0x10, s14, s20, $0xb8;
	[tilespmem:$0x127A0] =	vst v63  }
0xae: {  	s16 =	sadd.s32 $0x580, s11;
	s24 =	simm.s32 $0x5E20  }
0xaf: {  	[tilespmem:s24], [sflag:$0x1] =	stream.indirect.gather [hbm4b:s5+s20], $0x10, s16, s20, $0xb8;
	[tilespmem:$0x127A0] =	vst v63  }
0xb0: {  	s13 =	sadd.s32 $0x2C90, s11;
	s14 =	simm.s32 $0x7620  }
0xb1: {  	[tilespmem:s14], [sflag:$0x2] =	stream.indirect.gather [hbm4b:s6+s20], $0x10, s13, s20, $0xb8;
	[tilespmem:$0x127A0] =	vst v63  }
0xb2: {  	_ =	swait.ge [sflag:s25], $0x1800  }
0xb3: {  	[sflag:s25] =	ssyncset.done $0x0  }
0xb4: {  	[sflag:s25] =	ssyncadd.s32 $0xFFFFE800  }
0xb5: {  	_ =	swait.ge [sflag:s28], $0x1800  }
0xb6: {  	[sflag:s28] =	ssyncset.done $0x0  }
0xb7: {  	s12 =	simm.s32 @!p0 $0x8;
	[sflag:s28] =	ssyncadd.s32 $0xFFFFE800  }
0xb8: {  	_ =	swait.ge @!p0 [sflag:s12], $0xC00  }
0xb9: {  	[sflag:s12] =	ssyncset.done @!p0 $0x0  }
0xba: {  	[sflag:s12] =	ssyncadd.s32 @!p0 $0xFFFFF400  }
0xbb: {  	_ =	swait.ge @!p0 [sflag:s12], $0xC00  }
0xbc: {  	s15 =	simm.s32 $0x7;
	[sflag:s12] =	ssyncset.done @!p0 $0x0  }
0xbd: {  	v9 =	vmov s15;
	s13 =	simm.s32 $0x7E60;
	[sflag:s12] =	ssyncadd.s32 @!p0 $0xFFFFF400  }
0xbe: {  	s16 =	simm.s32 $0x1;
	v9 =	vshrl.u32 v9, $0x3;
	s12 =	simm.s32 $0x9660;
	v10 =	vld [tilespmem:s13+$0x30]  }
0xbf: {  	s24 =	simm.s32 $0x0;
	v11 =	vmov s16;
	v9 =	vshll.u32 v9, v1;
	v12 =	vld [tilespmem:s12+$0x30]  }
0xc0: {  	s16 =	simm.s32 $0x2;
	v14 =	vmov s24;
	s24 =	simm.s32 $0x3;
	v11 =	vshrl.u32 v11, $0x3;
	v13 =	vbroadcast v9, $0x0;
	v9 =	vld [tilespmem:s12+$0xFFFFFFC0]  }
0xc1: {  	v15 =	vmov s16;
	v17 =	vmov s24;
	v11 =	vshll.u32 v11, v1;
	v16 =	vld [tilespmem:s13+$0xFFFFFFD0]  }
0xc2: {  	s24 =	simm.s32 $0x5;
	v18 =	vadd.s32 v8, v13;
	v11 =	vbroadcast v11, $0x0;
	v13 =	vshrl.u32 v15, $0x3;
	v19 =	vld [tilespmem:s12+$0xFFFFFFD0]  }
0xc3: {  	v14 =	vshrl.u32 v14, $0x3;
	v22 =	vmov s24;
	v13 =	vshll.u32 v13, v1;
	v20 =	vld [tilespmem:s13+$0xFFFFFFE0]  }
0xc4: {  	s16 =	simm.s32 $0x4;
	v15 =	vshrl.u32 v17, $0x3;
	v11 =	vadd.s32 v2, v11;
	v13 =	vbroadcast v13, $0x0;
	v17 =	vld [tilespmem:s12+$0xFFFFFFE0]  }
0xc5: {  	v21 =	vld [tilespmem:s13+$0xFFFFFFF0];
	v12 =	vadd.f32 v12, v10;
	v10 =	vshll.u32 v15, v1;
	v15 =	vmov s16  }
0xc6: {  	v23 =	vadd.s32 v3, v13;
	v63 =	vld [tilespmem:s12+$0xFFFFFFF0];
	v10 =	vbroadcast v10, $0x0;
	v15 =	vshrl.u32 v15, $0x3  }
0xc7: {  	v13 =	vshll.u32 v14, v1;
	v14 =	vld [tilespmem:s13+$0x0];
	v16 =	vadd.f32 v19, v16;
	v19 =	vshll.u32 v15, v1  }
0xc8: {  	v22 =	vshrl.u32 v22, $0x3;
	s16 =	simm.s32 $0x6;
	v15 =	vld [tilespmem:s12+$0x0];
	v10 =	vadd.s32 v4, v10;
	v19 =	vbroadcast v19, $0x0  }
0xc9: {  	[tilespmem:v18+s30+$0x0] =	vst.idx.msk $0xffff, v12;
	v18 =	vadd.f32 v17, v20;
	v12 =	vld [tilespmem:s13+$0x10];
	v20 =	vshll.u32 v22, v1;
	v22 =	vmov s16  }
0xca: {  	s24 =	simm.s32 $0x9;
	[tilespmem:v11+s30+$0x0] =	vst.idx.msk $0xffff, v16;
	v17 =	vld [tilespmem:s12+$0x10];
	v20 =	vbroadcast v20, $0x0;
	v22 =	vshrl.u32 v22, $0x3;
	v11 =	vadd.s32 v5, v19  }
0xcb: {  	s15 =	simm.s32 $0x10;
	s14 =	simm.s32 $0x8;
	s16 =	simm.s32 $0xF;
	v16 =	vld [tilespmem:s13+$0x20];
	[tilespmem:v23+s30+$0x0] =	vst.idx.msk $0xffff, v18;
	v18 =	vadd.f32 v63, v21;
	v21 =	vshll.u32 v22, v1;
	v19 =	vmov s24  }
.LBB2_5:
0xcc: {  	p1 =	slt.u32 s15, $0x178;
	v22 =	vmov s16;
	v20 =	vadd.s32 v6, v20;
	v23 =	vld [tilespmem:s12+$0x20];
	v21 =	vbroadcast v21, $0x0  }
0xcd: {  	v13 =	vbroadcast v13, $0x0;
	v22 =	vshrl.u32 v22, $0x3;
	v24 =	vld [tilespmem:s13+$0xFFFFFFC0];
	[tilespmem:v10+s30+$0x0] =	vst.idx.msk $0xffff, v18;
	v10 =	vadd.f32 v15, v14;
	s13 =	sadd.s32 $0x80, s13  }
0xce: {  	s12 =	sadd.s32 $0x80, s12;
	v14 =	vshrl.u32 v19, $0x3;
	v15 =	vld [tilespmem:s13+$0x30];
	v18 =	vshll.u32 v22, v1;
	v19 =	vadd.s32 v7, v21  }
0xcf: {  	s16 =	sadd.s32 $0x2, s14;
	v13 =	vadd.s32 v0, v13;
	v21 =	vld [tilespmem:s12+$0x30];
	v18 =	vbroadcast v18, $0x0;
	[tilespmem:v11+s30+$0x0] =	vst.idx.msk $0xffff, v10;
	v10 =	vadd.f32 v17, v12  }
0xd0: {  	v14 =	vshll.u32 v14, v1;
	v12 =	vmov s14;
	v17 =	vmov s16;
	s16 =	sadd.s32 $0x3, s14;
	v11 =	vld [tilespmem:s12+$0xFFFFFFC0]  }
0xd1: {  	v25 =	vmov s16;
	v22 =	vld [tilespmem:s13+$0xFFFFFFD0];
	v18 =	vadd.s32 v8, v18;
	[tilespmem:v20+s30+$0x0] =	vst.idx.msk $0xffff, v10;
	v10 =	vadd.f32 v23, v16  }
0xd2: {  	v14 =	vbroadcast v14, $0x0;
	v17 =	vshrl.u32 v17, $0x3;
	v16 =	vld [tilespmem:s12+$0xFFFFFFD0];
	v26 =	vadd.f32 v9, v24  }
0xd3: {  	v12 =	vshrl.u32 v12, $0x3;
	v17 =	vshll.u32 v17, v1;
	v23 =	vshrl.u32 v25, $0x3;
	v20 =	vld [tilespmem:s13+$0xFFFFFFE0];
	[tilespmem:v19+s30+$0x0] =	vst.idx.msk $0xffff, v10  }
0xd4: {  	s24 =	sadd.s32 $0x5, s14;
	s16 =	sadd.s32 $0x4, s14;
	v19 =	vadd.s32 v2, v14;
	v10 =	vbroadcast v17, $0x0;
	v24 =	vld [tilespmem:s12+$0xFFFFFFE0];
	v14 =	vadd.f32 v21, v15;
	[tilespmem:v13+s30+$0x0] =	vst.idx.msk $0xffff, v26  }
0xd5: {  	v17 =	vmov s24;
	v13 =	vshll.u32 v23, v1;
	v15 =	vmov s16;
	v21 =	vld [tilespmem:s13+$0xFFFFFFF0];
	v9 =	vmovc v11  }
0xd6: {  	v23 =	vadd.s32 v3, v10;
	v10 =	vbroadcast v13, $0x0;
	v11 =	vshrl.u32 v15, $0x3;
	v25 =	vld [tilespmem:s12+$0xFFFFFFF0];
	[tilespmem:v18+s30+$0x0] =	vst.idx.msk $0xffff, v14  }
.Ltmp1:
0xd7: {  	v13 =	vshll.u32 v12, v1;
	v11 =	vshll.u32 v11, v1;
	v12 =	vadd.f32 v16, v22;
	v14 =	vld [tilespmem:s13+$0x0];
	(pc) =	sbr.rel @p1 .LBB2_5-.Ltmp1, $4  }
0xd8: {  	s16 =	sadd.s32 $0x6, s14;
	s14 =	smov.u32 s15;
	v10 =	vadd.s32 v4, v10;
	v11 =	vbroadcast v11, $0x0;
	v16 =	vshrl.u32 v17, $0x3;
	v15 =	vld [tilespmem:s12+$0x0]  }
0xd9: {  	v16 =	vshll.u32 v16, v1;
	[tilespmem:v19+s30+$0x0] =	vst.idx.msk $0xffff, v12;
	v18 =	vadd.f32 v24, v20;
	v12 =	vld [tilespmem:s13+$0x10];
	v19 =	vmov s16  }
0xda: {  	s16 =	sadd.s32 $0x1, s15;
	v11 =	vadd.s32 v5, v11;
	v20 =	vbroadcast v16, $0x0;
	v17 =	vld [tilespmem:s12+$0x10];
	v22 =	vshrl.u32 v19, $0x3  }
0xdb: {  	s15 =	sadd.s32 $0x8, s15;
	v19 =	vmov s16;
	s16 =	sadd.s32 $0x7, s14;
	[tilespmem:v23+s30+$0x0] =	vst.idx.msk $0xffff, v18;
	v18 =	vadd.f32 v25, v21;
	v16 =	vld [tilespmem:s13+$0x20];
	v21 =	vshll.u32 v22, v1  }
0xdc: {  	v22 =	vld [tilespmem:s12+$0x20]  }
0xdd: {  	v23 =	vmov s16;
	v24 =	vld [tilespmem:s13+$0xFFFFFFC0];
	s13 =	sadd.s32 $0x80, s13;
	v20 =	vadd.s32 v6, v20  }
0xde: {  	v21 =	vbroadcast v21, $0x0;
	s12 =	sadd.s32 $0x80, s12;
	v13 =	vbroadcast v13, $0x0;
	v19 =	vshrl.u32 v19, $0x3;
	v25 =	vld [tilespmem:s13+$0x30]  }
0xdf: {  	s16 =	sadd.s32 $0x3, s14;
	v28 =	vmov s14;
	s24 =	sadd.s32 $0x4, s14;
	v23 =	vshrl.u32 v23, $0x3;
	v14 =	vadd.f32 v15, v14;
	v26 =	vld [tilespmem:s12+$0xFFFFFFC0]  }
0xe0: {  	v27 =	vld [tilespmem:s13+$0xFFFFFFD0];
	v19 =	vshll.u32 v19, v1;
	v29 =	vmov s16;
	v32 =	vmov s24  }
0xe1: {  	v30 =	vld [tilespmem:s12+$0xFFFFFFD0];
	s16 =	sadd.s32 $0x5, s14;
	v15 =	vshll.u32 v23, v1;
	v21 =	vadd.s32 v7, v21;
	v13 =	vadd.s32 v0, v13  }
0xe2: {  	v58 =	vld [tilespmem:s12+$0xFFFFFFE0];
	s24 =	sadd.s32 $0x6, s14;
	v19 =	vbroadcast v19, $0x0;
	v29 =	vshrl.u32 v29, $0x3;
	v33 =	vmov s16  }
0xe3: {  	s15 =	sadd.s32 $0x2, s14;
	v31 =	vld [tilespmem:s13+$0xFFFFFFF0];
	[tilespmem:v10+s30+$0x0] =	vst.idx.msk $0xffff, v18;
	v18 =	vshrl.u32 v32, $0x3;
	v61 =	vmov s24;
	v15 =	vbroadcast v15, $0x0  }
0xe4: {  	v59 =	vld [tilespmem:s12+$0xFFFFFFF0];
	v12 =	vadd.f32 v17, v12;
	v17 =	vmov s15;
	v29 =	vshll.u32 v29, v1  }
0xe5: {  	v34 =	vld [tilespmem:s13+$0x0];
	[tilespmem:v11+s30+$0x0] =	vst.idx.msk $0xffff, v14;
	v11 =	vshll.u32 v18, v1;
	v14 =	vshrl.u32 v33, $0x3;
	v17 =	vshrl.u32 v17, $0x3  }
0xe6: {  	v23 =	vld [tilespmem:s12+$0x30];
	v19 =	vadd.s32 v2, v19;
	v10 =	vbroadcast v29, $0x0;
	v15 =	vadd.s32 v8, v15  }
0xe7: {  	v18 =	vld [tilespmem:s13+$0x10];
	v16 =	vadd.f32 v22, v16;
	v9 =	vadd.f32 v9, v24;
	v17 =	vshll.u32 v17, v1  }
0xe8: {  	v22 =	vld [tilespmem:s13+$0xFFFFFFE0];
	[tilespmem:v20+s30+$0x0] =	vst.idx.msk $0xffff, v12;
	v12 =	vshll.u32 v14, v1;
	v20 =	vshrl.u32 v61, $0x3;
	v17 =	vbroadcast v17, $0x0  }
0xe9: {  	v28 =	vshrl.u32 v28, $0x3;
	v14 =	vld [tilespmem:s12+$0x10];
	v10 =	vadd.s32 v4, v10;
	v20 =	vshll.u32 v20, v1;
	[tilespmem:v21+s30+$0x0] =	vst.idx.msk $0xffff, v16  }
0xea: {  	v12 =	vbroadcast v12, $0x0;
	v16 =	vld [tilespmem:s13+$0x20];
	[tilespmem:v13+s30+$0x0] =	vst.idx.msk $0xffff, v9;
	v9 =	vadd.f32 v30, v27;
	v17 =	vadd.s32 v3, v17  }
0xeb: {  	v28 =	vshll.u32 v28, v1;
	v23 =	vadd.f32 v23, v25;
	v13 =	vld [tilespmem:s12+$0x20];
	v20 =	vbroadcast v20, $0x0  }
0xec: {  	v60 =	vld [tilespmem:s12+$0x0];
	v11 =	vbroadcast v11, $0x0;
	v12 =	vadd.s32 v6, v12;
	[tilespmem:v19+s30+$0x0] =	vst.idx.msk $0xffff, v9;
	v9 =	vadd.f32 v59, v31  }
0xed: {  	v21 =	vld [tilespmem:s13+$0xFFFFFFC0];
	v19 =	vadd.s32 v7, v20;
	[tilespmem:v15+s30+$0x0] =	vst.idx.msk $0xffff, v23;
	v15 =	vadd.f32 v58, v22;
	v22 =	vbroadcast v28, $0x0  }
0xee: {  	v11 =	vadd.s32 v5, v11;
	[tilespmem:v10+s30+$0x0] =	vst.idx.msk $0xffff, v9  }
0xef: {  	v9 =	vadd.f32 v14, v18;
	[tilespmem:v17+s30+$0x0] =	vst.idx.msk $0xffff, v15;
	v17 =	vadd.s32 v0, v22  }
0xf0: {  	v10 =	vadd.f32 v13, v16  }
0xf1: {  	v15 =	vadd.f32 v60, v34;
	[tilespmem:v12+s30+$0x0] =	vst.idx.msk $0xffff, v9  }
0xf2: {  	s15 =	sadd.s32 s11, s10;
	v9 =	vadd.f32 v26, v21;
	[tilespmem:v19+s30+$0x0] =	vst.idx.msk $0xffff, v10  }
0xf3: {  	s12 =	sshrl.u32 s15, $0x3;
	[tilespmem:v11+s30+$0x0] =	vst.idx.msk $0xffff, v15  }
0xf4: {  	s13 =	sadd.s32 s2, s12;
	[tilespmem:v17+s30+$0x0] =	vst.idx.msk $0xffff, v9  }
0xf5: {  	[hbm4b:s13+s3] =	stream.linear.scatter [tilespmem:s30], [sflag:$0x8], $0x180, $0x38;
	[tilespmem:$0x127A0] =	vst v63  }
0xf6: {  	s24 =	simm.s32 $0xF828;
	s16 =	sadd.s32 $0x9C40, s13  }
0xf7: {  	[hbm4b:s16+s3] =	stream.linear.scatter [tilespmem:s24], [sflag:$0x8], $0x180, $0x38;
	[tilespmem:$0x127A0] =	vst v63  }
0xf8: {  	s16 =	sadd.s32 $0x13880, s13;
	s24 =	simm.s32 $0xF9B0  }
0xf9: {  	[hbm4b:s16+s3] =	stream.linear.scatter [tilespmem:s24], [sflag:$0x8], $0x180, $0x38;
	[tilespmem:$0x127A0] =	vst v63  }
0xfa: {  	s16 =	sadd.s32 $0x1D4C0, s13;
	s24 =	simm.s32 $0xFB38  }
0xfb: {  	[hbm4b:s16+s3] =	stream.linear.scatter [tilespmem:s24], [sflag:$0x8], $0x180, $0x38;
	[tilespmem:$0x127A0] =	vst v63  }
0xfc: {  	s16 =	sadd.s32 $0x27100, s13;
	s24 =	simm.s32 $0xFCC0  }
0xfd: {  	[hbm4b:s16+s3] =	stream.linear.scatter [tilespmem:s24], [sflag:$0x8], $0x180, $0x38;
	[tilespmem:$0x127A0] =	vst v63  }
0xfe: {  	s16 =	sadd.s32 $0x30D40, s13;
	s24 =	simm.s32 $0xFE48  }
0xff: {  	[hbm4b:s16+s3] =	stream.linear.scatter [tilespmem:s24], [sflag:$0x8], $0x180, $0x38;
	[tilespmem:$0x127A0] =	vst v63  }
0x100: {  	s15 =	sadd.s32 $0x3A980, s13;
	s16 =	simm.s32 $0xFFD0  }
0x101: {  	[hbm4b:s15+s3] =	stream.linear.scatter [tilespmem:s16], [sflag:$0x8], $0x180, $0x38;
	[tilespmem:$0x127A0] =	vst v63  }
0x102: {  	s13 =	sadd.s32 $0x445C0, s13;
	s24 =	simm.s32 $0x10158  }
0x103: {  	[hbm4b:s13+s3] =	stream.linear.scatter [tilespmem:s24], [sflag:$0x8], $0x180, $0x38;
	[tilespmem:$0x127A0] =	vst v63  }
0x104: {  	s12 =	sadd.s32 s7, s12;
	s15 =	simm.s32 $0x102E0  }
0x105: {  	[hbm4b:s12+s3] =	stream.linear.scatter [tilespmem:s15], [sflag:$0x8], $0x180, $0x38;
	[tilespmem:$0x127A0] =	vst v63  }
0x106: {  	s16 =	sadd.s32 $0x9C40, s12;
	s24 =	simm.s32 $0x10468  }
0x107: {  	[hbm4b:s16+s3] =	stream.linear.scatter [tilespmem:s24], [sflag:$0x8], $0x180, $0x38;
	[tilespmem:$0x127A0] =	vst v63  }
0x108: {  	s14 =	sadd.s32 $0x13880, s12;
	s15 =	simm.s32 $0x105F0  }
0x109: {  	[hbm4b:s14+s3] =	stream.linear.scatter [tilespmem:s15], [sflag:$0x8], $0x180, $0x38;
	[tilespmem:$0x127A0] =	vst v63  }
0x10a: {  	s16 =	sadd.s32 $0x1D4C0, s12;
	s24 =	simm.s32 $0x10778  }
0x10b: {  	[hbm4b:s16+s3] =	stream.linear.scatter [tilespmem:s24], [sflag:$0x8], $0x180, $0x38;
	[tilespmem:$0x127A0] =	vst v63  }
0x10c: {  	s14 =	sadd.s32 $0x27100, s12;
	s15 =	simm.s32 $0x10900  }
0x10d: {  	[hbm4b:s14+s3] =	stream.linear.scatter [tilespmem:s15], [sflag:$0x8], $0x180, $0x38;
	[tilespmem:$0x127A0] =	vst v63  }
0x10e: {  	s16 =	sadd.s32 $0x30D40, s12;
	s24 =	simm.s32 $0x10A88  }
0x10f: {  	[hbm4b:s16+s3] =	stream.linear.scatter [tilespmem:s24], [sflag:$0x8], $0x180, $0x38;
	[tilespmem:$0x127A0] =	vst v63  }
0x110: {  	s15 =	sadd.s32 $0x3A980, s12;
	s16 =	simm.s32 $0x10C10  }
0x111: {  	[hbm4b:s15+s3] =	stream.linear.scatter [tilespmem:s16], [sflag:$0x8], $0x180, $0x38;
	[tilespmem:$0x127A0] =	vst v63  }
0x112: {  	p1 =	seq.s32 s17, $0x7;
	s12 =	sadd.s32 $0x445C0, s12;
	s24 =	simm.s32 $0x10D98  }
0x113: {  	[hbm4b:s12+s3] =	stream.linear.scatter [tilespmem:s24], [sflag:$0x8], $0x180, $0x38;
	[tilespmem:$0x127A0] =	vst v63  }
0x114: {  	s13 =	simm.s32 @!p1 $0x80;
	s14 =	simm.s32 @!p1 $0x7E20;
	s12 =	sadd.s32 @!p1 $0x600, s11  }
0x115: {  	[tilespmem:s14], [sflag:$0x3] =	stream.indirect.gather @!p1 [hbm4b:s5+s13], $0x10, s12, s13, $0xb8;
	[tilespmem:$0x127A0] =	vst v63  }
0x116: {  	s12 =	sadd.s32 @!p1 $0x2D10, s11;
	s14 =	simm.s32 @!p1 $0x9620  }
0x117: {  	[tilespmem:s14], [sflag:$0x4] =	stream.indirect.gather @!p1 [hbm4b:s6+s13], $0x10, s12, s13, $0xb8;
	[tilespmem:$0x127A0] =	vst v63  }
0x118: {  	s12 =	sadd.s32 @!p1 $0x680, s11;
	s14 =	simm.s32 @!p1 $0x8620  }
0x119: {  	[tilespmem:s14], [sflag:$0x3] =	stream.indirect.gather @!p1 [hbm4b:s5+s13], $0x10, s12, s13, $0xb8;
	[tilespmem:$0x127A0] =	vst v63  }
0x11a: {  	s12 =	sadd.s32 @!p1 $0x2D90, s11;
	s14 =	simm.s32 @!p1 $0x9E20  }
0x11b: {  	[tilespmem:s14], [sflag:$0x4] =	stream.indirect.gather @!p1 [hbm4b:s6+s13], $0x10, s12, s13, $0xb8;
	[tilespmem:$0x127A0] =	vst v63  }
0x11c: {  	s12 =	sadd.s32 @!p1 $0x700, s11;
	s14 =	simm.s32 @!p1 $0x8E20  }
0x11d: {  	[tilespmem:s14], [sflag:$0x3] =	stream.indirect.gather @!p1 [hbm4b:s5+s13], $0x10, s12, s13, $0xb8;
	[tilespmem:$0x127A0] =	vst v63  }
0x11e: {  	s11 =	sadd.s32 @!p1 $0x2E10, s11;
	s12 =	simm.s32 @!p1 $0xA620  }
0x11f: {  	[tilespmem:s12], [sflag:$0x4] =	stream.indirect.gather @!p1 [hbm4b:s6+s13], $0x10, s11, s13, $0xb8;
	[tilespmem:$0x127A0] =	vst v63  }
0x120: {  	_ =	swait.ge [sflag:s22], $0x1800  }
0x121: {  	[sflag:s22] =	ssyncset.done $0x0  }
0x122: {  	[sflag:s22] =	ssyncadd.s32 $0xFFFFE800  }
0x123: {  	_ =	swait.ge [sflag:s23], $0x1800  }
0x124: {  	[sflag:s23] =	ssyncset.done $0x0  }
0x125: {  	s11 =	simm.s32 @!p0 $0x9;
	[sflag:s23] =	ssyncadd.s32 $0xFFFFE800  }
0x126: {  	_ =	swait.ge @!p0 [sflag:s11], $0xC00  }
0x127: {  	[sflag:s11] =	ssyncset.done @!p0 $0x0  }
0x128: {  	[sflag:s11] =	ssyncadd.s32 @!p0 $0xFFFFF400  }
0x129: {  	_ =	swait.ge @!p0 [sflag:s11], $0xC00  }
0x12a: {  	s13 =	simm.s32 $0x7;
	[sflag:s11] =	ssyncset.done @!p0 $0x0  }
0x12b: {  	v9 =	vmov s13;
	[sflag:s11] =	ssyncadd.s32 @!p0 $0xFFFFF400;
	s11 =	simm.s32 $0xAE60  }
0x12c: {  	s16 =	simm.s32 $0x2;
	s14 =	simm.s32 $0x1;
	s12 =	simm.s32 $0xC660;
	v9 =	vshrl.u32 v9, $0x3;
	v10 =	vld [tilespmem:s11+$0x30]  }
0x12d: {  	v15 =	vmov s16;
	v11 =	vmov s14;
	v9 =	vshll.u32 v9, v1;
	v12 =	vld [tilespmem:s12+$0x30]  }
0x12e: {  	s15 =	simm.s32 $0x0;
	v15 =	vshrl.u32 v15, $0x3;
	v11 =	vshrl.u32 v11, $0x3;
	v13 =	vbroadcast v9, $0x0;
	v9 =	vld [tilespmem:s12+$0xFFFFFFC0]  }
0x12f: {  	v14 =	vmov s15;
	s24 =	simm.s32 $0x3;
	v15 =	vshll.u32 v15, v1;
	v11 =	vshll.u32 v11, v1;
	v16 =	vld [tilespmem:s11+$0xFFFFFFD0]  }
0x130: {  	v17 =	vmov s24;
	v15 =	vbroadcast v15, $0x0;
	v11 =	vbroadcast v11, $0x0;
	v18 =	vld [tilespmem:s12+$0xFFFFFFD0]  }
0x131: {  	v14 =	vshrl.u32 v14, $0x3;
	v17 =	vshrl.u32 v17, $0x3;
	v19 =	vld [tilespmem:s11+$0xFFFFFFE0]  }
0x132: {  	v23 =	vadd.s32 v3, v15;
	s14 =	simm.s32 $0x4;
	v11 =	vadd.s32 v2, v11;
	v13 =	vadd.s32 v8, v13;
	v20 =	vld [tilespmem:s12+$0xFFFFFFE0]  }
0x133: {  	s15 =	simm.s32 $0x5;
	v22 =	vld [tilespmem:s11+$0xFFFFFFF0];
	v21 =	vadd.f32 v12, v10;
	v10 =	vshll.u32 v17, v1;
	v12 =	vmov s14  }
0x134: {  	v62 =	vld [tilespmem:s12+$0xFFFFFFF0];
	v17 =	vmov s15;
	v10 =	vbroadcast v10, $0x0;
	v15 =	vshrl.u32 v12, $0x3  }
0x135: {  	v16 =	vadd.f32 v18, v16;
	v12 =	vshll.u32 v14, v1;
	v14 =	vld [tilespmem:s11+$0x0];
	v18 =	vshll.u32 v15, v1  }
0x136: {  	s16 =	simm.s32 $0x6;
	v17 =	vshrl.u32 v17, $0x3;
	v15 =	vld [tilespmem:s12+$0x0];
	v10 =	vadd.s32 v4, v10;
	v18 =	vbroadcast v18, $0x0  }
0x137: {  	[tilespmem:v13+s19+$0x0] =	vst.idx.msk $0xffff, v21;
	v21 =	vadd.f32 v20, v19;
	v13 =	vld [tilespmem:s11+$0x10];
	v17 =	vshll.u32 v17, v1;
	v19 =	vmov s16  }
0x138: {  	s24 =	simm.s32 $0x9;
	[tilespmem:v11+s19+$0x0] =	vst.idx.msk $0xffff, v16;
	v16 =	vld [tilespmem:s12+$0x10];
	v20 =	vbroadcast v17, $0x0;
	v63 =	vshrl.u32 v19, $0x3;
	v11 =	vadd.s32 v5, v18  }
0x139: {  	s13 =	simm.s32 $0x8;
	s15 =	simm.s32 $0xF;
	s14 =	simm.s32 $0x10;
	v19 =	vmov s24;
	v17 =	vld [tilespmem:s11+$0x20];
	[tilespmem:v23+s19+$0x0] =	vst.idx.msk $0xffff, v21;
	v21 =	vshll.u32 v63, v1;
	v18 =	vadd.f32 v62, v22  }
.LBB2_7:
0x13a: {  	p0 =	slt.u32 s14, $0x178;
	v22 =	vmov s15;
	v20 =	vadd.s32 v6, v20;
	v23 =	vld [tilespmem:s12+$0x20];
	v21 =	vbroadcast v21, $0x0  }
0x13b: {  	v12 =	vbroadcast v12, $0x0;
	v22 =	vshrl.u32 v22, $0x3;
	v24 =	vld [tilespmem:s11+$0xFFFFFFC0];
	[tilespmem:v10+s19+$0x0] =	vst.idx.msk $0xffff, v18;
	v10 =	vadd.f32 v15, v14;
	s11 =	sadd.s32 $0x80, s11  }
0x13c: {  	s12 =	sadd.s32 $0x80, s12;
	v14 =	vshrl.u32 v19, $0x3;
	v15 =	vld [tilespmem:s11+$0x30];
	v18 =	vshll.u32 v22, v1;
	v19 =	vadd.s32 v7, v21  }
0x13d: {  	s15 =	sadd.s32 $0x2, s13;
	v12 =	vadd.s32 v0, v12;
	v21 =	vld [tilespmem:s12+$0x30];
	v18 =	vbroadcast v18, $0x0;
	[tilespmem:v11+s19+$0x0] =	vst.idx.msk $0xffff, v10;
	v10 =	vadd.f32 v16, v13  }
0x13e: {  	v14 =	vshll.u32 v14, v1;
	v13 =	vmov s13;
	v16 =	vmov s15;
	s15 =	sadd.s32 $0x3, s13;
	v11 =	vld [tilespmem:s12+$0xFFFFFFC0]  }
0x13f: {  	v25 =	vmov s15;
	v22 =	vld [tilespmem:s11+$0xFFFFFFD0];
	v18 =	vadd.s32 v8, v18;
	[tilespmem:v20+s19+$0x0] =	vst.idx.msk $0xffff, v10;
	v10 =	vadd.f32 v23, v17  }
0x140: {  	v14 =	vbroadcast v14, $0x0;
	v16 =	vshrl.u32 v16, $0x3;
	v17 =	vld [tilespmem:s12+$0xFFFFFFD0];
	v26 =	vadd.f32 v9, v24  }
0x141: {  	v13 =	vshrl.u32 v13, $0x3;
	v16 =	vshll.u32 v16, v1;
	v23 =	vshrl.u32 v25, $0x3;
	v20 =	vld [tilespmem:s11+$0xFFFFFFE0];
	[tilespmem:v19+s19+$0x0] =	vst.idx.msk $0xffff, v10  }
0x142: {  	s16 =	sadd.s32 $0x5, s13;
	s15 =	sadd.s32 $0x4, s13;
	v19 =	vadd.s32 v2, v14;
	v10 =	vbroadcast v16, $0x0;
	v24 =	vld [tilespmem:s12+$0xFFFFFFE0];
	v14 =	vadd.f32 v21, v15;
	[tilespmem:v12+s19+$0x0] =	vst.idx.msk $0xffff, v26  }
0x143: {  	v16 =	vmov s16;
	v12 =	vshll.u32 v23, v1;
	v15 =	vmov s15;
	v21 =	vld [tilespmem:s11+$0xFFFFFFF0];
	v9 =	vmovc v11  }
0x144: {  	v23 =	vadd.s32 v3, v10;
	v10 =	vbroadcast v12, $0x0;
	v11 =	vshrl.u32 v15, $0x3;
	v25 =	vld [tilespmem:s12+$0xFFFFFFF0];
	[tilespmem:v18+s19+$0x0] =	vst.idx.msk $0xffff, v14  }
.Ltmp2:
0x145: {  	v12 =	vshll.u32 v13, v1;
	v11 =	vshll.u32 v11, v1;
	v13 =	vadd.f32 v17, v22;
	v14 =	vld [tilespmem:s11+$0x0];
	(pc) =	sbr.rel @p0 .LBB2_7-.Ltmp2, $4  }
0x146: {  	v16 =	vshrl.u32 v16, $0x3;
	s15 =	sadd.s32 $0x6, s13;
	s13 =	smov.u32 s14;
	v10 =	vadd.s32 v4, v10;
	v11 =	vbroadcast v11, $0x0;
	v15 =	vld [tilespmem:s12+$0x0]  }
0x147: {  	v18 =	vshll.u32 v16, v1;
	[tilespmem:v19+s19+$0x0] =	vst.idx.msk $0xffff, v13;
	v17 =	vadd.f32 v24, v20;
	v13 =	vld [tilespmem:s11+$0x10];
	v19 =	vmov s15  }
0x148: {  	s15 =	sadd.s32 $0x1, s14;
	v11 =	vadd.s32 v5, v11;
	v20 =	vbroadcast v18, $0x0;
	v16 =	vld [tilespmem:s12+$0x10];
	v22 =	vshrl.u32 v19, $0x3  }
0x149: {  	s14 =	sadd.s32 $0x8, s14;
	v19 =	vmov s15;
	s15 =	sadd.s32 $0x7, s13;
	[tilespmem:v23+s19+$0x0] =	vst.idx.msk $0xffff, v17;
	v18 =	vadd.f32 v25, v21;
	v17 =	vld [tilespmem:s11+$0x20];
	v21 =	vshll.u32 v22, v1  }
0x14a: {  	v22 =	vld [tilespmem:s12+$0x20]  }
0x14b: {  	s14 =	sadd.s32 $0x80, s11;
	v23 =	vmov s15;
	v24 =	vld [tilespmem:s11+$0xFFFFFFC0]  }
0x14c: {  	s11 =	sadd.s32 $0x80, s12;
	s16 =	sadd.s32 $0x2, s13;
	v26 =	vmov s13;
	v20 =	vadd.s32 v6, v20;
	v21 =	vbroadcast v21, $0x0;
	v25 =	vld [tilespmem:s14+$0x30]  }
0x14d: {  	s24 =	sadd.s32 $0x3, s13;
	s15 =	sadd.s32 $0x4, s13;
	v12 =	vbroadcast v12, $0x0;
	v19 =	vshrl.u32 v19, $0x3;
	v27 =	vmov s16;
	v32 =	vld [tilespmem:s11+$0x30]  }
0x14e: {  	v28 =	vmov s24;
	v29 =	vmov s15;
	v23 =	vshrl.u32 v23, $0x3;
	v33 =	vld [tilespmem:s11+$0xFFFFFFC0]  }
0x14f: {  	s16 =	sadd.s32 $0x5, s13;
	s24 =	sadd.s32 $0x6, s13;
	v14 =	vadd.f32 v15, v14;
	v39 =	vld [tilespmem:s14+$0xFFFFFFD0];
	v40 =	vshll.u32 v19, v1;
	v26 =	vshrl.u32 v26, $0x3  }
0x150: {  	v34 =	vld [tilespmem:s11+$0xFFFFFFD0];
	v30 =	vmov s16;
	v31 =	vmov s24;
	v38 =	vshll.u32 v23, v1  }
0x151: {  	v41 =	vld [tilespmem:s14+$0xFFFFFFE0];
	v21 =	vadd.s32 v7, v21;
	v12 =	vadd.s32 v0, v12;
	v42 =	vshrl.u32 v27, $0x3  }
0x152: {  	v43 =	vld [tilespmem:s11+$0xFFFFFFE0];
	v28 =	vshrl.u32 v28, $0x3;
	v47 =	vshrl.u32 v29, $0x3;
	v15 =	vbroadcast v38, $0x0  }
0x153: {  	v44 =	vld [tilespmem:s14+$0xFFFFFFF0];
	v13 =	vadd.f32 v16, v13;
	v16 =	vbroadcast v40, $0x0;
	v28 =	vshll.u32 v28, v1  }
0x154: {  	v35 =	vld [tilespmem:s11+$0xFFFFFFF0];
	[tilespmem:v11+s19+$0x0] =	vst.idx.msk $0xffff, v14;
	v11 =	vshll.u32 v26, v1;
	v49 =	vshll.u32 v47, v1;
	v50 =	vshrl.u32 v30, $0x3  }
0x155: {  	v45 =	vld [tilespmem:s14+$0x0];
	v55 =	vshrl.u32 v31, $0x3;
	v46 =	vbroadcast v28, $0x0;
	v53 =	vshll.u32 v50, v1  }
0x156: {  	v48 =	vld [tilespmem:s11+$0x0];
	v17 =	vadd.f32 v22, v17;
	v22 =	vshll.u32 v42, v1;
	v16 =	vadd.s32 v2, v16  }
0x157: {  	[tilespmem:v10+s19+$0x0] =	vst.idx.msk $0xffff, v18;
	v51 =	vld [tilespmem:s14+$0x10];
	v15 =	vadd.s32 v8, v15;
	v9 =	vadd.f32 v9, v24;
	v22 =	vbroadcast v22, $0x0  }
0x158: {  	v54 =	vld [tilespmem:s11+$0x10];
	v58 =	vshll.u32 v55, v1;
	[tilespmem:v20+s19+$0x0] =	vst.idx.msk $0xffff, v13;
	v14 =	vbroadcast v53, $0x0;
	v56 =	vadd.s32 v4, v46  }
0x159: {  	v57 =	vld [tilespmem:s14+$0x20];
	v52 =	vbroadcast v49, $0x0;
	[tilespmem:v12+s19+$0x0] =	vst.idx.msk $0xffff, v9;
	v9 =	vadd.f32 v34, v39;
	v10 =	vadd.s32 v3, v22  }
0x15a: {  	v62 =	vld [tilespmem:s14+$0xFFFFFFC0];
	v11 =	vbroadcast v11, $0x0;
	v25 =	vadd.f32 v32, v25;
	[tilespmem:v21+s19+$0x0] =	vst.idx.msk $0xffff, v17;
	v14 =	vadd.s32 v6, v14  }
0x15b: {  	v60 =	vld [tilespmem:s11+$0x20];
	v59 =	vadd.s32 v5, v52;
	v21 =	vbroadcast v58, $0x0;
	[tilespmem:v16+s19+$0x0] =	vst.idx.msk $0xffff, v9;
	v9 =	vadd.f32 v35, v44  }
0x15c: {  	v61 =	vadd.f32 v43, v41;
	v11 =	vadd.s32 v0, v11;
	[tilespmem:v15+s19+$0x0] =	vst.idx.msk $0xffff, v25  }
0x15d: {  	v63 =	vadd.s32 v7, v21;
	[tilespmem:v56+s19+$0x0] =	vst.idx.msk $0xffff, v9;
	v9 =	vadd.f32 v54, v51  }
0x15e: {  	[tilespmem:v10+s19+$0x0] =	vst.idx.msk $0xffff, v61;
	v10 =	vadd.f32 v48, v45  }
0x15f: {  	[tilespmem:v14+s19+$0x0] =	vst.idx.msk $0xffff, v9;
	v9 =	vadd.f32 v33, v62  }
0x160: {  	s14 =	sadd.s32 s4, s18;
	[tilespmem:v59+s19+$0x0] =	vst.idx.msk $0xffff, v10;
	v10 =	vadd.f32 v60, v57  }
0x161: {  	s11 =	sshrl.u32 s14, $0x3;
	[tilespmem:v11+s19+$0x0] =	vst.idx.msk $0xffff, v9  }
0x162: {  	s12 =	sadd.s32 s2, s11;
	[tilespmem:v63+s19+$0x0] =	vst.idx.msk $0xffff, v10  }
0x163: {  	[hbm4b:s12+s3] =	stream.linear.scatter [tilespmem:s19], [sflag:$0x9], $0x180, $0x38;
	[tilespmem:$0x127A0] =	vst v63  }
0x164: {  	s16 =	simm.s32 $0x110A8;
	s15 =	sadd.s32 $0x9C40, s12  }
0x165: {  	[hbm4b:s15+s3] =	stream.linear.scatter [tilespmem:s16], [sflag:$0x9], $0x180, $0x38;
	[tilespmem:$0x127A0] =	vst v63  }
0x166: {  	s24 =	simm.s32 $0x11230;
	s18 =	sadd.s32 $0x13880, s12  }
0x167: {  	[hbm4b:s18+s3] =	stream.linear.scatter [tilespmem:s24], [sflag:$0x9], $0x180, $0x38;
	[tilespmem:$0x127A0] =	vst v63  }
0x168: {  	s15 =	sadd.s32 $0x1D4C0, s12;
	s16 =	simm.s32 $0x113B8  }
0x169: {  	[hbm4b:s15+s3] =	stream.linear.scatter [tilespmem:s16], [sflag:$0x9], $0x180, $0x38;
	[tilespmem:$0x127A0] =	vst v63  }
0x16a: {  	s18 =	sadd.s32 $0x27100, s12;
	s24 =	simm.s32 $0x11540  }
0x16b: {  	[hbm4b:s18+s3] =	stream.linear.scatter [tilespmem:s24], [sflag:$0x9], $0x180, $0x38;
	[tilespmem:$0x127A0] =	vst v63  }
0x16c: {  	s15 =	sadd.s32 $0x30D40, s12;
	s16 =	simm.s32 $0x116C8  }
0x16d: {  	[hbm4b:s15+s3] =	stream.linear.scatter [tilespmem:s16], [sflag:$0x9], $0x180, $0x38;
	[tilespmem:$0x127A0] =	vst v63  }
0x16e: {  	s18 =	sadd.s32 $0x3A980, s12;
	s24 =	simm.s32 $0x11850  }
0x16f: {  	[hbm4b:s18+s3] =	stream.linear.scatter [tilespmem:s24], [sflag:$0x9], $0x180, $0x38;
	[tilespmem:$0x127A0] =	vst v63  }
0x170: {  	s12 =	sadd.s32 $0x445C0, s12;
	s15 =	simm.s32 $0x119D8  }
0x171: {  	[hbm4b:s12+s3] =	stream.linear.scatter [tilespmem:s15], [sflag:$0x9], $0x180, $0x38;
	[tilespmem:$0x127A0] =	vst v63  }
0x172: {  	s11 =	sadd.s32 s7, s11;
	s16 =	simm.s32 $0x11B60  }
0x173: {  	[hbm4b:s11+s3] =	stream.linear.scatter [tilespmem:s16], [sflag:$0x9], $0x180, $0x38;
	[tilespmem:$0x127A0] =	vst v63  }
0x174: {  	s18 =	sadd.s32 $0x9C40, s11;
	s24 =	simm.s32 $0x11CE8  }
0x175: {  	[hbm4b:s18+s3] =	stream.linear.scatter [tilespmem:s24], [sflag:$0x9], $0x180, $0x38;
	[tilespmem:$0x127A0] =	vst v63  }
0x176: {  	s14 =	simm.s32 $0x11E70;
	s13 =	sadd.s32 $0x13880, s11  }
0x177: {  	[hbm4b:s13+s3] =	stream.linear.scatter [tilespmem:s14], [sflag:$0x9], $0x180, $0x38;
	[tilespmem:$0x127A0] =	vst v63  }
0x178: {  	s15 =	sadd.s32 $0x1D4C0, s11  }
0x179: {  	[hbm4b:s15+s3] =	stream.linear.scatter [tilespmem:s8], [sflag:$0x9], $0x180, $0x38;
	[tilespmem:$0x127A0] =	vst v63  }
0x17a: {  	s17 =	sadd.s32 $0x1, s17;
	s16 =	sadd.s32 $0x27100, s11  }
0x17b: {  	[hbm4b:s16+s3] =	stream.linear.scatter [tilespmem:s29], [sflag:$0x9], $0x180, $0x38;
	[tilespmem:$0x127A0] =	vst v63  }
0x17c: {  	p0 =	sne.s32 s17, $0x8;
	s18 =	sadd.s32 $0x30D40, s11  }
0x17d: {  	[hbm4b:s18+s3] =	stream.linear.scatter [tilespmem:s9], [sflag:$0x9], $0x180, $0x38;
	[tilespmem:$0x127A0] =	vst v63  }
.Ltmp3:
0x17e: {  	_ = 	snop;
	(pc) =	sbr.rel @p0 .LBB2_2-.Ltmp3, $4  }
0x17f: {  	s24 =	sadd.s32 $0x3A980, s11  }
0x180: {  	[hbm4b:s24+s3] =	stream.linear.scatter [tilespmem:s21], [sflag:$0x9], $0x180, $0x38;
	[tilespmem:$0x127A0] =	vst v63  }
0x181: {  	s11 =	sadd.s32 $0x445C0, s11  }
0x182: {  	[hbm4b:s11+s3] =	stream.linear.scatter [tilespmem:s1], [sflag:$0x9], $0x180, $0x38;
	[tilespmem:$0x127A0] =	vst v63  }
0x183: {  	s17 =	simm.s32 $0x7E20;
	s11 =	simm.s32 $0x2580  }
0x184: {  	[tilespmem:s17], [sflag:$0x3] =	stream.indirect.gather [hbm4b:s5+s20], $0x10, s11, s20, $0xb8;
	[tilespmem:$0x127A0] =	vst v63  }
0x185: {  	s18 =	simm.s32 $0x9620;
	s12 =	simm.s32 $0x4C90  }
0x186: {  	[tilespmem:s18], [sflag:$0x4] =	stream.indirect.gather [hbm4b:s6+s20], $0x10, s12, s20, $0xb8;
	[tilespmem:$0x127A0] =	vst v63  }
0x187: {  	s13 =	simm.s32 $0x8620;
	s12 =	simm.s32 $0x2600  }
0x188: {  	[tilespmem:s13], [sflag:$0x3] =	stream.indirect.gather [hbm4b:s5+s20], $0x10, s12, s20, $0xb8;
	[tilespmem:$0x127A0] =	vst v63  }
0x189: {  	s14 =	simm.s32 $0x9E20;
	s15 =	simm.s32 $0x4D10  }
0x18a: {  	[tilespmem:s14], [sflag:$0x4] =	stream.indirect.gather [hbm4b:s6+s20], $0x10, s15, s20, $0xb8;
	[tilespmem:$0x127A0] =	vst v63  }
0x18b: {  	s16 =	simm.s32 $0x8E20;
	s24 =	simm.s32 $0x2680  }
0x18c: {  	[tilespmem:s16], [sflag:$0x3] =	stream.indirect.gather [hbm4b:s5+s20], $0x10, s24, s20, $0xb8;
	[tilespmem:$0x127A0] =	vst v63  }
0x18d: {  	s12 =	simm.s32 $0xA620;
	s13 =	simm.s32 $0x4D90  }
0x18e: {  	[tilespmem:s12], [sflag:$0x4] =	stream.indirect.gather [hbm4b:s6+s20], $0x10, s13, s20, $0xb8;
	[tilespmem:$0x127A0] =	vst v63  }
0x18f: {  	_ =	swait.ge [sflag:s0], $0x1800  }
0x190: {  	[sflag:s0] =	ssyncset.done $0x0  }
0x191: {  	[sflag:s0] =	ssyncadd.s32 $0xFFFFE800  }
0x192: {  	_ =	swait.ge [sflag:s31], $0x1800  }
0x193: {  	[sflag:s31] =	ssyncset.done $0x0  }
0x194: {  	s14 =	simm.s32 $0x7;
	[sflag:s31] =	ssyncadd.s32 $0xFFFFE800  }
0x195: {  	_ =	swait.ge [sflag:s14], $0xC00  }
0x196: {  	[sflag:s14] =	ssyncset.done $0x0  }
0x197: {  	s15 =	simm.s32 $0x7;
	[sflag:s14] =	ssyncadd.s32 $0xFFFFF400  }
0x198: {  	v9 =	vmov s15;
	_ =	swait.ge [sflag:s14], $0xC00  }
0x199: {  	v9 =	vshrl.u32 v9, $0x3;
	[sflag:s14] =	ssyncset.done $0x0  }
0x19a: {  	v9 =	vshll.u32 v9, v1;
	s12 =	simm.s32 $0x4E60;
	[sflag:s14] =	ssyncadd.s32 $0xFFFFF400  }
0x19b: {  	s11 =	simm.s32 $0x6660;
	s16 =	simm.s32 $0x2;
	s13 =	simm.s32 $0x1;
	v13 =	vbroadcast v9, $0x0;
	v10 =	vld [tilespmem:s12+$0x30]  }
0x19c: {  	v15 =	vmov s16;
	v11 =	vmov s13;
	v12 =	vld [tilespmem:s11+$0x30]  }
0x19d: {  	v11 =	vshrl.u32 v11, $0x3;
	v18 =	vadd.s32 v8, v13;
	v13 =	vshrl.u32 v15, $0x3;
	v9 =	vld [tilespmem:s11+$0xFFFFFFC0]  }
0x19e: {  	s24 =	simm.s32 $0x3;
	v11 =	vshll.u32 v11, v1;
	v13 =	vshll.u32 v13, v1;
	v16 =	vld [tilespmem:s12+$0xFFFFFFD0]  }
0x19f: {  	s15 =	simm.s32 $0x5;
	v17 =	vmov s24;
	v11 =	vbroadcast v11, $0x0;
	v13 =	vbroadcast v13, $0x0;
	v19 =	vld [tilespmem:s11+$0xFFFFFFD0]  }
0x1a0: {  	v22 =	vmov s15;
	v15 =	vshrl.u32 v17, $0x3;
	s14 =	simm.s32 $0x0;
	v20 =	vld [tilespmem:s12+$0xFFFFFFE0]  }
0x1a1: {  	v11 =	vadd.s32 v2, v11;
	v23 =	vadd.s32 v3, v13;
	v14 =	vmov s14;
	v17 =	vld [tilespmem:s11+$0xFFFFFFE0];
	s14 =	simm.s32 $0x4  }
0x1a2: {  	v21 =	vld [tilespmem:s12+$0xFFFFFFF0];
	v12 =	vadd.f32 v12, v10;
	v10 =	vshll.u32 v15, v1;
	v15 =	vmov s14  }
0x1a3: {  	v24 =	vld [tilespmem:s11+$0xFFFFFFF0];
	v14 =	vshrl.u32 v14, $0x3;
	v10 =	vbroadcast v10, $0x0;
	v15 =	vshrl.u32 v15, $0x3  }
0x1a4: {  	v13 =	vshll.u32 v14, v1;
	v14 =	vld [tilespmem:s12+$0x0];
	v16 =	vadd.f32 v19, v16;
	v19 =	vshll.u32 v15, v1  }
0x1a5: {  	v22 =	vshrl.u32 v22, $0x3;
	s16 =	simm.s32 $0x6;
	v15 =	vld [tilespmem:s11+$0x0];
	v10 =	vadd.s32 v4, v10;
	v19 =	vbroadcast v19, $0x0  }
0x1a6: {  	[tilespmem:v18+s26+$0x0] =	vst.idx.msk $0xffff, v12;
	v18 =	vadd.f32 v17, v20;
	v12 =	vld [tilespmem:s12+$0x10];
	v20 =	vshll.u32 v22, v1;
	v22 =	vmov s16  }
0x1a7: {  	s24 =	simm.s32 $0x9;
	[tilespmem:v11+s26+$0x0] =	vst.idx.msk $0xffff, v16;
	v17 =	vld [tilespmem:s11+$0x10];
	v20 =	vbroadcast v20, $0x0;
	v22 =	vshrl.u32 v22, $0x3;
	v11 =	vadd.s32 v5, v19  }
0x1a8: {  	s15 =	simm.s32 $0xF;
	s13 =	simm.s32 $0x8;
	s14 =	simm.s32 $0x10;
	v16 =	vld [tilespmem:s12+$0x20];
	[tilespmem:v23+s26+$0x0] =	vst.idx.msk $0xffff, v18;
	v18 =	vadd.f32 v24, v21;
	v21 =	vshll.u32 v22, v1;
	v19 =	vmov s24  }
.LBB2_10:
0x1a9: {  	p0 =	slt.u32 s14, $0x178;
	v22 =	vmov s15;
	v20 =	vadd.s32 v6, v20;
	v23 =	vld [tilespmem:s11+$0x20];
	v21 =	vbroadcast v21, $0x0  }
0x1aa: {  	v13 =	vbroadcast v13, $0x0;
	v22 =	vshrl.u32 v22, $0x3;
	v24 =	vld [tilespmem:s12+$0xFFFFFFC0];
	[tilespmem:v10+s26+$0x0] =	vst.idx.msk $0xffff, v18;
	v10 =	vadd.f32 v15, v14;
	s12 =	sadd.s32 $0x80, s12  }
0x1ab: {  	s11 =	sadd.s32 $0x80, s11;
	v14 =	vshrl.u32 v19, $0x3;
	v15 =	vld [tilespmem:s12+$0x30];
	v18 =	vshll.u32 v22, v1;
	v19 =	vadd.s32 v7, v21  }
0x1ac: {  	s15 =	sadd.s32 $0x2, s13;
	v13 =	vadd.s32 v0, v13;
	v21 =	vld [tilespmem:s11+$0x30];
	v18 =	vbroadcast v18, $0x0;
	[tilespmem:v11+s26+$0x0] =	vst.idx.msk $0xffff, v10;
	v10 =	vadd.f32 v17, v12  }
0x1ad: {  	v14 =	vshll.u32 v14, v1;
	v12 =	vmov s13;
	v17 =	vmov s15;
	s15 =	sadd.s32 $0x3, s13;
	v11 =	vld [tilespmem:s11+$0xFFFFFFC0]  }
0x1ae: {  	v25 =	vmov s15;
	v22 =	vld [tilespmem:s12+$0xFFFFFFD0];
	v18 =	vadd.s32 v8, v18;
	[tilespmem:v20+s26+$0x0] =	vst.idx.msk $0xffff, v10;
	v10 =	vadd.f32 v23, v16  }
0x1af: {  	v14 =	vbroadcast v14, $0x0;
	v17 =	vshrl.u32 v17, $0x3;
	v16 =	vld [tilespmem:s11+$0xFFFFFFD0];
	v26 =	vadd.f32 v9, v24  }
0x1b0: {  	v12 =	vshrl.u32 v12, $0x3;
	v17 =	vshll.u32 v17, v1;
	v23 =	vshrl.u32 v25, $0x3;
	v20 =	vld [tilespmem:s12+$0xFFFFFFE0];
	[tilespmem:v19+s26+$0x0] =	vst.idx.msk $0xffff, v10  }
0x1b1: {  	s16 =	sadd.s32 $0x5, s13;
	s15 =	sadd.s32 $0x4, s13;
	v19 =	vadd.s32 v2, v14;
	v10 =	vbroadcast v17, $0x0;
	v24 =	vld [tilespmem:s11+$0xFFFFFFE0];
	v14 =	vadd.f32 v21, v15;
	[tilespmem:v13+s26+$0x0] =	vst.idx.msk $0xffff, v26  }
0x1b2: {  	v17 =	vmov s16;
	v13 =	vshll.u32 v23, v1;
	v15 =	vmov s15;
	v21 =	vld [tilespmem:s12+$0xFFFFFFF0];
	v9 =	vmovc v11  }
0x1b3: {  	v23 =	vadd.s32 v3, v10;
	v10 =	vbroadcast v13, $0x0;
	v11 =	vshrl.u32 v15, $0x3;
	v25 =	vld [tilespmem:s11+$0xFFFFFFF0];
	[tilespmem:v18+s26+$0x0] =	vst.idx.msk $0xffff, v14  }
.Ltmp4:
0x1b4: {  	v13 =	vshll.u32 v12, v1;
	v11 =	vshll.u32 v11, v1;
	v12 =	vadd.f32 v16, v22;
	v14 =	vld [tilespmem:s12+$0x0];
	(pc) =	sbr.rel @p0 .LBB2_10-.Ltmp4, $4  }
0x1b5: {  	s15 =	sadd.s32 $0x6, s13;
	s13 =	smov.u32 s14;
	v10 =	vadd.s32 v4, v10;
	v11 =	vbroadcast v11, $0x0;
	v16 =	vshrl.u32 v17, $0x3;
	v15 =	vld [tilespmem:s11+$0x0]  }
0x1b6: {  	v16 =	vshll.u32 v16, v1;
	[tilespmem:v19+s26+$0x0] =	vst.idx.msk $0xffff, v12;
	v18 =	vadd.f32 v24, v20;
	v12 =	vld [tilespmem:s12+$0x10];
	v19 =	vmov s15  }
0x1b7: {  	s15 =	sadd.s32 $0x1, s14;
	v11 =	vadd.s32 v5, v11;
	v20 =	vbroadcast v16, $0x0;
	v17 =	vld [tilespmem:s11+$0x10];
	v22 =	vshrl.u32 v19, $0x3  }
0x1b8: {  	s14 =	sadd.s32 $0x8, s14;
	v19 =	vmov s15;
	s15 =	sadd.s32 $0x7, s13;
	[tilespmem:v23+s26+$0x0] =	vst.idx.msk $0xffff, v18;
	v18 =	vadd.f32 v25, v21;
	v16 =	vld [tilespmem:s12+$0x20];
	v21 =	vshll.u32 v22, v1  }
0x1b9: {  	v22 =	vld [tilespmem:s11+$0x20]  }
0x1ba: {  	v23 =	vmov s15;
	v24 =	vld [tilespmem:s12+$0xFFFFFFC0];
	s12 =	sadd.s32 $0x80, s12  }
0x1bb: {  	v20 =	vadd.s32 v6, v20;
	v21 =	vbroadcast v21, $0x0;
	s11 =	sadd.s32 $0x80, s11;
	v13 =	vbroadcast v13, $0x0;
	v25 =	vld [tilespmem:s12+$0x30]  }
0x1bc: {  	v19 =	vshrl.u32 v19, $0x3;
	s14 =	sadd.s32 $0x2, s13;
	s24 =	sadd.s32 $0x3, s13;
	v23 =	vshrl.u32 v23, $0x3;
	v14 =	vadd.f32 v15, v14;
	v26 =	vld [tilespmem:s11+$0xFFFFFFC0]  }
0x1bd: {  	s15 =	sadd.s32 $0x4, s13;
	s16 =	sadd.s32 $0x5, s13;
	v27 =	vld [tilespmem:s12+$0xFFFFFFD0];
	v19 =	vshll.u32 v19, v1;
	v28 =	vmov s14;
	v29 =	vmov s24  }
0x1be: {  	v30 =	vld [tilespmem:s11+$0xFFFFFFD0];
	v32 =	vmov s15;
	v33 =	vmov s16;
	v15 =	vshll.u32 v23, v1  }
0x1bf: {  	v56 =	vld [tilespmem:s12+$0xFFFFFFE0];
	s24 =	sadd.s32 $0x6, s13;
	v21 =	vadd.s32 v7, v21;
	v13 =	vadd.s32 v0, v13;
	v19 =	vbroadcast v19, $0x0  }
0x1c0: {  	v57 =	vld [tilespmem:s11+$0xFFFFFFE0];
	[tilespmem:v10+s26+$0x0] =	vst.idx.msk $0xffff, v18;
	v29 =	vshrl.u32 v29, $0x3;
	v18 =	vshrl.u32 v32, $0x3;
	v61 =	vmov s24  }
0x1c1: {  	v31 =	vld [tilespmem:s12+$0xFFFFFFF0];
	v15 =	vbroadcast v15, $0x0;
	v12 =	vadd.f32 v17, v12;
	v17 =	vmov s13  }
0x1c2: {  	v59 =	vld [tilespmem:s11+$0xFFFFFFF0];
	v58 =	vshll.u32 v29, v1;
	[tilespmem:v11+s26+$0x0] =	vst.idx.msk $0xffff, v14;
	v11 =	vshll.u32 v18, v1;
	v14 =	vshrl.u32 v33, $0x3  }
0x1c3: {  	v34 =	vld [tilespmem:s12+$0x0];
	v17 =	vshrl.u32 v17, $0x3;
	v19 =	vadd.s32 v2, v19;
	v10 =	vbroadcast v58, $0x0  }
0x1c4: {  	v23 =	vld [tilespmem:s11+$0x30];
	v15 =	vadd.s32 v8, v15;
	v16 =	vadd.f32 v22, v16;
	v22 =	vshrl.u32 v28, $0x3  }
0x1c5: {  	v18 =	vld [tilespmem:s12+$0x10];
	v9 =	vadd.f32 v9, v24;
	[tilespmem:v20+s26+$0x0] =	vst.idx.msk $0xffff, v12;
	v12 =	vshll.u32 v14, v1;
	v20 =	vshrl.u32 v61, $0x3  }
0x1c6: {  	v14 =	vld [tilespmem:s11+$0x10];
	v22 =	vshll.u32 v22, v1;
	v10 =	vadd.s32 v4, v10;
	v12 =	vbroadcast v12, $0x0;
	[tilespmem:v21+s26+$0x0] =	vst.idx.msk $0xffff, v16  }
0x1c7: {  	v20 =	vshll.u32 v20, v1;
	v22 =	vbroadcast v22, $0x0;
	v16 =	vld [tilespmem:s12+$0x20];
	[tilespmem:v13+s26+$0x0] =	vst.idx.msk $0xffff, v9;
	v9 =	vadd.f32 v30, v27  }
0x1c8: {  	v17 =	vshll.u32 v17, v1;
	v13 =	vld [tilespmem:s11+$0x20];
	v20 =	vbroadcast v20, $0x0;
	v12 =	vadd.s32 v6, v12  }
0x1c9: {  	v17 =	vbroadcast v17, $0x0;
	v21 =	vld [tilespmem:s12+$0xFFFFFFC0];
	v22 =	vadd.s32 v3, v22;
	[tilespmem:v19+s26+$0x0] =	vst.idx.msk $0xffff, v9;
	v9 =	vadd.f32 v59, v31  }
0x1ca: {  	v60 =	vld [tilespmem:s11+$0x0];
	v11 =	vbroadcast v11, $0x0;
	v23 =	vadd.f32 v23, v25;
	v19 =	vadd.s32 v7, v20  }
0x1cb: {  	v17 =	vadd.s32 v0, v17;
	[tilespmem:v10+s26+$0x0] =	vst.idx.msk $0xffff, v9;
	v9 =	vadd.f32 v14, v18  }
0x1cc: {  	v11 =	vadd.s32 v5, v11;
	[tilespmem:v15+s26+$0x0] =	vst.idx.msk $0xffff, v23;
	v15 =	vadd.f32 v57, v56  }
0x1cd: {  	v10 =	vadd.f32 v13, v16;
	[tilespmem:v12+s26+$0x0] =	vst.idx.msk $0xffff, v9  }
0x1ce: {  	v9 =	vadd.f32 v26, v21;
	[tilespmem:v22+s26+$0x0] =	vst.idx.msk $0xffff, v15  }
0x1cf: {  	v15 =	vadd.f32 v60, v34;
	[tilespmem:v19+s26+$0x0] =	vst.idx.msk $0xffff, v10  }
0x1d0: {  	[tilespmem:v17+s26+$0x0] =	vst.idx.msk $0xffff, v9  }
0x1d1: {  	[tilespmem:v11+s26+$0x0] =	vst.idx.msk $0xffff, v15  }
0x1d2: {  	s13 =	simm.s32 $0x0;
	s12 =	rddreg [dreg:$0x5]  }
0x1d3: {  	[hbm4b:s12+s13] =	stream.linear.scatter [tilespmem:s26], [sflag:$0x7], $0x180, $0x38;
	[tilespmem:$0x127A0] =	vst v63  }
0x1d4: {  	s15 =	simm.s32 $0xDFA8;
	s14 =	sadd.s32 $0x9C40, s12  }
0x1d5: {  	[hbm4b:s14+s13] =	stream.linear.scatter [tilespmem:s15], [sflag:$0x7], $0x180, $0x38;
	[tilespmem:$0x127A0] =	vst v63  }
0x1d6: {  	s24 =	simm.s32 $0xE130;
	s16 =	sadd.s32 $0x13880, s12  }
0x1d7: {  	[hbm4b:s16+s13] =	stream.linear.scatter [tilespmem:s24], [sflag:$0x7], $0x180, $0x38;
	[tilespmem:$0x127A0] =	vst v63  }
0x1d8: {  	s14 =	sadd.s32 $0x1D4C0, s12;
	s15 =	simm.s32 $0xE2B8  }
0x1d9: {  	[hbm4b:s14+s13] =	stream.linear.scatter [tilespmem:s15], [sflag:$0x7], $0x180, $0x38;
	[tilespmem:$0x127A0] =	vst v63  }
0x1da: {  	s16 =	sadd.s32 $0x27100, s12;
	s24 =	simm.s32 $0xE440  }
0x1db: {  	[hbm4b:s16+s13] =	stream.linear.scatter [tilespmem:s24], [sflag:$0x7], $0x180, $0x38;
	[tilespmem:$0x127A0] =	vst v63  }
0x1dc: {  	s14 =	sadd.s32 $0x30D40, s12;
	s15 =	simm.s32 $0xE5C8  }
0x1dd: {  	[hbm4b:s14+s13] =	stream.linear.scatter [tilespmem:s15], [sflag:$0x7], $0x180, $0x38;
	[tilespmem:$0x127A0] =	vst v63  }
0x1de: {  	s16 =	sadd.s32 $0x3A980, s12;
	s24 =	simm.s32 $0xE750  }
0x1df: {  	[hbm4b:s16+s13] =	stream.linear.scatter [tilespmem:s24], [sflag:$0x7], $0x180, $0x38;
	[tilespmem:$0x127A0] =	vst v63  }
0x1e0: {  	s12 =	sadd.s32 $0x445C0, s12;
	s14 =	simm.s32 $0xE8D8  }
0x1e1: {  	[hbm4b:s12+s13] =	stream.linear.scatter [tilespmem:s14], [sflag:$0x7], $0x180, $0x38;
	[tilespmem:$0x127A0] =	vst v63  }
0x1e2: {  	s15 =	simm.s32 $0xEA60;
	s12 =	rddreg [dreg:$0x6]  }
0x1e3: {  	[hbm4b:s12+s13] =	stream.linear.scatter [tilespmem:s15], [sflag:$0x7], $0x180, $0x38;
	[tilespmem:$0x127A0] =	vst v63  }
0x1e4: {  	s24 =	simm.s32 $0xEBE8;
	s16 =	sadd.s32 $0x9C40, s12  }
0x1e5: {  	[hbm4b:s16+s13] =	stream.linear.scatter [tilespmem:s24], [sflag:$0x7], $0x180, $0x38;
	[tilespmem:$0x127A0] =	vst v63  }
0x1e6: {  	s14 =	sadd.s32 $0x13880, s12;
	s15 =	simm.s32 $0xED70  }
0x1e7: {  	[hbm4b:s14+s13] =	stream.linear.scatter [tilespmem:s15], [sflag:$0x7], $0x180, $0x38;
	[tilespmem:$0x127A0] =	vst v63  }
0x1e8: {  	s16 =	sadd.s32 $0x1D4C0, s12;
	s24 =	simm.s32 $0xEEF8  }
0x1e9: {  	[hbm4b:s16+s13] =	stream.linear.scatter [tilespmem:s24], [sflag:$0x7], $0x180, $0x38;
	[tilespmem:$0x127A0] =	vst v63  }
0x1ea: {  	s14 =	sadd.s32 $0x27100, s12;
	s15 =	simm.s32 $0xF080  }
0x1eb: {  	[hbm4b:s14+s13] =	stream.linear.scatter [tilespmem:s15], [sflag:$0x7], $0x180, $0x38;
	[tilespmem:$0x127A0] =	vst v63  }
0x1ec: {  	s16 =	sadd.s32 $0x30D40, s12;
	s24 =	simm.s32 $0xF208  }
0x1ed: {  	[hbm4b:s16+s13] =	stream.linear.scatter [tilespmem:s24], [sflag:$0x7], $0x180, $0x38;
	[tilespmem:$0x127A0] =	vst v63  }
0x1ee: {  	s14 =	sadd.s32 $0x3A980, s12;
	s15 =	simm.s32 $0xF390  }
0x1ef: {  	[hbm4b:s14+s13] =	stream.linear.scatter [tilespmem:s15], [sflag:$0x7], $0x180, $0x38;
	[tilespmem:$0x127A0] =	vst v63  }
0x1f0: {  	s16 =	sadd.s32 $0x445C0, s12;
	s24 =	simm.s32 $0xF518  }
0x1f1: {  	[hbm4b:s16+s13] =	stream.linear.scatter [tilespmem:s24], [sflag:$0x7], $0x180, $0x38;
	[tilespmem:$0x127A0] =	vst v63  }
0x1f2: {  	_ =	swait.ge [sflag:s25], $0x1800  }
0x1f3: {  	[sflag:s25] =	ssyncset.done $0x0  }
0x1f4: {  	[sflag:s25] =	ssyncadd.s32 $0xFFFFE800  }
0x1f5: {  	_ =	swait.ge [sflag:s28], $0x1800  }
0x1f6: {  	[sflag:s28] =	ssyncset.done $0x0  }
0x1f7: {  	s12 =	simm.s32 $0x8;
	[sflag:s28] =	ssyncadd.s32 $0xFFFFE800  }
0x1f8: {  	_ =	swait.ge [sflag:s12], $0xC00  }
0x1f9: {  	[sflag:s12] =	ssyncset.done $0x0  }
0x1fa: {  	[sflag:s12] =	ssyncadd.s32 $0xFFFFF400  }
0x1fb: {  	_ =	swait.ge [sflag:s12], $0xC00  }
0x1fc: {  	s14 =	simm.s32 $0x7;
	[sflag:s12] =	ssyncset.done $0x0  }
0x1fd: {  	s11 =	simm.s32 $0x7E60;
	v9 =	vmov s14;
	[sflag:s12] =	ssyncadd.s32 $0xFFFFF400  }
0x1fe: {  	s15 =	simm.s32 $0x1;
	v9 =	vshrl.u32 v9, $0x3;
	s16 =	simm.s32 $0x2;
	s12 =	simm.s32 $0x9660;
	v10 =	vld [tilespmem:s11+$0x30]  }
0x1ff: {  	v11 =	vmov s15;
	v9 =	vshll.u32 v9, v1;
	v15 =	vmov s16;
	v12 =	vld [tilespmem:s12+$0x30]  }
0x200: {  	v11 =	vshrl.u32 v11, $0x3;
	v13 =	vbroadcast v9, $0x0;
	v15 =	vshrl.u32 v15, $0x3;
	v9 =	vld [tilespmem:s12+$0xFFFFFFC0]  }
0x201: {  	v14 =	vmov s13;
	s24 =	simm.s32 $0x3;
	v11 =	vshll.u32 v11, v1;
	v15 =	vshll.u32 v15, v1;
	v16 =	vld [tilespmem:s11+$0xFFFFFFD0]  }
0x202: {  	v17 =	vmov s24;
	v11 =	vbroadcast v11, $0x0;
	v15 =	vbroadcast v15, $0x0;
	v18 =	vld [tilespmem:s12+$0xFFFFFFD0]  }
0x203: {  	v14 =	vshrl.u32 v14, $0x3;
	v17 =	vshrl.u32 v17, $0x3;
	v19 =	vld [tilespmem:s11+$0xFFFFFFE0]  }
0x204: {  	s14 =	simm.s32 $0x4;
	v13 =	vadd.s32 v8, v13;
	v11 =	vadd.s32 v2, v11;
	v23 =	vadd.s32 v3, v15;
	v20 =	vld [tilespmem:s12+$0xFFFFFFE0]  }
0x205: {  	s15 =	simm.s32 $0x5;
	v22 =	vld [tilespmem:s11+$0xFFFFFFF0];
	v21 =	vadd.f32 v12, v10;
	v10 =	vshll.u32 v17, v1;
	v12 =	vmov s14  }
0x206: {  	v62 =	vld [tilespmem:s12+$0xFFFFFFF0];
	v17 =	vmov s15;
	v10 =	vbroadcast v10, $0x0;
	v15 =	vshrl.u32 v12, $0x3  }
0x207: {  	v16 =	vadd.f32 v18, v16;
	v12 =	vshll.u32 v14, v1;
	v14 =	vld [tilespmem:s11+$0x0];
	v18 =	vshll.u32 v15, v1  }
0x208: {  	s16 =	simm.s32 $0x6;
	v17 =	vshrl.u32 v17, $0x3;
	v15 =	vld [tilespmem:s12+$0x0];
	v10 =	vadd.s32 v4, v10;
	v18 =	vbroadcast v18, $0x0  }
0x209: {  	[tilespmem:v13+s30+$0x0] =	vst.idx.msk $0xffff, v21;
	v21 =	vadd.f32 v20, v19;
	v13 =	vld [tilespmem:s11+$0x10];
	v17 =	vshll.u32 v17, v1;
	v19 =	vmov s16  }
0x20a: {  	s24 =	simm.s32 $0x9;
	[tilespmem:v11+s30+$0x0] =	vst.idx.msk $0xffff, v16;
	v16 =	vld [tilespmem:s12+$0x10];
	v20 =	vbroadcast v17, $0x0;
	v63 =	vshrl.u32 v19, $0x3;
	v11 =	vadd.s32 v5, v18  }
0x20b: {  	s13 =	simm.s32 $0x8;
	s15 =	simm.s32 $0xF;
	s14 =	simm.s32 $0x10;
	v19 =	vmov s24;
	v17 =	vld [tilespmem:s11+$0x20];
	[tilespmem:v23+s30+$0x0] =	vst.idx.msk $0xffff, v21;
	v21 =	vshll.u32 v63, v1;
	v18 =	vadd.f32 v62, v22  }
.LBB2_12:
0x20c: {  	p0 =	slt.u32 s14, $0x178;
	v22 =	vmov s15;
	v20 =	vadd.s32 v6, v20;
	v23 =	vld [tilespmem:s12+$0x20];
	v21 =	vbroadcast v21, $0x0  }
0x20d: {  	v12 =	vbroadcast v12, $0x0;
	v22 =	vshrl.u32 v22, $0x3;
	v24 =	vld [tilespmem:s11+$0xFFFFFFC0];
	[tilespmem:v10+s30+$0x0] =	vst.idx.msk $0xffff, v18;
	v10 =	vadd.f32 v15, v14;
	s11 =	sadd.s32 $0x80, s11  }
0x20e: {  	s12 =	sadd.s32 $0x80, s12;
	v14 =	vshrl.u32 v19, $0x3;
	v15 =	vld [tilespmem:s11+$0x30];
	v18 =	vshll.u32 v22, v1;
	v19 =	vadd.s32 v7, v21  }
0x20f: {  	s15 =	sadd.s32 $0x2, s13;
	v12 =	vadd.s32 v0, v12;
	v21 =	vld [tilespmem:s12+$0x30];
	v18 =	vbroadcast v18, $0x0;
	[tilespmem:v11+s30+$0x0] =	vst.idx.msk $0xffff, v10;
	v10 =	vadd.f32 v16, v13  }
0x210: {  	v14 =	vshll.u32 v14, v1;
	v13 =	vmov s13;
	v16 =	vmov s15;
	s15 =	sadd.s32 $0x3, s13;
	v11 =	vld [tilespmem:s12+$0xFFFFFFC0]  }
0x211: {  	v25 =	vmov s15;
	v22 =	vld [tilespmem:s11+$0xFFFFFFD0];
	v18 =	vadd.s32 v8, v18;
	[tilespmem:v20+s30+$0x0] =	vst.idx.msk $0xffff, v10;
	v10 =	vadd.f32 v23, v17  }
0x212: {  	v14 =	vbroadcast v14, $0x0;
	v16 =	vshrl.u32 v16, $0x3;
	v17 =	vld [tilespmem:s12+$0xFFFFFFD0];
	v26 =	vadd.f32 v9, v24  }
0x213: {  	v13 =	vshrl.u32 v13, $0x3;
	v16 =	vshll.u32 v16, v1;
	v23 =	vshrl.u32 v25, $0x3;
	v20 =	vld [tilespmem:s11+$0xFFFFFFE0];
	[tilespmem:v19+s30+$0x0] =	vst.idx.msk $0xffff, v10  }
0x214: {  	s16 =	sadd.s32 $0x5, s13;
	s15 =	sadd.s32 $0x4, s13;
	v19 =	vadd.s32 v2, v14;
	v10 =	vbroadcast v16, $0x0;
	v24 =	vld [tilespmem:s12+$0xFFFFFFE0];
	v14 =	vadd.f32 v21, v15;
	[tilespmem:v12+s30+$0x0] =	vst.idx.msk $0xffff, v26  }
0x215: {  	v16 =	vmov s16;
	v12 =	vshll.u32 v23, v1;
	v15 =	vmov s15;
	v21 =	vld [tilespmem:s11+$0xFFFFFFF0];
	v9 =	vmovc v11  }
0x216: {  	v23 =	vadd.s32 v3, v10;
	v10 =	vbroadcast v12, $0x0;
	v11 =	vshrl.u32 v15, $0x3;
	v25 =	vld [tilespmem:s12+$0xFFFFFFF0];
	[tilespmem:v18+s30+$0x0] =	vst.idx.msk $0xffff, v14  }
.Ltmp5:
0x217: {  	v12 =	vshll.u32 v13, v1;
	v11 =	vshll.u32 v11, v1;
	v13 =	vadd.f32 v17, v22;
	v14 =	vld [tilespmem:s11+$0x0];
	(pc) =	sbr.rel @p0 .LBB2_12-.Ltmp5, $4  }
0x218: {  	v16 =	vshrl.u32 v16, $0x3;
	s15 =	sadd.s32 $0x6, s13;
	s13 =	smov.u32 s14;
	v10 =	vadd.s32 v4, v10;
	v11 =	vbroadcast v11, $0x0;
	v15 =	vld [tilespmem:s12+$0x0]  }
0x219: {  	v18 =	vshll.u32 v16, v1;
	[tilespmem:v19+s30+$0x0] =	vst.idx.msk $0xffff, v13;
	v17 =	vadd.f32 v24, v20;
	v13 =	vld [tilespmem:s11+$0x10];
	v19 =	vmov s15  }
0x21a: {  	s15 =	sadd.s32 $0x1, s14;
	v11 =	vadd.s32 v5, v11;
	v20 =	vbroadcast v18, $0x0;
	v16 =	vld [tilespmem:s12+$0x10];
	v22 =	vshrl.u32 v19, $0x3  }
0x21b: {  	s14 =	sadd.s32 $0x8, s14;
	v19 =	vmov s15;
	s15 =	sadd.s32 $0x7, s13;
	[tilespmem:v23+s30+$0x0] =	vst.idx.msk $0xffff, v17;
	v18 =	vadd.f32 v25, v21;
	v17 =	vld [tilespmem:s11+$0x20];
	v21 =	vshll.u32 v22, v1  }
0x21c: {  	v22 =	vld [tilespmem:s12+$0x20]  }
0x21d: {  	s14 =	sadd.s32 $0x80, s11;
	v23 =	vmov s15;
	v24 =	vld [tilespmem:s11+$0xFFFFFFC0]  }
0x21e: {  	s11 =	sadd.s32 $0x80, s12;
	s16 =	sadd.s32 $0x2, s13;
	v26 =	vmov s13;
	v20 =	vadd.s32 v6, v20;
	v21 =	vbroadcast v21, $0x0;
	v25 =	vld [tilespmem:s14+$0x30]  }
0x21f: {  	s24 =	sadd.s32 $0x3, s13;
	s15 =	sadd.s32 $0x4, s13;
	v12 =	vbroadcast v12, $0x0;
	v19 =	vshrl.u32 v19, $0x3;
	v27 =	vmov s16;
	v32 =	vld [tilespmem:s11+$0x30]  }
0x220: {  	v28 =	vmov s24;
	v29 =	vmov s15;
	v23 =	vshrl.u32 v23, $0x3;
	v33 =	vld [tilespmem:s11+$0xFFFFFFC0]  }
0x221: {  	s16 =	sadd.s32 $0x5, s13;
	s24 =	sadd.s32 $0x6, s13;
	v14 =	vadd.f32 v15, v14;
	v39 =	vld [tilespmem:s14+$0xFFFFFFD0];
	v40 =	vshll.u32 v19, v1;
	v26 =	vshrl.u32 v26, $0x3  }
0x222: {  	v34 =	vld [tilespmem:s11+$0xFFFFFFD0];
	v30 =	vmov s16;
	v31 =	vmov s24;
	v38 =	vshll.u32 v23, v1  }
0x223: {  	v41 =	vld [tilespmem:s14+$0xFFFFFFE0];
	v21 =	vadd.s32 v7, v21;
	v12 =	vadd.s32 v0, v12;
	v42 =	vshrl.u32 v27, $0x3  }
0x224: {  	v43 =	vld [tilespmem:s11+$0xFFFFFFE0];
	v28 =	vshrl.u32 v28, $0x3;
	v47 =	vshrl.u32 v29, $0x3;
	v15 =	vbroadcast v38, $0x0  }
0x225: {  	v44 =	vld [tilespmem:s14+$0xFFFFFFF0];
	v13 =	vadd.f32 v16, v13;
	v16 =	vbroadcast v40, $0x0;
	v28 =	vshll.u32 v28, v1  }
0x226: {  	v35 =	vld [tilespmem:s11+$0xFFFFFFF0];
	[tilespmem:v11+s30+$0x0] =	vst.idx.msk $0xffff, v14;
	v11 =	vshll.u32 v26, v1;
	v49 =	vshll.u32 v47, v1;
	v50 =	vshrl.u32 v30, $0x3  }
0x227: {  	v45 =	vld [tilespmem:s14+$0x0];
	v55 =	vshrl.u32 v31, $0x3;
	v46 =	vbroadcast v28, $0x0;
	v53 =	vshll.u32 v50, v1  }
0x228: {  	v48 =	vld [tilespmem:s11+$0x0];
	v17 =	vadd.f32 v22, v17;
	v22 =	vshll.u32 v42, v1;
	v16 =	vadd.s32 v2, v16  }
0x229: {  	[tilespmem:v10+s30+$0x0] =	vst.idx.msk $0xffff, v18;
	v51 =	vld [tilespmem:s14+$0x10];
	v15 =	vadd.s32 v8, v15;
	v9 =	vadd.f32 v9, v24;
	v22 =	vbroadcast v22, $0x0  }
0x22a: {  	v54 =	vld [tilespmem:s11+$0x10];
	v58 =	vshll.u32 v55, v1;
	[tilespmem:v20+s30+$0x0] =	vst.idx.msk $0xffff, v13;
	v14 =	vbroadcast v53, $0x0;
	v56 =	vadd.s32 v4, v46  }
0x22b: {  	v57 =	vld [tilespmem:s14+$0x20];
	v52 =	vbroadcast v49, $0x0;
	[tilespmem:v12+s30+$0x0] =	vst.idx.msk $0xffff, v9;
	v9 =	vadd.f32 v34, v39;
	v10 =	vadd.s32 v3, v22  }
0x22c: {  	v62 =	vld [tilespmem:s14+$0xFFFFFFC0];
	v11 =	vbroadcast v11, $0x0;
	v25 =	vadd.f32 v32, v25;
	[tilespmem:v21+s30+$0x0] =	vst.idx.msk $0xffff, v17;
	v14 =	vadd.s32 v6, v14  }
0x22d: {  	v60 =	vld [tilespmem:s11+$0x20];
	v59 =	vadd.s32 v5, v52;
	v21 =	vbroadcast v58, $0x0;
	[tilespmem:v16+s30+$0x0] =	vst.idx.msk $0xffff, v9;
	v9 =	vadd.f32 v35, v44  }
0x22e: {  	v61 =	vadd.f32 v43, v41;
	v11 =	vadd.s32 v0, v11;
	[tilespmem:v15+s30+$0x0] =	vst.idx.msk $0xffff, v25  }
0x22f: {  	v63 =	vadd.s32 v7, v21;
	[tilespmem:v56+s30+$0x0] =	vst.idx.msk $0xffff, v9;
	v9 =	vadd.f32 v54, v51  }
0x230: {  	[tilespmem:v10+s30+$0x0] =	vst.idx.msk $0xffff, v61;
	v10 =	vadd.f32 v48, v45  }
0x231: {  	[tilespmem:v14+s30+$0x0] =	vst.idx.msk $0xffff, v9;
	v9 =	vadd.f32 v33, v62  }
0x232: {  	[tilespmem:v59+s30+$0x0] =	vst.idx.msk $0xffff, v10;
	v10 =	vadd.f32 v60, v57  }
0x233: {  	[tilespmem:v11+s30+$0x0] =	vst.idx.msk $0xffff, v9  }
0x234: {  	[tilespmem:v63+s30+$0x0] =	vst.idx.msk $0xffff, v10  }
0x235: {  	s11 =	simm.s32 $0x0;
	s13 =	rddreg [dreg:$0x7]  }
0x236: {  	[hbm4b:s13+s11] =	stream.linear.scatter [tilespmem:s30], [sflag:$0x8], $0x180, $0x38;
	[tilespmem:$0x127A0] =	vst v63  }
0x237: {  	s15 =	simm.s32 $0xF828;
	s14 =	sadd.s32 $0x9C40, s13  }
0x238: {  	[hbm4b:s14+s11] =	stream.linear.scatter [tilespmem:s15], [sflag:$0x8], $0x180, $0x38;
	[tilespmem:$0x127A0] =	vst v63  }
0x239: {  	s24 =	simm.s32 $0xF9B0;
	s16 =	sadd.s32 $0x13880, s13  }
0x23a: {  	[hbm4b:s16+s11] =	stream.linear.scatter [tilespmem:s24], [sflag:$0x8], $0x180, $0x38;
	[tilespmem:$0x127A0] =	vst v63  }
0x23b: {  	s14 =	sadd.s32 $0x1D4C0, s13;
	s15 =	simm.s32 $0xFB38  }
0x23c: {  	[hbm4b:s14+s11] =	stream.linear.scatter [tilespmem:s15], [sflag:$0x8], $0x180, $0x38;
	[tilespmem:$0x127A0] =	vst v63  }
0x23d: {  	s16 =	sadd.s32 $0x27100, s13;
	s24 =	simm.s32 $0xFCC0  }
0x23e: {  	[hbm4b:s16+s11] =	stream.linear.scatter [tilespmem:s24], [sflag:$0x8], $0x180, $0x38;
	[tilespmem:$0x127A0] =	vst v63  }
0x23f: {  	s14 =	sadd.s32 $0x30D40, s13;
	s15 =	simm.s32 $0xFE48  }
0x240: {  	[hbm4b:s14+s11] =	stream.linear.scatter [tilespmem:s15], [sflag:$0x8], $0x180, $0x38;
	[tilespmem:$0x127A0] =	vst v63  }
0x241: {  	s16 =	sadd.s32 $0x3A980, s13;
	s24 =	simm.s32 $0xFFD0  }
0x242: {  	[hbm4b:s16+s11] =	stream.linear.scatter [tilespmem:s24], [sflag:$0x8], $0x180, $0x38;
	[tilespmem:$0x127A0] =	vst v63  }
0x243: {  	s15 =	sadd.s32 $0x445C0, s13;
	s16 =	simm.s32 $0x10158  }
0x244: {  	[hbm4b:s15+s11] =	stream.linear.scatter [tilespmem:s16], [sflag:$0x8], $0x180, $0x38;
	[tilespmem:$0x127A0] =	vst v63  }
0x245: {  	s13 =	rddreg [dreg:$0x8];
	s24 =	simm.s32 $0x102E0  }
0x246: {  	[hbm4b:s13+s11] =	stream.linear.scatter [tilespmem:s24], [sflag:$0x8], $0x180, $0x38;
	[tilespmem:$0x127A0] =	vst v63  }
0x247: {  	s14 =	sadd.s32 $0x9C40, s13;
	s15 =	simm.s32 $0x10468  }
0x248: {  	[hbm4b:s14+s11] =	stream.linear.scatter [tilespmem:s15], [sflag:$0x8], $0x180, $0x38;
	[tilespmem:$0x127A0] =	vst v63  }
0x249: {  	s16 =	sadd.s32 $0x13880, s13;
	s24 =	simm.s32 $0x105F0  }
0x24a: {  	[hbm4b:s16+s11] =	stream.linear.scatter [tilespmem:s24], [sflag:$0x8], $0x180, $0x38;
	[tilespmem:$0x127A0] =	vst v63  }
0x24b: {  	s14 =	sadd.s32 $0x1D4C0, s13;
	s15 =	simm.s32 $0x10778  }
0x24c: {  	[hbm4b:s14+s11] =	stream.linear.scatter [tilespmem:s15], [sflag:$0x8], $0x180, $0x38;
	[tilespmem:$0x127A0] =	vst v63  }
0x24d: {  	s16 =	sadd.s32 $0x27100, s13;
	s24 =	simm.s32 $0x10900  }
0x24e: {  	[hbm4b:s16+s11] =	stream.linear.scatter [tilespmem:s24], [sflag:$0x8], $0x180, $0x38;
	[tilespmem:$0x127A0] =	vst v63  }
0x24f: {  	s14 =	sadd.s32 $0x30D40, s13;
	s15 =	simm.s32 $0x10A88  }
0x250: {  	[hbm4b:s14+s11] =	stream.linear.scatter [tilespmem:s15], [sflag:$0x8], $0x180, $0x38;
	[tilespmem:$0x127A0] =	vst v63  }
0x251: {  	s16 =	sadd.s32 $0x3A980, s13;
	s24 =	simm.s32 $0x10C10  }
0x252: {  	[hbm4b:s16+s11] =	stream.linear.scatter [tilespmem:s24], [sflag:$0x8], $0x180, $0x38;
	[tilespmem:$0x127A0] =	vst v63  }
0x253: {  	s14 =	sadd.s32 $0x445C0, s13;
	s15 =	simm.s32 $0x10D98;
	s16 =	simm.s32 $0x7  }
0x254: {  	[hbm4b:s14+s11] =	stream.linear.scatter [tilespmem:s15], [sflag:$0x8], $0x180, $0x38;
	[tilespmem:$0x127A0] =	vst v63  }
0x255: {  	_ =	swait.ge [sflag:s16], $0xC00  }
0x256: {  	[sflag:s16] =	ssyncset.done $0x0  }
0x257: {  	[sflag:s16] =	ssyncadd.s32 $0xFFFFF400  }
0x258: {  	_ =	swait.ge [sflag:s16], $0xC00  }
0x259: {  	[sflag:s16] =	ssyncset.done $0x0  }
0x25a: {  	s24 =	simm.s32 $0x8;
	[sflag:s16] =	ssyncadd.s32 $0xFFFFF400  }
0x25b: {  	_ =	swait.ge [sflag:s24], $0xC00  }
0x25c: {  	[sflag:s24] =	ssyncset.done $0x0  }
0x25d: {  	[sflag:s24] =	ssyncadd.s32 $0xFFFFF400  }
0x25e: {  	_ =	swait.ge [sflag:s24], $0xC00  }
0x25f: {  	[sflag:s24] =	ssyncset.done $0x0  }
0x260: {  	s13 =	simm.s32 $0x9;
	[sflag:s24] =	ssyncadd.s32 $0xFFFFF400  }
0x261: {  	_ =	swait.ge [sflag:s13], $0xC00  }
0x262: {  	[sflag:s13] =	ssyncset.done $0x0  }
0x263: {  	[sflag:s13] =	ssyncadd.s32 $0xFFFFF400  }
0x264: {  	_ =	swait.ge [sflag:s13], $0xC00  }
0x265: {  	s14 =	simm.s32 $0xAE20;
	[sflag:s13] =	ssyncset.done $0x0  }
0x266: {  	s15 =	simm.s32 $0x2700;
	[sflag:s13] =	ssyncadd.s32 $0xFFFFF400;
	s13 =	simm.s32 $0x10  }
0x267: {  	[tilespmem:s14], [sflag:$0x5] =	stream.indirect.gather [hbm4b:s5+s13], $0x10, s15, s13, $0xb8;
	[tilespmem:$0x127A0] =	vst v63  }
0x268: {  	s16 =	simm.s32 $0xC620;
	s24 =	simm.s32 $0x4E10  }
0x269: {  	[tilespmem:s16], [sflag:$0x6] =	stream.indirect.gather [hbm4b:s6+s13], $0x10, s24, s13, $0xb8;
	[tilespmem:$0x127A0] =	vst v63  }
0x26a: {  	_ =	swait.ge [sflag:s22], $0x100  }
0x26b: {  	[sflag:s22] =	ssyncset.done $0x0  }
0x26c: {  	[sflag:s22] =	ssyncadd.s32 $0xFFFFFF00  }
0x26d: {  	_ =	swait.ge [sflag:s23], $0x100  }
0x26e: {  	[sflag:s23] =	ssyncset.done $0x0  }
0x26f: {  	p0 =	por $0x1, $0x1;
	[sflag:s23] =	ssyncadd.s32 $0xFFFFFF00  }
.LBB2_14:
0x270: {  	s12 =	sshll.u32 s11, $0x4  }
0x271: {  	s15 =	sor.u32 $0x1, s11;
	v9 =	vld [tilespmem:s12+$0xAE20]  }
0x272: {  	v11 =	vmov s11;
	v10 =	vld [tilespmem:s12+$0xC620];
	s13 =	sshll.u32 s15, $0x4  }
0x273: {  	s14 =	sor.u32 $0x2, s11;
	s24 =	sor.u32 $0x3, s11;
	v11 =	vshrl.u32 v11, $0x3;
	v12 =	vld [tilespmem:s13+$0xAE20]  }
0x274: {  	v14 =	vmov s15;
	s16 =	sshll.u32 s14, $0x4;
	v15 =	vmov s14;
	v17 =	vmov s24;
	v13 =	vld [tilespmem:s13+$0xC620]  }
0x275: {  	s14 =	sshll.u32 s24, $0x4;
	s15 =	sor.u32 $0x4, s11;
	s24 =	sor.u32 $0x5, s11;
	v11 =	vshll.u32 v11, v1;
	v14 =	vshrl.u32 v14, $0x3;
	v16 =	vld [tilespmem:s16+$0xC620];
	v15 =	vshrl.u32 v15, $0x3  }
0x276: {  	v18 =	vld [tilespmem:s14+$0xAE20];
	v17 =	vshrl.u32 v17, $0x3;
	v20 =	vmov s15;
	v23 =	vmov s24  }
0x277: {  	v19 =	vld [tilespmem:s14+$0xC620];
	s14 =	sshll.u32 s24, $0x4;
	v11 =	vbroadcast v11, $0x0;
	v14 =	vshll.u32 v14, v1;
	v15 =	vshll.u32 v15, v1  }
0x278: {  	s24 =	sor.u32 $0x7, s11;
	v17 =	vshll.u32 v17, v1;
	v20 =	vshrl.u32 v20, $0x3;
	v22 =	vld [tilespmem:s14+$0xAE20];
	v23 =	vshrl.u32 v23, $0x3  }
0x279: {  	v24 =	vld [tilespmem:s14+$0xC620];
	v27 =	vmov s24;
	v14 =	vbroadcast v14, $0x0;
	v15 =	vbroadcast v15, $0x0  }
0x27a: {  	v57 =	vbroadcast v17, $0x0;
	v9 =	vadd.f32 v10, v9;
	v10 =	vadd.s32 v0, v11;
	v11 =	vld [tilespmem:s16+$0xAE20];
	s16 =	sshll.u32 s15, $0x4  }
0x27b: {  	v20 =	vshll.u32 v20, v1;
	v23 =	vshll.u32 v23, v1;
	v27 =	vshrl.u32 v27, $0x3;
	s15 =	sor.u32 $0x6, s11;
	v58 =	vld [tilespmem:s16+$0xAE20]  }
0x27c: {  	v20 =	vbroadcast v20, $0x0;
	v14 =	vadd.s32 v2, v14;
	s11 =	sshll.u32 s24, $0x4;
	v21 =	vld [tilespmem:s16+$0xC620];
	v25 =	vmov s15  }
0x27d: {  	v23 =	vbroadcast v23, $0x0;
	v15 =	vadd.s32 v3, v15;
	s16 =	sshll.u32 s15, $0x4;
	v29 =	vld [tilespmem:s11+$0xAE20];
	v25 =	vshrl.u32 v25, $0x3  }
0x27e: {  	v12 =	vadd.f32 v13, v12;
	v13 =	vadd.s32 v4, v57;
	v26 =	vld [tilespmem:s16+$0xAE20];
	v25 =	vshll.u32 v25, v1  }
0x27f: {  	v27 =	vshll.u32 v27, v1;
	v20 =	vadd.s32 v5, v20;
	v28 =	vld [tilespmem:s16+$0xC620];
	v25 =	vbroadcast v25, $0x0  }
0x280: {  	v59 =	vbroadcast v27, $0x0;
	[tilespmem:v10+s19+$0x0] =	vst.idx.msk $0xffff, v9;
	v9 =	vadd.f32 v16, v11;
	v10 =	vadd.s32 v6, v23;
	v11 =	vld [tilespmem:s11+$0xC620]  }
0x281: {  	v60 =	vadd.f32 v19, v18;
	[tilespmem:v14+s19+$0x0] =	vst.idx.msk $0xffff, v12;
	v61 =	vadd.s32 v7, v25  }
0x282: {  	p1 =	por p0, p0;
	v62 =	vadd.s32 v8, v59;
	[tilespmem:v15+s19+$0x0] =	vst.idx.msk $0xffff, v9;
	v9 =	vadd.f32 v21, v58  }
.Ltmp6:
0x283: {  	v63 =	vadd.f32 v24, v22;
	[tilespmem:v13+s19+$0x0] =	vst.idx.msk $0xffff, v60;
	(pc) =	sbr.rel @p1 .LBB2_14-.Ltmp6, $4  }
0x284: {  	[tilespmem:v20+s19+$0x0] =	vst.idx.msk $0xffff, v9;
	v9 =	vadd.f32 v28, v26  }
0x285: {  	[tilespmem:v10+s19+$0x0] =	vst.idx.msk $0xffff, v63;
	v10 =	vadd.f32 v11, v29  }
0x286: {  	[tilespmem:v61+s19+$0x0] =	vst.idx.msk $0xffff, v9  }
0x287: {  	p0 =	por $0x0, $0x0;
	s11 =	simm.s32 $0x8;
	[tilespmem:v62+s19+$0x0] =	vst.idx.msk $0xffff, v10  }
0x288: {  	s12 =	rddreg [dreg:$0x9]  }
0x289: {  	[hbm4b:s12+s3] =	stream.linear.scatter [tilespmem:s19], [sflag:$0xA], $0x10, $0x38;
	[tilespmem:$0x127A0] =	vst v63  }
0x28a: {  	s13 =	simm.s32 $0x110A8;
	s11 =	sadd.s32 $0x9C40, s12  }
0x28b: {  	[hbm4b:s11+s3] =	stream.linear.scatter [tilespmem:s13], [sflag:$0xA], $0x10, $0x38;
	[tilespmem:$0x127A0] =	vst v63  }
0x28c: {  	s24 =	simm.s32 $0x11230;
	s16 =	sadd.s32 $0x13880, s12  }
0x28d: {  	[hbm4b:s16+s3] =	stream.linear.scatter [tilespmem:s24], [sflag:$0xA], $0x10, $0x38;
	[tilespmem:$0x127A0] =	vst v63  }
0x28e: {  	s15 =	simm.s32 $0x113B8;
	s14 =	sadd.s32 $0x1D4C0, s12  }
0x28f: {  	[hbm4b:s14+s3] =	stream.linear.scatter [tilespmem:s15], [sflag:$0xA], $0x10, $0x38;
	[tilespmem:$0x127A0] =	vst v63  }
0x290: {  	s16 =	sadd.s32 $0x27100, s12;
	s24 =	simm.s32 $0x11540  }
0x291: {  	[hbm4b:s16+s3] =	stream.linear.scatter [tilespmem:s24], [sflag:$0xA], $0x10, $0x38;
	[tilespmem:$0x127A0] =	vst v63  }
0x292: {  	s14 =	sadd.s32 $0x30D40, s12;
	s15 =	simm.s32 $0x116C8  }
0x293: {  	[hbm4b:s14+s3] =	stream.linear.scatter [tilespmem:s15], [sflag:$0xA], $0x10, $0x38;
	[tilespmem:$0x127A0] =	vst v63  }
0x294: {  	s16 =	sadd.s32 $0x3A980, s12;
	s24 =	simm.s32 $0x11850  }
0x295: {  	[hbm4b:s16+s3] =	stream.linear.scatter [tilespmem:s24], [sflag:$0xA], $0x10, $0x38;
	[tilespmem:$0x127A0] =	vst v63  }
0x296: {  	s13 =	simm.s32 $0x119D8;
	s12 =	sadd.s32 $0x445C0, s12  }
0x297: {  	[hbm4b:s12+s3] =	stream.linear.scatter [tilespmem:s13], [sflag:$0xA], $0x10, $0x38;
	[tilespmem:$0x127A0] =	vst v63  }
0x298: {  	s13 =	simm.s32 $0xA  }
0x299: {  	_ =	swait.ge [sflag:s13], $0x80  }
0x29a: {  	[sflag:s13] =	ssyncset.done $0x0  }
0x29b: {  	s14 =	simm.s32 $0x11B60;
	s12 =	rddreg [dreg:$0xa];
	[sflag:s13] =	ssyncadd.s32 $0xFFFFFF80  }
0x29c: {  	[hbm4b:s12+s3] =	stream.linear.scatter [tilespmem:s14], [sflag:$0xA], $0x10, $0x38;
	[tilespmem:$0x127A0] =	vst v63  }
0x29d: {  	s15 =	sadd.s32 $0x9C40, s12;
	s14 =	simm.s32 $0x11CE8  }
0x29e: {  	[hbm4b:s15+s3] =	stream.linear.scatter [tilespmem:s14], [sflag:$0xA], $0x10, $0x38;
	[tilespmem:$0x127A0] =	vst v63  }
0x29f: {  	s24 =	simm.s32 $0x11E70;
	s16 =	sadd.s32 $0x13880, s12  }
0x2a0: {  	[hbm4b:s16+s3] =	stream.linear.scatter [tilespmem:s24], [sflag:$0xA], $0x10, $0x38;
	[tilespmem:$0x127A0] =	vst v63  }
0x2a1: {  	s15 =	sadd.s32 $0x1D4C0, s12  }
0x2a2: {  	[hbm4b:s15+s3] =	stream.linear.scatter [tilespmem:s8], [sflag:$0xA], $0x10, $0x38;
	[tilespmem:$0x127A0] =	vst v63  }
0x2a3: {  	s16 =	sadd.s32 $0x27100, s12  }
0x2a4: {  	[hbm4b:s16+s3] =	stream.linear.scatter [tilespmem:s29], [sflag:$0xA], $0x10, $0x38;
	[tilespmem:$0x127A0] =	vst v63  }
0x2a5: {  	s24 =	sadd.s32 $0x30D40, s12  }
0x2a6: {  	[hbm4b:s24+s3] =	stream.linear.scatter [tilespmem:s9], [sflag:$0xA], $0x10, $0x38;
	[tilespmem:$0x127A0] =	vst v63  }
0x2a7: {  	s14 =	sadd.s32 $0x3A980, s12  }
0x2a8: {  	[hbm4b:s14+s3] =	stream.linear.scatter [tilespmem:s21], [sflag:$0xA], $0x10, $0x38;
	[tilespmem:$0x127A0] =	vst v63  }
0x2a9: {  	s15 =	sadd.s32 $0x445C0, s12  }
0x2aa: {  	[hbm4b:s15+s3] =	stream.linear.scatter [tilespmem:s1], [sflag:$0xA], $0x10, $0x38;
	[tilespmem:$0x127A0] =	vst v63  }
0x2ab: {  	_ =	swait.ge [sflag:s13], $0x80  }
0x2ac: {  	s16 =	rddreg [dreg:$0xc]  }
0x2ad: {  	s24 =	rddreg [dreg:$0xb];
	s12 =	sadd.s32 $0x1, s16  }
0x2ae: {  	p0 =	sne.s32 s12, s24  }
.Ltmp7:
0x2af: {  	_ = 	snop;
	(pc) =	sbr.rel @p0 .LBB2_1-.Ltmp7, $3  }
0x2b0: {  	_ =	sdelay $0x1  }
0x2b1: {  	[sflag:s13] =	ssyncset.done $0x0  }
0x2b2: {  	[sflag:s13] =	ssyncadd.s32 $0xFFFFFF80  }
0x2b3: {  	_ =	sfence.sel $0x180000  }
0x2b4: {  	[bflag:$0x0] =	sbarrier.arrive $0xFFFF  }
0x2b5: {  	_ =	strace $0x90000047  }
0x2b6: {  	s0 =	stileid.u32;
	[bflag:$0x2] =	sbarrier.arrive $0xFFFF  }
0x2b7: {  	p0 =	sne.s32 s0, $0x0;
	s0 =	rddreg [dreg:$0x2]  }
0x2b8: {  	s0 =	sadd.s32 @!p0 $0x100000, s0  }
0x2b9: {  	[sflag:s0] =	ssyncadd.tile.s32 @!p0 $0x1;
	_ =	shalt  }
.Lfunc_end2:
_tile_overlayer_lowered:
.L_overlay_start_2:
0x2ba: {  	(tag) =	ssettag $0x2  }
0x2bb: {  	s0 =	rddreg [dreg:$0x0];
	s2 =	stileid.u32  }
0x2bc: {  	s1 =	rddreg [dreg:$0x1];
	p0 =	sne.s32 s2, $0x0  }
0x2bd: {  	s3 =	rddreg [dreg:$0x2];
	[bflag:$0x3] =	sbarrier.arrive $0xFFFF;
	s2 =	simm.s32 @!p0 $0x1C0A  }
0x2be: {  	[timem:s3], [sflag:s2] =	dma.local @!p0 [hbm:s0], s1  }
0x2bf: {  	s0 =	simm.s32 @!p0 $0xA  }
0x2c0: {  	_ =	swait.ge @!p0 [sflag:s0], s1  }
0x2c1: {  	s1 =	ssub.s32 @!p0 $0x0, s1;
	[sflag:s0] =	ssyncset.done @!p0 $0x0  }
0x2c2: {  	[sflag:s0] =	ssyncadd.s32 @!p0 s1  }
0x2c3: {  	[bflag:$0x3] =	sbarrier.arrive $0xFFFF  }
0x2c4: {  	_ =	shalt  }

</sc_bundles>
